<compile_context>
chip_gen: v7x
topology: tpu7x:2x2x1
jax: 0.10.2.dev20260603
libtpu: 0.0.44.dev20260713+nightly
codegen_flags: <defaults>
</compile_context>

<pallas_src>
import functools

import jax
import jax.numpy as jnp
from jax import lax
from jax.experimental import pallas as pl
from jax.experimental.pallas import tpu as pltpu
from jax.experimental.pallas import tpu_sc as plsc

N = 10000
D = 128
E = 320000
BR = 512
NPAD = 10240
NW = 32
CHUNK = 128
NCHUNK = 80
EPAD = NW * NCHUNK * CHUNK
RPS = NPAD // 16

_mesh = plsc.VectorSubcoreMesh(core_axis_name="c", subcore_axis_name="s")



@functools.partial(
    pl.kernel,
    mesh=_mesh,
    out_type=jax.ShapeDtypeStruct((2, NPAD, D), jnp.float32),
    scratch_types=[
        pltpu.VMEM((NCHUNK, CHUNK), jnp.int32),
        pltpu.VMEM((CHUNK, D), jnp.float32),
        pltpu.VMEM_SHARED((NPAD, D), jnp.float32),
    ],
)
def _sc_count(dst_hbm, ones_hbm, zeros_hbm, out_hbm, dst_v, ones_v, acc):
    c = lax.axis_index("c")
    s = lax.axis_index("s")
    w = c * 16 + s
    pltpu.sync_copy(zeros_hbm, acc.at[pl.ds(s * RPS, RPS), :])
    pltpu.sync_copy(ones_hbm, ones_v)
    pltpu.sync_copy(dst_hbm.at[pl.ds(w * NCHUNK, NCHUNK), :], dst_v)
    plsc.subcore_barrier()

    def body(j, carry):
        pltpu.sync_copy(ones_v, acc.at[dst_v.at[j]], add=True)
        return carry

    lax.fori_loop(0, NCHUNK, body, 0)
    plsc.subcore_barrier()
    pltpu.sync_copy(acc.at[pl.ds(s * RPS, RPS), :],
                    out_hbm.at[c, pl.ds(s * RPS, RPS), :])


SB = 16
C0CH = 152
C1CH = 8


@functools.partial(
    pl.kernel,
    mesh=_mesh,
    out_type=jax.ShapeDtypeStruct((2, NPAD, D), jnp.float32),
    scratch_types=(
        [pltpu.VMEM((SB, CHUNK), jnp.int32)] * 2
        + [pltpu.VMEM((CHUNK, D), jnp.float32)] * 2
        + [pltpu.SemaphoreType.DMA] * 5
        + [pltpu.VMEM_SHARED((NPAD, D), jnp.float32)]
    ),
)
def _sc_aggregate(hp_hbm, src_hbm, dst_hbm, zeros_hbm, out_hbm,
                  src_sb, dst_sb, rows0, rows1,
                  isem, gsem0, gsem1, ssem0, ssem1, acc):
    c = lax.axis_index("c")
    s = lax.axis_index("s")
    nch = jnp.where(c == 0, C0CH, C1CH)
    tile_row = pl.multiple_of(
        jnp.where(c == 0, s * C0CH, 16 * C0CH + s * C1CH), 8)
    npair = nch // 2
    pltpu.sync_copy(zeros_hbm, acc.at[pl.ds(s * RPS, RPS), :])
    pltpu.async_copy(src_hbm.at[pl.ds(tile_row, 8), :],
                     src_sb.at[pl.ds(0, 8), :], isem)
    pltpu.async_copy(dst_hbm.at[pl.ds(tile_row, 8), :],
                     dst_sb.at[pl.ds(0, 8), :], isem)
    plsc.subcore_barrier()

    slots = ((rows0, gsem0, ssem0), (rows1, gsem1, ssem1))

    def _drain_scatter(b):
        rows, _, ssem = slots[b]
        pltpu.make_async_copy(rows, acc.at[dst_sb.at[0]], ssem).wait()

    def _wait_isem():
        for sb in (src_sb, dst_sb):
            pltpu.make_async_copy(src_hbm.at[pl.ds(0, 8), :],
                                  sb.at[pl.ds(0, 8), :], isem).wait()

    def pair(t, carry):
        at_sup = lax.rem(t, 4) == 0

        @pl.when(at_sup & (t > 0))
        def _():
            _drain_scatter(0)
            _drain_scatter(1)

        @pl.when(at_sup)
        def _():
            _wait_isem()

        @pl.when(at_sup & (t < npair - 4))
        def _():
            u1 = t // 4 + 1
            hrow = pl.multiple_of(tile_row + u1 * 8, 8)
            vrow = pl.multiple_of(lax.rem(u1, 2) * 8, 8)
            pltpu.async_copy(src_hbm.at[pl.ds(hrow, 8), :],
                             src_sb.at[pl.ds(vrow, 8), :], isem)
            pltpu.async_copy(dst_hbm.at[pl.ds(hrow, 8), :],
                             dst_sb.at[pl.ds(vrow, 8), :], isem)

        @pl.when(~at_sup)
        def _():
            _drain_scatter(0)
            _drain_scatter(1)

        for b in range(2):
            rows, gsem, _ = slots[b]
            r = lax.rem(2 * t + b, SB)
            pltpu.async_copy(hp_hbm.at[src_sb.at[r]], rows, gsem)
        for b in range(2):
            rows, gsem, ssem = slots[b]
            r = lax.rem(2 * t + b, SB)
            pltpu.make_async_copy(hp_hbm.at[src_sb.at[r]], rows, gsem).wait()
            pltpu.async_copy(rows, acc.at[dst_sb.at[r]], ssem, add=True)
        return carry

    lax.fori_loop(0, npair, pair, 0)
    _drain_scatter(0)
    _drain_scatter(1)
    plsc.subcore_barrier()
    pltpu.sync_copy(acc.at[pl.ds(s * RPS, RPS), :],
                    out_hbm.at[c, pl.ds(s * RPS, RPS), :])



def _t1_body(x_ref, w_ref, degs_ref, hp_ref, dis_ref):
    i = pl.program_id(0)
    deg = degs_ref[0, :, 0:1] + degs_ref[1, :, 0:1] + 1.0
    row = lax.broadcasted_iota(jnp.int32, (BR, 1), 0) + i * BR
    dis = jnp.where(row < N, lax.rsqrt(deg), 0.0)
    h = jnp.dot(x_ref[...], w_ref[...], preferred_element_type=jnp.float32)
    hp_ref[...] = dis * h
    dis_ref[...] = dis


def _t1(x, w, degs):
    return pl.pallas_call(
        _t1_body,
        grid=(NPAD // BR,),
        in_specs=[
            pl.BlockSpec((BR, D), lambda i: (i, 0)),
            pl.BlockSpec((D, D), lambda i: (0, 0)),
            pl.BlockSpec((2, BR, D), lambda i: (0, i, 0)),
        ],
        out_specs=[
            pl.BlockSpec((BR, D), lambda i: (i, 0)),
            pl.BlockSpec((BR, 1), lambda i: (i, 0)),
        ],
        out_shape=[
            jax.ShapeDtypeStruct((NPAD, D), jnp.float32),
            jax.ShapeDtypeStruct((NPAD, 1), jnp.float32),
        ],
    )(x, w, degs)


def _tmid_body(p_ref, hp_ref, dis_ref, b_ref, w_ref, out_ref):
    dis = dis_ref[...]
    a = p_ref[0] + p_ref[1] + hp_ref[...]
    a = jnp.maximum(dis * a + b_ref[...], 0.0)
    out_ref[...] = dis * jnp.dot(a, w_ref[...],
                                 preferred_element_type=jnp.float32)


def _tmid(p, hp, dis, b, w):
    return pl.pallas_call(
        _tmid_body,
        grid=(NPAD // BR,),
        in_specs=[
            pl.BlockSpec((2, BR, D), lambda i: (0, i, 0)),
            pl.BlockSpec((BR, D), lambda i: (i, 0)),
            pl.BlockSpec((BR, 1), lambda i: (i, 0)),
            pl.BlockSpec((1, D), lambda i: (0, 0)),
            pl.BlockSpec((D, D), lambda i: (0, 0)),
        ],
        out_specs=pl.BlockSpec((BR, D), lambda i: (i, 0)),
        out_shape=jax.ShapeDtypeStruct((NPAD, D), jnp.float32),
    )(p, hp, dis, b, w)


def _t4_body(p_ref, hp_ref, dis_ref, b_ref, wfc_ref, bfc_ref, out_ref,
             acc_ref):
    i = pl.program_id(0)
    dis = dis_ref[...]
    a = p_ref[0] + p_ref[1] + hp_ref[...]
    a = jnp.maximum(dis * a + b_ref[...], 0.0)
    row = lax.broadcasted_iota(jnp.int32, (BR, 1), 0) + i * BR
    a = jnp.where(row < N, a, 0.0)
    part = jnp.sum(a, axis=0, keepdims=True)

    @pl.when(i == 0)
    def _():
        acc_ref[...] = part

    @pl.when(i > 0)
    def _():
        acc_ref[...] = acc_ref[...] + part

    @pl.when(i == pl.num_programs(0) - 1)
    def _():
        m = acc_ref[...] * (1.0 / N)
        logits = jnp.dot(m, wfc_ref[...],
                         preferred_element_type=jnp.float32) + bfc_ref[...]
        z = logits - jnp.max(logits, axis=-1, keepdims=True)
        e = jnp.exp(z)
        out_ref[...] = e / jnp.sum(e, axis=-1, keepdims=True)


def _t4(p, hp, dis, b, wfc, bfc):
    return pl.pallas_call(
        _t4_body,
        grid=(NPAD // BR,),
        in_specs=[
            pl.BlockSpec((2, BR, D), lambda i: (0, i, 0)),
            pl.BlockSpec((BR, D), lambda i: (i, 0)),
            pl.BlockSpec((BR, 1), lambda i: (i, 0)),
            pl.BlockSpec((1, D), lambda i: (0, 0)),
            pl.BlockSpec((D, 4), lambda i: (0, 0)),
            pl.BlockSpec((1, 4), lambda i: (0, 0)),
        ],
        out_specs=pl.BlockSpec((1, 4), lambda i: (0, 0)),
        out_shape=jax.ShapeDtypeStruct((1, 4), jnp.float32),
        scratch_shapes=[pltpu.VMEM((1, D), jnp.float32)],
    )(p, hp, dis, b, wfc, bfc)



def kernel(x, edge_index, W1, b1, W2, b2, W3, b3, Wfc, bfc):
    src = edge_index[0].astype(jnp.int32)
    dst = edge_index[1].astype(jnp.int32)
    pad = jnp.full((EPAD - E,), N, dtype=jnp.int32)
    src2d = jnp.concatenate([src, pad]).reshape(NW * NCHUNK, CHUNK)
    dst2d = jnp.concatenate([dst, pad]).reshape(NW * NCHUNK, CHUNK)
    xp = jnp.zeros((NPAD, D), jnp.float32).at[:N].set(x)

    onesC = jnp.ones((CHUNK, D), jnp.float32)
    zerosD = jnp.zeros((RPS, D), jnp.float32)

    degs = _sc_count(dst2d, onesC, zerosD)
    hp1, dis = _t1(xp, W1, degs)
    p1 = _sc_aggregate(hp1, src2d, dst2d, zerosD)
    hp2 = _tmid(p1, hp1, dis, b1.reshape(1, D), W2)
    p2 = _sc_aggregate(hp2, src2d, dst2d, zerosD)
    hp3 = _tmid(p2, hp2, dis, b2.reshape(1, D), W3)
    p3 = _sc_aggregate(hp3, src2d, dst2d, zerosD)
    return _t4(p3, hp3, dis, b3.reshape(1, D), Wfc, bfc.reshape(1, 4))

# --- scband reference (transcript-rebuilt; emitter-appended) ---
"""Pipeline reference for scband-policy-network-53326313947485 (READ-ONLY COPY).

The authoritative reference and input builder live on the scoring server;
editing this copy changes nothing except your own understanding.
"""

import jax, jax.numpy as jnp
import numpy as np

N_NODES = 10000
N_EDGES = 320000
D_IN = 128
D_HID = 128


def setup_inputs(seed: int = 0) -> dict:
    key = jax.random.key(seed)
    ks = jax.random.split(key, 12)
    x = jax.random.normal(ks[0], (N_NODES, D_IN), dtype=jnp.float32)
    edge_index = jax.random.randint(ks[1], (2, N_EDGES), 0, N_NODES, dtype=jnp.int64)
    def glorot(k, fan_in, fan_out):
        lim = float(np.sqrt(6.0 / (fan_in + fan_out)))
        return jax.random.uniform(k, (fan_in, fan_out), dtype=jnp.float32, minval=-lim, maxval=lim)
    W1 = glorot(ks[2], D_IN, D_HID)
    b1 = jnp.zeros((D_HID,), dtype=jnp.float32)
    W2 = glorot(ks[3], D_HID, D_HID)
    b2 = jnp.zeros((D_HID,), dtype=jnp.float32)
    W3 = glorot(ks[4], D_HID, D_HID)
    b3 = jnp.zeros((D_HID,), dtype=jnp.float32)
    Wfc = glorot(ks[5], D_HID, 4)
    bfc = jnp.zeros((4,), dtype=jnp.float32)
    return {"x": x, "edge_index": edge_index, "W1": W1, "b1": b1, "W2": W2, "b2": b2, "W3": W3, "b3": b3, "Wfc": Wfc, "bfc": bfc}


def _gcn_conv(x, src, dst, W, b, n_nodes):
    # GCNConv: D^{-1/2} (A + I) D^{-1/2} X W + b  (self-loops added)
    sl = jnp.arange(n_nodes, dtype=src.dtype)
    src_f = jnp.concatenate([src, sl])
    dst_f = jnp.concatenate([dst, sl])
    ones = jnp.ones(dst_f.shape[0], dtype=x.dtype)
    deg = jax.ops.segment_sum(ones, dst_f, num_segments=n_nodes)
    deg_inv_sqrt = jnp.where(deg > 0, 1.0 / jnp.sqrt(deg), 0.0)
    norm = deg_inv_sqrt[src_f] * deg_inv_sqrt[dst_f]
    h = x @ W
    msg = h[src_f] * norm[:, None]
    out = jax.ops.segment_sum(msg, dst_f, num_segments=n_nodes)
    return out + b


def reference(x, edge_index, W1, b1, W2, b2, W3, b3, Wfc, bfc):
    n = x.shape[0]
    src = edge_index[0]
    dst = edge_index[1]
    h = jax.nn.relu(_gcn_conv(x, src, dst, W1, b1, n))
    h = jax.nn.relu(_gcn_conv(h, src, dst, W2, b2, n))
    h = jax.nn.relu(_gcn_conv(h, src, dst, W3, b3, n))
    h = jnp.mean(h, axis=0, keepdims=True)
    logits = h @ Wfc + bfc
    return jax.nn.softmax(logits, axis=-1)

if __name__ == "__main__":
    import jax
    _d = setup_inputs()
    print(jax.jit(kernel)(*tuple(_d.values())))

</pallas_src>

<mosaic_0001>
#map = affine_map<(d0, d1) -> (0, 0)>
#map1 = affine_map<(d0, d1) -> (0, 0, 0)>
module attributes {stable_mosaic.version = 14 : i64} {
  func.func @_sc_aggregate(%arg0: i32, %arg1: i32, %arg2: memref<10240x128xf32, #tpu.memory_space<hbm>>, %arg3: memref<2560x128xi32, #tpu.memory_space<hbm>>, %arg4: memref<2560x128xi32, #tpu.memory_space<hbm>>, %arg5: memref<640x128xf32, #tpu.memory_space<hbm>>, %arg6: memref<2x10240x128xf32, #tpu.memory_space<hbm>>, %arg7: memref<16x128xi32, #tpu.memory_space<vmem>>, %arg8: memref<16x128xi32, #tpu.memory_space<vmem>>, %arg9: memref<128x128xf32, #tpu.memory_space<vmem>>, %arg10: memref<128x128xf32, #tpu.memory_space<vmem>>, %arg11: memref<!tpu.dma_semaphore, #tpu.memory_space<semaphore_mem>>, %arg12: memref<!tpu.dma_semaphore, #tpu.memory_space<semaphore_mem>>, %arg13: memref<!tpu.dma_semaphore, #tpu.memory_space<semaphore_mem>>, %arg14: memref<!tpu.dma_semaphore, #tpu.memory_space<semaphore_mem>>, %arg15: memref<!tpu.dma_semaphore, #tpu.memory_space<semaphore_mem>>, %arg16: memref<10240x128xf32, #tpu.memory_space<vmem_shared>>) attributes {dimension_semantics = [#tpu.dimension_semantics<core_parallel>, #tpu.dimension_semantics<subcore_parallel>], iteration_bounds = array<i64: 2, 16>, scalar_prefetch = 0 : i64, scratch_operands = 10 : i64, tpu.core_type = #tpu.core_type<sc_vector_subcore>, window_params = [{transform_indices = #map}, {transform_indices = #map}, {transform_indices = #map}, {transform_indices = #map}, {transform_indices = #map1}]} {
    %eq3A = arith.constant 0 : i32
    %eq3A_0 = arith.cmpi eq, %arg0, %eq3A : i32
    %jit3A = arith.constant 152 : i32
    %jit3A_1 = arith.constant 8 : i32
    %select_n3A = arith.select %eq3A_0, %jit3A, %jit3A_1 : i32
    %eq3A_2 = arith.constant 0 : i32
    %eq3A_3 = arith.cmpi eq, %arg0, %eq3A_2 : i32
    %mul3A = arith.constant 152 : i32
    %mul3A_4 = arith.muli %arg1, %mul3A : i32
    %mul3A_5 = arith.constant 8 : i32
    %mul3A_6 = arith.muli %arg1, %mul3A_5 : i32
    %add3A = arith.constant 2432 : i32
    %add3A_7 = arith.addi %add3A, %mul3A_6 : i32
    %select_n3A_8 = arith.select %eq3A_3, %mul3A_4, %add3A_7 : i32
    %multiple_of3A = tpu.assume_multiple %select_n3A_8, 8 : i32
    %jit3A_9 = arith.constant 2 : i32
    %div3A = arith.divsi %select_n3A, %jit3A_9 : i32
    %sign3A = arith.constant 0 : i32
    %sign3A_10 = arith.cmpi sgt, %select_n3A, %sign3A : i32
    %sign3A_11 = arith.extui %sign3A_10 : i1 to i32
    %sign3A_12 = arith.constant 0 : i32
    %sign3A_13 = arith.cmpi slt, %select_n3A, %sign3A_12 : i32
    %sign3A_14 = arith.extui %sign3A_13 : i1 to i32
    %sign3A_15 = arith.subi %sign3A_11, %sign3A_14 : i32
    %sign3A_16 = arith.constant 0 : i32
    %sign3A_17 = arith.cmpi sgt, %jit3A_9, %sign3A_16 : i32
    %sign3A_18 = arith.extui %sign3A_17 : i1 to i32
    %sign3A_19 = arith.constant 0 : i32
    %sign3A_20 = arith.cmpi slt, %jit3A_9, %sign3A_19 : i32
    %sign3A_21 = arith.extui %sign3A_20 : i1 to i32
    %sign3A_22 = arith.subi %sign3A_18, %sign3A_21 : i32
    %ne3A = arith.cmpi ne, %sign3A_15, %sign3A_22 : i32
    %rem3A = arith.remsi %select_n3A, %jit3A_9 : i32
    %ne3A_23 = arith.constant 0 : i32
    %ne3A_24 = arith.cmpi ne, %rem3A, %ne3A_23 : i32
    %and3A = arith.andi %ne3A, %ne3A_24 : i1
    %sub3A = arith.constant 1 : i32
    %sub3A_25 = arith.subi %div3A, %sub3A : i32
    %select_n3A_26 = arith.select %and3A, %sub3A_25, %div3A : i32
    %mul3A_27 = arith.constant 640 : i32
    %mul3A_28 = arith.muli %arg1, %mul3A_27 : i32
    "tpu.region"() ({
      %run_scoped3A = tpu.sem_alloc : memref<!tpu.dma_semaphore, #tpu.memory_space<semaphore_mem>>
      %dma_start3A_75 = arith.constant 0 : i32
      %dma_start3A_76 = tpu.memref_slice %arg16[%mul3A_28, %dma_start3A_75] : memref<10240x128xf32, #tpu.memory_space<vmem_shared>> -> memref<640x128xf32, #tpu.memory_space<vmem_shared>>
      tpu.enqueue_dma source(%arg5 : memref<640x128xf32, #tpu.memory_space<hbm>>) target(%dma_start3A_76 : memref<640x128xf32, #tpu.memory_space<vmem_shared>>) target_semaphore(%run_scoped3A : memref<!tpu.dma_semaphore, #tpu.memory_space<semaphore_mem>>)
      %dma_wait3A_77 = arith.constant 0 : i32
      %dma_wait3A_78 = tpu.memref_slice %arg16[%mul3A_28, %dma_wait3A_77] : memref<10240x128xf32, #tpu.memory_space<vmem_shared>> -> memref<640x128xf32, #tpu.memory_space<vmem_shared>>
      tpu.wait_dma2 semaphore(%run_scoped3A : memref<!tpu.dma_semaphore, #tpu.memory_space<semaphore_mem>>) src(%arg5 : memref<640x128xf32, #tpu.memory_space<hbm>>) dst(%dma_wait3A_78 : memref<640x128xf32, #tpu.memory_space<vmem_shared>>)
      tpu.yield
    }) : () -> ()
    %dma_start3A = arith.constant 0 : i32
    %dma_start3A_29 = arith.constant 0 : i32
    %dma_start3A_30 = tpu.memref_slice %arg7[%dma_start3A, %dma_start3A_29] : memref<16x128xi32, #tpu.memory_space<vmem>> -> memref<8x128xi32, #tpu.memory_space<vmem>>
    %dma_start3A_31 = arith.constant 0 : i32
    %dma_start3A_32 = tpu.memref_slice %arg3[%multiple_of3A, %dma_start3A_31] : memref<2560x128xi32, #tpu.memory_space<hbm>> -> memref<8x128xi32, #tpu.memory_space<hbm>>
    %dma_start3A_33 = arith.constant 0 : i32
    %dma_start3A_34 = arith.constant 0 : i32
    %dma_start3A_35 = tpu.memref_slice %arg7[%dma_start3A_33, %dma_start3A_34] : memref<16x128xi32, #tpu.memory_space<vmem>> -> memref<8x128xi32, #tpu.memory_space<vmem>>
    %dma_start3A_36 = arith.constant 0 : i32
    %dma_start3A_37 = tpu.memref_slice %arg3[%multiple_of3A, %dma_start3A_36] : memref<2560x128xi32, #tpu.memory_space<hbm>> -> memref<8x128xi32, #tpu.memory_space<hbm>>
    tpu.enqueue_dma source(%dma_start3A_37 : memref<8x128xi32, #tpu.memory_space<hbm>>) target(%dma_start3A_35 : memref<8x128xi32, #tpu.memory_space<vmem>>) target_semaphore(%arg11 : memref<!tpu.dma_semaphore, #tpu.memory_space<semaphore_mem>>)
    %dma_start3A_38 = arith.constant 0 : i32
    %dma_start3A_39 = arith.constant 0 : i32
    %dma_start3A_40 = tpu.memref_slice %arg8[%dma_start3A_38, %dma_start3A_39] : memref<16x128xi32, #tpu.memory_space<vmem>> -> memref<8x128xi32, #tpu.memory_space<vmem>>
    %dma_start3A_41 = arith.constant 0 : i32
    %dma_start3A_42 = tpu.memref_slice %arg4[%multiple_of3A, %dma_start3A_41] : memref<2560x128xi32, #tpu.memory_space<hbm>> -> memref<8x128xi32, #tpu.memory_space<hbm>>
    %dma_start3A_43 = arith.constant 0 : i32
    %dma_start3A_44 = arith.constant 0 : i32
    %dma_start3A_45 = tpu.memref_slice %arg8[%dma_start3A_43, %dma_start3A_44] : memref<16x128xi32, #tpu.memory_space<vmem>> -> memref<8x128xi32, #tpu.memory_space<vmem>>
    %dma_start3A_46 = arith.constant 0 : i32
    %dma_start3A_47 = tpu.memref_slice %arg4[%multiple_of3A, %dma_start3A_46] : memref<2560x128xi32, #tpu.memory_space<hbm>> -> memref<8x128xi32, #tpu.memory_space<hbm>>
    tpu.enqueue_dma source(%dma_start3A_47 : memref<8x128xi32, #tpu.memory_space<hbm>>) target(%dma_start3A_45 : memref<8x128xi32, #tpu.memory_space<vmem>>) target_semaphore(%arg11 : memref<!tpu.dma_semaphore, #tpu.memory_space<semaphore_mem>>)
    %barrier3A = arith.constant 0 : index
    tpu.barrier barrier_id(%barrier3A)
    %while3A = arith.constant 0 : i32
    %while3A_48 = arith.constant 0 : i32
    %while3A_49 = arith.subi %select_n3A_26, %while3A_48 : i32
    %while3A_50 = arith.addi %while3A_48, %while3A_49 : i32
    %while3A_51 = arith.constant 1 : i32
    %while3A_52 = arith.divsi %while3A_49, %while3A_51 : i32
    %while3A_53 = arith.muli %while3A_52, %while3A_51 : i32
    %while3A_54 = arith.addi %while3A_48, %while3A_53 : i32
    %while3A_55 = arith.constant 1 : i32
    scf.for %while3A_75 = %while3A_48 to %while3A_54 step %while3A_55  : i32 {
      %rem3A_76 = arith.constant 4 : i32
      %rem3A_77 = arith.remsi %while3A_75, %rem3A_76 : i32
      %eq3A_78 = arith.constant 0 : i32
      %eq3A_79 = arith.cmpi eq, %rem3A_77, %eq3A_78 : i32
      %gt3A = arith.constant 0 : i32
      %gt3A_80 = arith.cmpi sgt, %while3A_75, %gt3A : i32
      %and3A_81 = arith.andi %eq3A_79, %gt3A_80 : i1
      %convert_element_type3A = arith.extui %and3A_81 : i1 to i32
      %cond3A = arith.constant 0 : i32
      %cond3A_82 = arith.cmpi ne, %convert_element_type3A, %cond3A : i32
      scf.if %cond3A_82 {
        %dma_wait3A_156 = arith.constant 0 : i32
        %dma_wait3A_157 = arith.constant 0 : i32
        %dma_wait3A_158 = tpu.memref_slice %arg8[%dma_wait3A_156, %dma_wait3A_157] : memref<16x128xi32, #tpu.memory_space<vmem>> -> memref<1x128xi32, #tpu.memory_space<vmem>>
        %dma_wait3A_159 = tpu.memref_squeeze %dma_wait3A_158 : memref<1x128xi32, #tpu.memory_space<vmem>> -> memref<128xi32, #tpu.memory_space<vmem>>
        %dma_wait3A_160 = arith.constant 0 : i32
        %dma_wait3A_161 = arith.constant 0 : i32
        %dma_wait3A_162 = tpu.memref_slice %arg16[%dma_wait3A_160, %dma_wait3A_161] : memref<10240x128xf32, #tpu.memory_space<vmem_shared>> -> memref<10240x128xf32, #tpu.memory_space<vmem_shared>>
        tpu.wait_indirect_dma semaphore(%arg14 : memref<!tpu.dma_semaphore, #tpu.memory_space<semaphore_mem>>) src(%arg9 : memref<128x128xf32, #tpu.memory_space<vmem>>) dst(%dma_wait3A_162 : memref<10240x128xf32, #tpu.memory_space<vmem_shared>>)
        %dma_wait3A_163 = arith.constant 0 : i32
        %dma_wait3A_164 = arith.constant 0 : i32
        %dma_wait3A_165 = tpu.memref_slice %arg8[%dma_wait3A_163, %dma_wait3A_164] : memref<16x128xi32, #tpu.memory_space<vmem>> -> memref<1x128xi32, #tpu.memory_space<vmem>>
        %dma_wait3A_166 = tpu.memref_squeeze %dma_wait3A_165 : memref<1x128xi32, #tpu.memory_space<vmem>> -> memref<128xi32, #tpu.memory_space<vmem>>
        %dma_wait3A_167 = arith.constant 0 : i32
        %dma_wait3A_168 = arith.constant 0 : i32
        %dma_wait3A_169 = tpu.memref_slice %arg16[%dma_wait3A_167, %dma_wait3A_168] : memref<10240x128xf32, #tpu.memory_space<vmem_shared>> -> memref<10240x128xf32, #tpu.memory_space<vmem_shared>>
        tpu.wait_indirect_dma semaphore(%arg15 : memref<!tpu.dma_semaphore, #tpu.memory_space<semaphore_mem>>) src(%arg10 : memref<128x128xf32, #tpu.memory_space<vmem>>) dst(%dma_wait3A_169 : memref<10240x128xf32, #tpu.memory_space<vmem_shared>>)
      } else {
      }
      %convert_element_type3A_83 = arith.extui %eq3A_79 : i1 to i32
      %cond3A_84 = arith.constant 0 : i32
      %cond3A_85 = arith.cmpi ne, %convert_element_type3A_83, %cond3A_84 : i32
      scf.if %cond3A_85 {
        %dma_wait3A_156 = arith.constant 0 : i32
        %dma_wait3A_157 = arith.constant 0 : i32
        %dma_wait3A_158 = tpu.memref_slice %arg7[%dma_wait3A_156, %dma_wait3A_157] : memref<16x128xi32, #tpu.memory_space<vmem>> -> memref<8x128xi32, #tpu.memory_space<vmem>>
        %dma_wait3A_159 = arith.constant 0 : i32
        %dma_wait3A_160 = arith.constant 0 : i32
        %dma_wait3A_161 = tpu.memref_slice %arg3[%dma_wait3A_159, %dma_wait3A_160] : memref<2560x128xi32, #tpu.memory_space<hbm>> -> memref<8x128xi32, #tpu.memory_space<hbm>>
        %dma_wait3A_162 = arith.constant 0 : i32
        %dma_wait3A_163 = arith.constant 0 : i32
        %dma_wait3A_164 = tpu.memref_slice %arg7[%dma_wait3A_162, %dma_wait3A_163] : memref<16x128xi32, #tpu.memory_space<vmem>> -> memref<8x128xi32, #tpu.memory_space<vmem>>
        %dma_wait3A_165 = arith.constant 0 : i32
        %dma_wait3A_166 = arith.constant 0 : i32
        %dma_wait3A_167 = tpu.memref_slice %arg3[%dma_wait3A_165, %dma_wait3A_166] : memref<2560x128xi32, #tpu.memory_space<hbm>> -> memref<8x128xi32, #tpu.memory_space<hbm>>
        tpu.wait_dma2 semaphore(%arg11 : memref<!tpu.dma_semaphore, #tpu.memory_space<semaphore_mem>>) src(%dma_wait3A_167 : memref<8x128xi32, #tpu.memory_space<hbm>>) dst(%dma_wait3A_164 : memref<8x128xi32, #tpu.memory_space<vmem>>)
        %dma_wait3A_168 = arith.constant 0 : i32
        %dma_wait3A_169 = arith.constant 0 : i32
        %dma_wait3A_170 = tpu.memref_slice %arg8[%dma_wait3A_168, %dma_wait3A_169] : memref<16x128xi32, #tpu.memory_space<vmem>> -> memref<8x128xi32, #tpu.memory_space<vmem>>
        %dma_wait3A_171 = arith.constant 0 : i32
        %dma_wait3A_172 = arith.constant 0 : i32
        %dma_wait3A_173 = tpu.memref_slice %arg3[%dma_wait3A_171, %dma_wait3A_172] : memref<2560x128xi32, #tpu.memory_space<hbm>> -> memref<8x128xi32, #tpu.memory_space<hbm>>
        %dma_wait3A_174 = arith.constant 0 : i32
        %dma_wait3A_175 = arith.constant 0 : i32
        %dma_wait3A_176 = tpu.memref_slice %arg8[%dma_wait3A_174, %dma_wait3A_175] : memref<16x128xi32, #tpu.memory_space<vmem>> -> memref<8x128xi32, #tpu.memory_space<vmem>>
        %dma_wait3A_177 = arith.constant 0 : i32
        %dma_wait3A_178 = arith.constant 0 : i32
        %dma_wait3A_179 = tpu.memref_slice %arg3[%dma_wait3A_177, %dma_wait3A_178] : memref<2560x128xi32, #tpu.memory_space<hbm>> -> memref<8x128xi32, #tpu.memory_space<hbm>>
        tpu.wait_dma2 semaphore(%arg11 : memref<!tpu.dma_semaphore, #tpu.memory_space<semaphore_mem>>) src(%dma_wait3A_179 : memref<8x128xi32, #tpu.memory_space<hbm>>) dst(%dma_wait3A_176 : memref<8x128xi32, #tpu.memory_space<vmem>>)
      } else {
      }
      %sub3A_86 = arith.constant 4 : i32
      %sub3A_87 = arith.subi %select_n3A_26, %sub3A_86 : i32
      %lt3A = arith.cmpi slt, %while3A_75, %sub3A_87 : i32
      %and3A_88 = arith.andi %eq3A_79, %lt3A : i1
      %convert_element_type3A_89 = arith.extui %and3A_88 : i1 to i32
      %cond3A_90 = arith.constant 0 : i32
      %cond3A_91 = arith.cmpi ne, %convert_element_type3A_89, %cond3A_90 : i32
      scf.if %cond3A_91 {
        %jit3A_156 = arith.constant 4 : i32
        %div3A_157 = arith.divsi %while3A_75, %jit3A_156 : i32
        %sign3A_158 = arith.constant 0 : i32
        %sign3A_159 = arith.cmpi sgt, %while3A_75, %sign3A_158 : i32
        %sign3A_160 = arith.extui %sign3A_159 : i1 to i32
        %sign3A_161 = arith.constant 0 : i32
        %sign3A_162 = arith.cmpi slt, %while3A_75, %sign3A_161 : i32
        %sign3A_163 = arith.extui %sign3A_162 : i1 to i32
        %sign3A_164 = arith.subi %sign3A_160, %sign3A_163 : i32
        %sign3A_165 = arith.constant 0 : i32
        %sign3A_166 = arith.cmpi sgt, %jit3A_156, %sign3A_165 : i32
        %sign3A_167 = arith.extui %sign3A_166 : i1 to i32
        %sign3A_168 = arith.constant 0 : i32
        %sign3A_169 = arith.cmpi slt, %jit3A_156, %sign3A_168 : i32
        %sign3A_170 = arith.extui %sign3A_169 : i1 to i32
        %sign3A_171 = arith.subi %sign3A_167, %sign3A_170 : i32
        %ne3A_172 = arith.cmpi ne, %sign3A_164, %sign3A_171 : i32
        %rem3A_173 = arith.remsi %while3A_75, %jit3A_156 : i32
        %ne3A_174 = arith.constant 0 : i32
        %ne3A_175 = arith.cmpi ne, %rem3A_173, %ne3A_174 : i32
        %and3A_176 = arith.andi %ne3A_172, %ne3A_175 : i1
        %sub3A_177 = arith.constant 1 : i32
        %sub3A_178 = arith.subi %div3A_157, %sub3A_177 : i32
        %select_n3A_179 = arith.select %and3A_176, %sub3A_178, %div3A_157 : i32
        %add3A_180 = arith.constant 1 : i32
        %add3A_181 = arith.addi %select_n3A_179, %add3A_180 : i32
        %mul3A_182 = arith.constant 8 : i32
        %mul3A_183 = arith.muli %add3A_181, %mul3A_182 : i32
        %add3A_184 = arith.addi %multiple_of3A, %mul3A_183 : i32
        %multiple_of3A_185 = tpu.assume_multiple %add3A_184, 8 : i32
        %rem3A_186 = arith.constant 2 : i32
        %rem3A_187 = arith.remsi %add3A_181, %rem3A_186 : i32
        %mul3A_188 = arith.constant 8 : i32
        %mul3A_189 = arith.muli %rem3A_187, %mul3A_188 : i32
        %multiple_of3A_190 = tpu.assume_multiple %mul3A_189, 8 : i32
        %dma_start3A_191 = arith.constant 0 : i32
        %dma_start3A_192 = tpu.memref_slice %arg7[%multiple_of3A_190, %dma_start3A_191] : memref<16x128xi32, #tpu.memory_space<vmem>> -> memref<8x128xi32, #tpu.memory_space<vmem>>
        %dma_start3A_193 = arith.constant 0 : i32
        %dma_start3A_194 = tpu.memref_slice %arg3[%multiple_of3A_185, %dma_start3A_193] : memref<2560x128xi32, #tpu.memory_space<hbm>> -> memref<8x128xi32, #tpu.memory_space<hbm>>
        %dma_start3A_195 = arith.constant 0 : i32
        %dma_start3A_196 = tpu.memref_slice %arg7[%multiple_of3A_190, %dma_start3A_195] : memref<16x128xi32, #tpu.memory_space<vmem>> -> memref<8x128xi32, #tpu.memory_space<vmem>>
        %dma_start3A_197 = arith.constant 0 : i32
        %dma_start3A_198 = tpu.memref_slice %arg3[%multiple_of3A_185, %dma_start3A_197] : memref<2560x128xi32, #tpu.memory_space<hbm>> -> memref<8x128xi32, #tpu.memory_space<hbm>>
        tpu.enqueue_dma source(%dma_start3A_198 : memref<8x128xi32, #tpu.memory_space<hbm>>) target(%dma_start3A_196 : memref<8x128xi32, #tpu.memory_space<vmem>>) target_semaphore(%arg11 : memref<!tpu.dma_semaphore, #tpu.memory_space<semaphore_mem>>)
        %dma_start3A_199 = arith.constant 0 : i32
        %dma_start3A_200 = tpu.memref_slice %arg8[%multiple_of3A_190, %dma_start3A_199] : memref<16x128xi32, #tpu.memory_space<vmem>> -> memref<8x128xi32, #tpu.memory_space<vmem>>
        %dma_start3A_201 = arith.constant 0 : i32
        %dma_start3A_202 = tpu.memref_slice %arg4[%multiple_of3A_185, %dma_start3A_201] : memref<2560x128xi32, #tpu.memory_space<hbm>> -> memref<8x128xi32, #tpu.memory_space<hbm>>
        %dma_start3A_203 = arith.constant 0 : i32
        %dma_start3A_204 = tpu.memref_slice %arg8[%multiple_of3A_190, %dma_start3A_203] : memref<16x128xi32, #tpu.memory_space<vmem>> -> memref<8x128xi32, #tpu.memory_space<vmem>>
        %dma_start3A_205 = arith.constant 0 : i32
        %dma_start3A_206 = tpu.memref_slice %arg4[%multiple_of3A_185, %dma_start3A_205] : memref<2560x128xi32, #tpu.memory_space<hbm>> -> memref<8x128xi32, #tpu.memory_space<hbm>>
        tpu.enqueue_dma source(%dma_start3A_206 : memref<8x128xi32, #tpu.memory_space<hbm>>) target(%dma_start3A_204 : memref<8x128xi32, #tpu.memory_space<vmem>>) target_semaphore(%arg11 : memref<!tpu.dma_semaphore, #tpu.memory_space<semaphore_mem>>)
      } else {
      }
      %not3A = arith.constant true
      %not3A_92 = arith.xori %eq3A_79, %not3A : i1
      %convert_element_type3A_93 = arith.extui %not3A_92 : i1 to i32
      %cond3A_94 = arith.constant 0 : i32
      %cond3A_95 = arith.cmpi ne, %convert_element_type3A_93, %cond3A_94 : i32
      scf.if %cond3A_95 {
        %dma_wait3A_156 = arith.constant 0 : i32
        %dma_wait3A_157 = arith.constant 0 : i32
        %dma_wait3A_158 = tpu.memref_slice %arg8[%dma_wait3A_156, %dma_wait3A_157] : memref<16x128xi32, #tpu.memory_space<vmem>> -> memref<1x128xi32, #tpu.memory_space<vmem>>
        %dma_wait3A_159 = tpu.memref_squeeze %dma_wait3A_158 : memref<1x128xi32, #tpu.memory_space<vmem>> -> memref<128xi32, #tpu.memory_space<vmem>>
        %dma_wait3A_160 = arith.constant 0 : i32
        %dma_wait3A_161 = arith.constant 0 : i32
        %dma_wait3A_162 = tpu.memref_slice %arg16[%dma_wait3A_160, %dma_wait3A_161] : memref<10240x128xf32, #tpu.memory_space<vmem_shared>> -> memref<10240x128xf32, #tpu.memory_space<vmem_shared>>
        tpu.wait_indirect_dma semaphore(%arg14 : memref<!tpu.dma_semaphore, #tpu.memory_space<semaphore_mem>>) src(%arg9 : memref<128x128xf32, #tpu.memory_space<vmem>>) dst(%dma_wait3A_162 : memref<10240x128xf32, #tpu.memory_space<vmem_shared>>)
        %dma_wait3A_163 = arith.constant 0 : i32
        %dma_wait3A_164 = arith.constant 0 : i32
        %dma_wait3A_165 = tpu.memref_slice %arg8[%dma_wait3A_163, %dma_wait3A_164] : memref<16x128xi32, #tpu.memory_space<vmem>> -> memref<1x128xi32, #tpu.memory_space<vmem>>
        %dma_wait3A_166 = tpu.memref_squeeze %dma_wait3A_165 : memref<1x128xi32, #tpu.memory_space<vmem>> -> memref<128xi32, #tpu.memory_space<vmem>>
        %dma_wait3A_167 = arith.constant 0 : i32
        %dma_wait3A_168 = arith.constant 0 : i32
        %dma_wait3A_169 = tpu.memref_slice %arg16[%dma_wait3A_167, %dma_wait3A_168] : memref<10240x128xf32, #tpu.memory_space<vmem_shared>> -> memref<10240x128xf32, #tpu.memory_space<vmem_shared>>
        tpu.wait_indirect_dma semaphore(%arg15 : memref<!tpu.dma_semaphore, #tpu.memory_space<semaphore_mem>>) src(%arg10 : memref<128x128xf32, #tpu.memory_space<vmem>>) dst(%dma_wait3A_169 : memref<10240x128xf32, #tpu.memory_space<vmem_shared>>)
      } else {
      }
      %mul3A_96 = arith.constant 2 : i32
      %mul3A_97 = arith.muli %mul3A_96, %while3A_75 : i32
      %add3A_98 = arith.constant 0 : i32
      %add3A_99 = arith.addi %mul3A_97, %add3A_98 : i32
      %rem3A_100 = arith.constant 16 : i32
      %rem3A_101 = arith.remsi %add3A_99, %rem3A_100 : i32
      %dma_start3A_102 = arith.constant 0 : i32
      %dma_start3A_103 = tpu.memref_slice %arg7[%rem3A_101, %dma_start3A_102] : memref<16x128xi32, #tpu.memory_space<vmem>> -> memref<1x128xi32, #tpu.memory_space<vmem>>
      %dma_start3A_104 = tpu.memref_squeeze %dma_start3A_103 : memref<1x128xi32, #tpu.memory_space<vmem>> -> memref<128xi32, #tpu.memory_space<vmem>>
      %dma_start3A_105 = arith.constant 0 : i32
      %dma_start3A_106 = arith.constant 0 : i32
      %dma_start3A_107 = tpu.memref_slice %arg2[%dma_start3A_105, %dma_start3A_106] : memref<10240x128xf32, #tpu.memory_space<hbm>> -> memref<10240x128xf32, #tpu.memory_space<hbm>>
      tpu.enqueue_indirect_dma source(%dma_start3A_107 : memref<10240x128xf32, #tpu.memory_space<hbm>>) target(%arg9 : memref<128x128xf32, #tpu.memory_space<vmem>>) offsets(%dma_start3A_104 : memref<128xi32, #tpu.memory_space<vmem>>) semaphore(%arg12 : memref<!tpu.dma_semaphore, #tpu.memory_space<semaphore_mem>>)
      %mul3A_108 = arith.constant 2 : i32
      %mul3A_109 = arith.muli %mul3A_108, %while3A_75 : i32
      %add3A_110 = arith.constant 1 : i32
      %add3A_111 = arith.addi %mul3A_109, %add3A_110 : i32
      %rem3A_112 = arith.constant 16 : i32
      %rem3A_113 = arith.remsi %add3A_111, %rem3A_112 : i32
      %dma_start3A_114 = arith.constant 0 : i32
      %dma_start3A_115 = tpu.memref_slice %arg7[%rem3A_113, %dma_start3A_114] : memref<16x128xi32, #tpu.memory_space<vmem>> -> memref<1x128xi32, #tpu.memory_space<vmem>>
      %dma_start3A_116 = tpu.memref_squeeze %dma_start3A_115 : memref<1x128xi32, #tpu.memory_space<vmem>> -> memref<128xi32, #tpu.memory_space<vmem>>
      %dma_start3A_117 = arith.constant 0 : i32
      %dma_start3A_118 = arith.constant 0 : i32
      %dma_start3A_119 = tpu.memref_slice %arg2[%dma_start3A_117, %dma_start3A_118] : memref<10240x128xf32, #tpu.memory_space<hbm>> -> memref<10240x128xf32, #tpu.memory_space<hbm>>
      tpu.enqueue_indirect_dma source(%dma_start3A_119 : memref<10240x128xf32, #tpu.memory_space<hbm>>) target(%arg10 : memref<128x128xf32, #tpu.memory_space<vmem>>) offsets(%dma_start3A_116 : memref<128xi32, #tpu.memory_space<vmem>>) semaphore(%arg13 : memref<!tpu.dma_semaphore, #tpu.memory_space<semaphore_mem>>)
      %mul3A_120 = arith.constant 2 : i32
      %mul3A_121 = arith.muli %mul3A_120, %while3A_75 : i32
      %add3A_122 = arith.constant 0 : i32
      %add3A_123 = arith.addi %mul3A_121, %add3A_122 : i32
      %rem3A_124 = arith.constant 16 : i32
      %rem3A_125 = arith.remsi %add3A_123, %rem3A_124 : i32
      %dma_wait3A_126 = arith.constant 0 : i32
      %dma_wait3A_127 = tpu.memref_slice %arg7[%rem3A_125, %dma_wait3A_126] : memref<16x128xi32, #tpu.memory_space<vmem>> -> memref<1x128xi32, #tpu.memory_space<vmem>>
      %dma_wait3A_128 = tpu.memref_squeeze %dma_wait3A_127 : memref<1x128xi32, #tpu.memory_space<vmem>> -> memref<128xi32, #tpu.memory_space<vmem>>
      %dma_wait3A_129 = arith.constant 0 : i32
      %dma_wait3A_130 = arith.constant 0 : i32
      %dma_wait3A_131 = tpu.memref_slice %arg2[%dma_wait3A_129, %dma_wait3A_130] : memref<10240x128xf32, #tpu.memory_space<hbm>> -> memref<10240x128xf32, #tpu.memory_space<hbm>>
      tpu.wait_indirect_dma semaphore(%arg12 : memref<!tpu.dma_semaphore, #tpu.memory_space<semaphore_mem>>) src(%dma_wait3A_131 : memref<10240x128xf32, #tpu.memory_space<hbm>>) dst(%arg9 : memref<128x128xf32, #tpu.memory_space<vmem>>)
      %dma_start3A_132 = arith.constant 0 : i32
      %dma_start3A_133 = tpu.memref_slice %arg8[%rem3A_125, %dma_start3A_132] : memref<16x128xi32, #tpu.memory_space<vmem>> -> memref<1x128xi32, #tpu.memory_space<vmem>>
      %dma_start3A_134 = tpu.memref_squeeze %dma_start3A_133 : memref<1x128xi32, #tpu.memory_space<vmem>> -> memref<128xi32, #tpu.memory_space<vmem>>
      %dma_start3A_135 = arith.constant 0 : i32
      %dma_start3A_136 = arith.constant 0 : i32
      %dma_start3A_137 = tpu.memref_slice %arg16[%dma_start3A_135, %dma_start3A_136] : memref<10240x128xf32, #tpu.memory_space<vmem_shared>> -> memref<10240x128xf32, #tpu.memory_space<vmem_shared>>
      tpu.enqueue_indirect_dma source(%arg9 : memref<128x128xf32, #tpu.memory_space<vmem>>) target(%dma_start3A_137 : memref<10240x128xf32, #tpu.memory_space<vmem_shared>>) offsets(%dma_start3A_134 : memref<128xi32, #tpu.memory_space<vmem>>) semaphore(%arg14 : memref<!tpu.dma_semaphore, #tpu.memory_space<semaphore_mem>>) {add = true}
      %mul3A_138 = arith.constant 2 : i32
      %mul3A_139 = arith.muli %mul3A_138, %while3A_75 : i32
      %add3A_140 = arith.constant 1 : i32
      %add3A_141 = arith.addi %mul3A_139, %add3A_140 : i32
      %rem3A_142 = arith.constant 16 : i32
      %rem3A_143 = arith.remsi %add3A_141, %rem3A_142 : i32
      %dma_wait3A_144 = arith.constant 0 : i32
      %dma_wait3A_145 = tpu.memref_slice %arg7[%rem3A_143, %dma_wait3A_144] : memref<16x128xi32, #tpu.memory_space<vmem>> -> memref<1x128xi32, #tpu.memory_space<vmem>>
      %dma_wait3A_146 = tpu.memref_squeeze %dma_wait3A_145 : memref<1x128xi32, #tpu.memory_space<vmem>> -> memref<128xi32, #tpu.memory_space<vmem>>
      %dma_wait3A_147 = arith.constant 0 : i32
      %dma_wait3A_148 = arith.constant 0 : i32
      %dma_wait3A_149 = tpu.memref_slice %arg2[%dma_wait3A_147, %dma_wait3A_148] : memref<10240x128xf32, #tpu.memory_space<hbm>> -> memref<10240x128xf32, #tpu.memory_space<hbm>>
      tpu.wait_indirect_dma semaphore(%arg13 : memref<!tpu.dma_semaphore, #tpu.memory_space<semaphore_mem>>) src(%dma_wait3A_149 : memref<10240x128xf32, #tpu.memory_space<hbm>>) dst(%arg10 : memref<128x128xf32, #tpu.memory_space<vmem>>)
      %dma_start3A_150 = arith.constant 0 : i32
      %dma_start3A_151 = tpu.memref_slice %arg8[%rem3A_143, %dma_start3A_150] : memref<16x128xi32, #tpu.memory_space<vmem>> -> memref<1x128xi32, #tpu.memory_space<vmem>>
      %dma_start3A_152 = tpu.memref_squeeze %dma_start3A_151 : memref<1x128xi32, #tpu.memory_space<vmem>> -> memref<128xi32, #tpu.memory_space<vmem>>
      %dma_start3A_153 = arith.constant 0 : i32
      %dma_start3A_154 = arith.constant 0 : i32
      %dma_start3A_155 = tpu.memref_slice %arg16[%dma_start3A_153, %dma_start3A_154] : memref<10240x128xf32, #tpu.memory_space<vmem_shared>> -> memref<10240x128xf32, #tpu.memory_space<vmem_shared>>
      tpu.enqueue_indirect_dma source(%arg10 : memref<128x128xf32, #tpu.memory_space<vmem>>) target(%dma_start3A_155 : memref<10240x128xf32, #tpu.memory_space<vmem_shared>>) offsets(%dma_start3A_152 : memref<128xi32, #tpu.memory_space<vmem>>) semaphore(%arg15 : memref<!tpu.dma_semaphore, #tpu.memory_space<semaphore_mem>>) {add = true}
    }
    %while3A_56 = arith.constant 1 : i32
    scf.for %while3A_75 = %while3A_54 to %while3A_50 step %while3A_56  : i32 {
      %rem3A_76 = arith.constant 4 : i32
      %rem3A_77 = arith.remsi %while3A_75, %rem3A_76 : i32
      %eq3A_78 = arith.constant 0 : i32
      %eq3A_79 = arith.cmpi eq, %rem3A_77, %eq3A_78 : i32
      %gt3A = arith.constant 0 : i32
      %gt3A_80 = arith.cmpi sgt, %while3A_75, %gt3A : i32
      %and3A_81 = arith.andi %eq3A_79, %gt3A_80 : i1
      %convert_element_type3A = arith.extui %and3A_81 : i1 to i32
      %cond3A = arith.constant 0 : i32
      %cond3A_82 = arith.cmpi ne, %convert_element_type3A, %cond3A : i32
      scf.if %cond3A_82 {
        %dma_wait3A_156 = arith.constant 0 : i32
        %dma_wait3A_157 = arith.constant 0 : i32
        %dma_wait3A_158 = tpu.memref_slice %arg8[%dma_wait3A_156, %dma_wait3A_157] : memref<16x128xi32, #tpu.memory_space<vmem>> -> memref<1x128xi32, #tpu.memory_space<vmem>>
        %dma_wait3A_159 = tpu.memref_squeeze %dma_wait3A_158 : memref<1x128xi32, #tpu.memory_space<vmem>> -> memref<128xi32, #tpu.memory_space<vmem>>
        %dma_wait3A_160 = arith.constant 0 : i32
        %dma_wait3A_161 = arith.constant 0 : i32
        %dma_wait3A_162 = tpu.memref_slice %arg16[%dma_wait3A_160, %dma_wait3A_161] : memref<10240x128xf32, #tpu.memory_space<vmem_shared>> -> memref<10240x128xf32, #tpu.memory_space<vmem_shared>>
        tpu.wait_indirect_dma semaphore(%arg14 : memref<!tpu.dma_semaphore, #tpu.memory_space<semaphore_mem>>) src(%arg9 : memref<128x128xf32, #tpu.memory_space<vmem>>) dst(%dma_wait3A_162 : memref<10240x128xf32, #tpu.memory_space<vmem_shared>>)
        %dma_wait3A_163 = arith.constant 0 : i32
        %dma_wait3A_164 = arith.constant 0 : i32
        %dma_wait3A_165 = tpu.memref_slice %arg8[%dma_wait3A_163, %dma_wait3A_164] : memref<16x128xi32, #tpu.memory_space<vmem>> -> memref<1x128xi32, #tpu.memory_space<vmem>>
        %dma_wait3A_166 = tpu.memref_squeeze %dma_wait3A_165 : memref<1x128xi32, #tpu.memory_space<vmem>> -> memref<128xi32, #tpu.memory_space<vmem>>
        %dma_wait3A_167 = arith.constant 0 : i32
        %dma_wait3A_168 = arith.constant 0 : i32
        %dma_wait3A_169 = tpu.memref_slice %arg16[%dma_wait3A_167, %dma_wait3A_168] : memref<10240x128xf32, #tpu.memory_space<vmem_shared>> -> memref<10240x128xf32, #tpu.memory_space<vmem_shared>>
        tpu.wait_indirect_dma semaphore(%arg15 : memref<!tpu.dma_semaphore, #tpu.memory_space<semaphore_mem>>) src(%arg10 : memref<128x128xf32, #tpu.memory_space<vmem>>) dst(%dma_wait3A_169 : memref<10240x128xf32, #tpu.memory_space<vmem_shared>>)
      } else {
      }
      %convert_element_type3A_83 = arith.extui %eq3A_79 : i1 to i32
      %cond3A_84 = arith.constant 0 : i32
      %cond3A_85 = arith.cmpi ne, %convert_element_type3A_83, %cond3A_84 : i32
      scf.if %cond3A_85 {
        %dma_wait3A_156 = arith.constant 0 : i32
        %dma_wait3A_157 = arith.constant 0 : i32
        %dma_wait3A_158 = tpu.memref_slice %arg7[%dma_wait3A_156, %dma_wait3A_157] : memref<16x128xi32, #tpu.memory_space<vmem>> -> memref<8x128xi32, #tpu.memory_space<vmem>>
        %dma_wait3A_159 = arith.constant 0 : i32
        %dma_wait3A_160 = arith.constant 0 : i32
        %dma_wait3A_161 = tpu.memref_slice %arg3[%dma_wait3A_159, %dma_wait3A_160] : memref<2560x128xi32, #tpu.memory_space<hbm>> -> memref<8x128xi32, #tpu.memory_space<hbm>>
        %dma_wait3A_162 = arith.constant 0 : i32
        %dma_wait3A_163 = arith.constant 0 : i32
        %dma_wait3A_164 = tpu.memref_slice %arg7[%dma_wait3A_162, %dma_wait3A_163] : memref<16x128xi32, #tpu.memory_space<vmem>> -> memref<8x128xi32, #tpu.memory_space<vmem>>
        %dma_wait3A_165 = arith.constant 0 : i32
        %dma_wait3A_166 = arith.constant 0 : i32
        %dma_wait3A_167 = tpu.memref_slice %arg3[%dma_wait3A_165, %dma_wait3A_166] : memref<2560x128xi32, #tpu.memory_space<hbm>> -> memref<8x128xi32, #tpu.memory_space<hbm>>
        tpu.wait_dma2 semaphore(%arg11 : memref<!tpu.dma_semaphore, #tpu.memory_space<semaphore_mem>>) src(%dma_wait3A_167 : memref<8x128xi32, #tpu.memory_space<hbm>>) dst(%dma_wait3A_164 : memref<8x128xi32, #tpu.memory_space<vmem>>)
        %dma_wait3A_168 = arith.constant 0 : i32
        %dma_wait3A_169 = arith.constant 0 : i32
        %dma_wait3A_170 = tpu.memref_slice %arg8[%dma_wait3A_168, %dma_wait3A_169] : memref<16x128xi32, #tpu.memory_space<vmem>> -> memref<8x128xi32, #tpu.memory_space<vmem>>
        %dma_wait3A_171 = arith.constant 0 : i32
        %dma_wait3A_172 = arith.constant 0 : i32
        %dma_wait3A_173 = tpu.memref_slice %arg3[%dma_wait3A_171, %dma_wait3A_172] : memref<2560x128xi32, #tpu.memory_space<hbm>> -> memref<8x128xi32, #tpu.memory_space<hbm>>
        %dma_wait3A_174 = arith.constant 0 : i32
        %dma_wait3A_175 = arith.constant 0 : i32
        %dma_wait3A_176 = tpu.memref_slice %arg8[%dma_wait3A_174, %dma_wait3A_175] : memref<16x128xi32, #tpu.memory_space<vmem>> -> memref<8x128xi32, #tpu.memory_space<vmem>>
        %dma_wait3A_177 = arith.constant 0 : i32
        %dma_wait3A_178 = arith.constant 0 : i32
        %dma_wait3A_179 = tpu.memref_slice %arg3[%dma_wait3A_177, %dma_wait3A_178] : memref<2560x128xi32, #tpu.memory_space<hbm>> -> memref<8x128xi32, #tpu.memory_space<hbm>>
        tpu.wait_dma2 semaphore(%arg11 : memref<!tpu.dma_semaphore, #tpu.memory_space<semaphore_mem>>) src(%dma_wait3A_179 : memref<8x128xi32, #tpu.memory_space<hbm>>) dst(%dma_wait3A_176 : memref<8x128xi32, #tpu.memory_space<vmem>>)
      } else {
      }
      %sub3A_86 = arith.constant 4 : i32
      %sub3A_87 = arith.subi %select_n3A_26, %sub3A_86 : i32
      %lt3A = arith.cmpi slt, %while3A_75, %sub3A_87 : i32
      %and3A_88 = arith.andi %eq3A_79, %lt3A : i1
      %convert_element_type3A_89 = arith.extui %and3A_88 : i1 to i32
      %cond3A_90 = arith.constant 0 : i32
      %cond3A_91 = arith.cmpi ne, %convert_element_type3A_89, %cond3A_90 : i32
      scf.if %cond3A_91 {
        %jit3A_156 = arith.constant 4 : i32
        %div3A_157 = arith.divsi %while3A_75, %jit3A_156 : i32
        %sign3A_158 = arith.constant 0 : i32
        %sign3A_159 = arith.cmpi sgt, %while3A_75, %sign3A_158 : i32
        %sign3A_160 = arith.extui %sign3A_159 : i1 to i32
        %sign3A_161 = arith.constant 0 : i32
        %sign3A_162 = arith.cmpi slt, %while3A_75, %sign3A_161 : i32
        %sign3A_163 = arith.extui %sign3A_162 : i1 to i32
        %sign3A_164 = arith.subi %sign3A_160, %sign3A_163 : i32
        %sign3A_165 = arith.constant 0 : i32
        %sign3A_166 = arith.cmpi sgt, %jit3A_156, %sign3A_165 : i32
        %sign3A_167 = arith.extui %sign3A_166 : i1 to i32
        %sign3A_168 = arith.constant 0 : i32
        %sign3A_169 = arith.cmpi slt, %jit3A_156, %sign3A_168 : i32
        %sign3A_170 = arith.extui %sign3A_169 : i1 to i32
        %sign3A_171 = arith.subi %sign3A_167, %sign3A_170 : i32
        %ne3A_172 = arith.cmpi ne, %sign3A_164, %sign3A_171 : i32
        %rem3A_173 = arith.remsi %while3A_75, %jit3A_156 : i32
        %ne3A_174 = arith.constant 0 : i32
        %ne3A_175 = arith.cmpi ne, %rem3A_173, %ne3A_174 : i32
        %and3A_176 = arith.andi %ne3A_172, %ne3A_175 : i1
        %sub3A_177 = arith.constant 1 : i32
        %sub3A_178 = arith.subi %div3A_157, %sub3A_177 : i32
        %select_n3A_179 = arith.select %and3A_176, %sub3A_178, %div3A_157 : i32
        %add3A_180 = arith.constant 1 : i32
        %add3A_181 = arith.addi %select_n3A_179, %add3A_180 : i32
        %mul3A_182 = arith.constant 8 : i32
        %mul3A_183 = arith.muli %add3A_181, %mul3A_182 : i32
        %add3A_184 = arith.addi %multiple_of3A, %mul3A_183 : i32
        %multiple_of3A_185 = tpu.assume_multiple %add3A_184, 8 : i32
        %rem3A_186 = arith.constant 2 : i32
        %rem3A_187 = arith.remsi %add3A_181, %rem3A_186 : i32
        %mul3A_188 = arith.constant 8 : i32
        %mul3A_189 = arith.muli %rem3A_187, %mul3A_188 : i32
        %multiple_of3A_190 = tpu.assume_multiple %mul3A_189, 8 : i32
        %dma_start3A_191 = arith.constant 0 : i32
        %dma_start3A_192 = tpu.memref_slice %arg7[%multiple_of3A_190, %dma_start3A_191] : memref<16x128xi32, #tpu.memory_space<vmem>> -> memref<8x128xi32, #tpu.memory_space<vmem>>
        %dma_start3A_193 = arith.constant 0 : i32
        %dma_start3A_194 = tpu.memref_slice %arg3[%multiple_of3A_185, %dma_start3A_193] : memref<2560x128xi32, #tpu.memory_space<hbm>> -> memref<8x128xi32, #tpu.memory_space<hbm>>
        %dma_start3A_195 = arith.constant 0 : i32
        %dma_start3A_196 = tpu.memref_slice %arg7[%multiple_of3A_190, %dma_start3A_195] : memref<16x128xi32, #tpu.memory_space<vmem>> -> memref<8x128xi32, #tpu.memory_space<vmem>>
        %dma_start3A_197 = arith.constant 0 : i32
        %dma_start3A_198 = tpu.memref_slice %arg3[%multiple_of3A_185, %dma_start3A_197] : memref<2560x128xi32, #tpu.memory_space<hbm>> -> memref<8x128xi32, #tpu.memory_space<hbm>>
        tpu.enqueue_dma source(%dma_start3A_198 : memref<8x128xi32, #tpu.memory_space<hbm>>) target(%dma_start3A_196 : memref<8x128xi32, #tpu.memory_space<vmem>>) target_semaphore(%arg11 : memref<!tpu.dma_semaphore, #tpu.memory_space<semaphore_mem>>)
        %dma_start3A_199 = arith.constant 0 : i32
        %dma_start3A_200 = tpu.memref_slice %arg8[%multiple_of3A_190, %dma_start3A_199] : memref<16x128xi32, #tpu.memory_space<vmem>> -> memref<8x128xi32, #tpu.memory_space<vmem>>
        %dma_start3A_201 = arith.constant 0 : i32
        %dma_start3A_202 = tpu.memref_slice %arg4[%multiple_of3A_185, %dma_start3A_201] : memref<2560x128xi32, #tpu.memory_space<hbm>> -> memref<8x128xi32, #tpu.memory_space<hbm>>
        %dma_start3A_203 = arith.constant 0 : i32
        %dma_start3A_204 = tpu.memref_slice %arg8[%multiple_of3A_190, %dma_start3A_203] : memref<16x128xi32, #tpu.memory_space<vmem>> -> memref<8x128xi32, #tpu.memory_space<vmem>>
        %dma_start3A_205 = arith.constant 0 : i32
        %dma_start3A_206 = tpu.memref_slice %arg4[%multiple_of3A_185, %dma_start3A_205] : memref<2560x128xi32, #tpu.memory_space<hbm>> -> memref<8x128xi32, #tpu.memory_space<hbm>>
        tpu.enqueue_dma source(%dma_start3A_206 : memref<8x128xi32, #tpu.memory_space<hbm>>) target(%dma_start3A_204 : memref<8x128xi32, #tpu.memory_space<vmem>>) target_semaphore(%arg11 : memref<!tpu.dma_semaphore, #tpu.memory_space<semaphore_mem>>)
      } else {
      }
      %not3A = arith.constant true
      %not3A_92 = arith.xori %eq3A_79, %not3A : i1
      %convert_element_type3A_93 = arith.extui %not3A_92 : i1 to i32
      %cond3A_94 = arith.constant 0 : i32
      %cond3A_95 = arith.cmpi ne, %convert_element_type3A_93, %cond3A_94 : i32
      scf.if %cond3A_95 {
        %dma_wait3A_156 = arith.constant 0 : i32
        %dma_wait3A_157 = arith.constant 0 : i32
        %dma_wait3A_158 = tpu.memref_slice %arg8[%dma_wait3A_156, %dma_wait3A_157] : memref<16x128xi32, #tpu.memory_space<vmem>> -> memref<1x128xi32, #tpu.memory_space<vmem>>
        %dma_wait3A_159 = tpu.memref_squeeze %dma_wait3A_158 : memref<1x128xi32, #tpu.memory_space<vmem>> -> memref<128xi32, #tpu.memory_space<vmem>>
        %dma_wait3A_160 = arith.constant 0 : i32
        %dma_wait3A_161 = arith.constant 0 : i32
        %dma_wait3A_162 = tpu.memref_slice %arg16[%dma_wait3A_160, %dma_wait3A_161] : memref<10240x128xf32, #tpu.memory_space<vmem_shared>> -> memref<10240x128xf32, #tpu.memory_space<vmem_shared>>
        tpu.wait_indirect_dma semaphore(%arg14 : memref<!tpu.dma_semaphore, #tpu.memory_space<semaphore_mem>>) src(%arg9 : memref<128x128xf32, #tpu.memory_space<vmem>>) dst(%dma_wait3A_162 : memref<10240x128xf32, #tpu.memory_space<vmem_shared>>)
        %dma_wait3A_163 = arith.constant 0 : i32
        %dma_wait3A_164 = arith.constant 0 : i32
        %dma_wait3A_165 = tpu.memref_slice %arg8[%dma_wait3A_163, %dma_wait3A_164] : memref<16x128xi32, #tpu.memory_space<vmem>> -> memref<1x128xi32, #tpu.memory_space<vmem>>
        %dma_wait3A_166 = tpu.memref_squeeze %dma_wait3A_165 : memref<1x128xi32, #tpu.memory_space<vmem>> -> memref<128xi32, #tpu.memory_space<vmem>>
        %dma_wait3A_167 = arith.constant 0 : i32
        %dma_wait3A_168 = arith.constant 0 : i32
        %dma_wait3A_169 = tpu.memref_slice %arg16[%dma_wait3A_167, %dma_wait3A_168] : memref<10240x128xf32, #tpu.memory_space<vmem_shared>> -> memref<10240x128xf32, #tpu.memory_space<vmem_shared>>
        tpu.wait_indirect_dma semaphore(%arg15 : memref<!tpu.dma_semaphore, #tpu.memory_space<semaphore_mem>>) src(%arg10 : memref<128x128xf32, #tpu.memory_space<vmem>>) dst(%dma_wait3A_169 : memref<10240x128xf32, #tpu.memory_space<vmem_shared>>)
      } else {
      }
      %mul3A_96 = arith.constant 2 : i32
      %mul3A_97 = arith.muli %mul3A_96, %while3A_75 : i32
      %add3A_98 = arith.constant 0 : i32
      %add3A_99 = arith.addi %mul3A_97, %add3A_98 : i32
      %rem3A_100 = arith.constant 16 : i32
      %rem3A_101 = arith.remsi %add3A_99, %rem3A_100 : i32
      %dma_start3A_102 = arith.constant 0 : i32
      %dma_start3A_103 = tpu.memref_slice %arg7[%rem3A_101, %dma_start3A_102] : memref<16x128xi32, #tpu.memory_space<vmem>> -> memref<1x128xi32, #tpu.memory_space<vmem>>
      %dma_start3A_104 = tpu.memref_squeeze %dma_start3A_103 : memref<1x128xi32, #tpu.memory_space<vmem>> -> memref<128xi32, #tpu.memory_space<vmem>>
      %dma_start3A_105 = arith.constant 0 : i32
      %dma_start3A_106 = arith.constant 0 : i32
      %dma_start3A_107 = tpu.memref_slice %arg2[%dma_start3A_105, %dma_start3A_106] : memref<10240x128xf32, #tpu.memory_space<hbm>> -> memref<10240x128xf32, #tpu.memory_space<hbm>>
      tpu.enqueue_indirect_dma source(%dma_start3A_107 : memref<10240x128xf32, #tpu.memory_space<hbm>>) target(%arg9 : memref<128x128xf32, #tpu.memory_space<vmem>>) offsets(%dma_start3A_104 : memref<128xi32, #tpu.memory_space<vmem>>) semaphore(%arg12 : memref<!tpu.dma_semaphore, #tpu.memory_space<semaphore_mem>>)
      %mul3A_108 = arith.constant 2 : i32
      %mul3A_109 = arith.muli %mul3A_108, %while3A_75 : i32
      %add3A_110 = arith.constant 1 : i32
      %add3A_111 = arith.addi %mul3A_109, %add3A_110 : i32
      %rem3A_112 = arith.constant 16 : i32
      %rem3A_113 = arith.remsi %add3A_111, %rem3A_112 : i32
      %dma_start3A_114 = arith.constant 0 : i32
      %dma_start3A_115 = tpu.memref_slice %arg7[%rem3A_113, %dma_start3A_114] : memref<16x128xi32, #tpu.memory_space<vmem>> -> memref<1x128xi32, #tpu.memory_space<vmem>>
      %dma_start3A_116 = tpu.memref_squeeze %dma_start3A_115 : memref<1x128xi32, #tpu.memory_space<vmem>> -> memref<128xi32, #tpu.memory_space<vmem>>
      %dma_start3A_117 = arith.constant 0 : i32
      %dma_start3A_118 = arith.constant 0 : i32
      %dma_start3A_119 = tpu.memref_slice %arg2[%dma_start3A_117, %dma_start3A_118] : memref<10240x128xf32, #tpu.memory_space<hbm>> -> memref<10240x128xf32, #tpu.memory_space<hbm>>
      tpu.enqueue_indirect_dma source(%dma_start3A_119 : memref<10240x128xf32, #tpu.memory_space<hbm>>) target(%arg10 : memref<128x128xf32, #tpu.memory_space<vmem>>) offsets(%dma_start3A_116 : memref<128xi32, #tpu.memory_space<vmem>>) semaphore(%arg13 : memref<!tpu.dma_semaphore, #tpu.memory_space<semaphore_mem>>)
      %mul3A_120 = arith.constant 2 : i32
      %mul3A_121 = arith.muli %mul3A_120, %while3A_75 : i32
      %add3A_122 = arith.constant 0 : i32
      %add3A_123 = arith.addi %mul3A_121, %add3A_122 : i32
      %rem3A_124 = arith.constant 16 : i32
      %rem3A_125 = arith.remsi %add3A_123, %rem3A_124 : i32
      %dma_wait3A_126 = arith.constant 0 : i32
      %dma_wait3A_127 = tpu.memref_slice %arg7[%rem3A_125, %dma_wait3A_126] : memref<16x128xi32, #tpu.memory_space<vmem>> -> memref<1x128xi32, #tpu.memory_space<vmem>>
      %dma_wait3A_128 = tpu.memref_squeeze %dma_wait3A_127 : memref<1x128xi32, #tpu.memory_space<vmem>> -> memref<128xi32, #tpu.memory_space<vmem>>
      %dma_wait3A_129 = arith.constant 0 : i32
      %dma_wait3A_130 = arith.constant 0 : i32
      %dma_wait3A_131 = tpu.memref_slice %arg2[%dma_wait3A_129, %dma_wait3A_130] : memref<10240x128xf32, #tpu.memory_space<hbm>> -> memref<10240x128xf32, #tpu.memory_space<hbm>>
      tpu.wait_indirect_dma semaphore(%arg12 : memref<!tpu.dma_semaphore, #tpu.memory_space<semaphore_mem>>) src(%dma_wait3A_131 : memref<10240x128xf32, #tpu.memory_space<hbm>>) dst(%arg9 : memref<128x128xf32, #tpu.memory_space<vmem>>)
      %dma_start3A_132 = arith.constant 0 : i32
      %dma_start3A_133 = tpu.memref_slice %arg8[%rem3A_125, %dma_start3A_132] : memref<16x128xi32, #tpu.memory_space<vmem>> -> memref<1x128xi32, #tpu.memory_space<vmem>>
      %dma_start3A_134 = tpu.memref_squeeze %dma_start3A_133 : memref<1x128xi32, #tpu.memory_space<vmem>> -> memref<128xi32, #tpu.memory_space<vmem>>
      %dma_start3A_135 = arith.constant 0 : i32
      %dma_start3A_136 = arith.constant 0 : i32
      %dma_start3A_137 = tpu.memref_slice %arg16[%dma_start3A_135, %dma_start3A_136] : memref<10240x128xf32, #tpu.memory_space<vmem_shared>> -> memref<10240x128xf32, #tpu.memory_space<vmem_shared>>
      tpu.enqueue_indirect_dma source(%arg9 : memref<128x128xf32, #tpu.memory_space<vmem>>) target(%dma_start3A_137 : memref<10240x128xf32, #tpu.memory_space<vmem_shared>>) offsets(%dma_start3A_134 : memref<128xi32, #tpu.memory_space<vmem>>) semaphore(%arg14 : memref<!tpu.dma_semaphore, #tpu.memory_space<semaphore_mem>>) {add = true}
      %mul3A_138 = arith.constant 2 : i32
      %mul3A_139 = arith.muli %mul3A_138, %while3A_75 : i32
      %add3A_140 = arith.constant 1 : i32
      %add3A_141 = arith.addi %mul3A_139, %add3A_140 : i32
      %rem3A_142 = arith.constant 16 : i32
      %rem3A_143 = arith.remsi %add3A_141, %rem3A_142 : i32
      %dma_wait3A_144 = arith.constant 0 : i32
      %dma_wait3A_145 = tpu.memref_slice %arg7[%rem3A_143, %dma_wait3A_144] : memref<16x128xi32, #tpu.memory_space<vmem>> -> memref<1x128xi32, #tpu.memory_space<vmem>>
      %dma_wait3A_146 = tpu.memref_squeeze %dma_wait3A_145 : memref<1x128xi32, #tpu.memory_space<vmem>> -> memref<128xi32, #tpu.memory_space<vmem>>
      %dma_wait3A_147 = arith.constant 0 : i32
      %dma_wait3A_148 = arith.constant 0 : i32
      %dma_wait3A_149 = tpu.memref_slice %arg2[%dma_wait3A_147, %dma_wait3A_148] : memref<10240x128xf32, #tpu.memory_space<hbm>> -> memref<10240x128xf32, #tpu.memory_space<hbm>>
      tpu.wait_indirect_dma semaphore(%arg13 : memref<!tpu.dma_semaphore, #tpu.memory_space<semaphore_mem>>) src(%dma_wait3A_149 : memref<10240x128xf32, #tpu.memory_space<hbm>>) dst(%arg10 : memref<128x128xf32, #tpu.memory_space<vmem>>)
      %dma_start3A_150 = arith.constant 0 : i32
      %dma_start3A_151 = tpu.memref_slice %arg8[%rem3A_143, %dma_start3A_150] : memref<16x128xi32, #tpu.memory_space<vmem>> -> memref<1x128xi32, #tpu.memory_space<vmem>>
      %dma_start3A_152 = tpu.memref_squeeze %dma_start3A_151 : memref<1x128xi32, #tpu.memory_space<vmem>> -> memref<128xi32, #tpu.memory_space<vmem>>
      %dma_start3A_153 = arith.constant 0 : i32
      %dma_start3A_154 = arith.constant 0 : i32
      %dma_start3A_155 = tpu.memref_slice %arg16[%dma_start3A_153, %dma_start3A_154] : memref<10240x128xf32, #tpu.memory_space<vmem_shared>> -> memref<10240x128xf32, #tpu.memory_space<vmem_shared>>
      tpu.enqueue_indirect_dma source(%arg10 : memref<128x128xf32, #tpu.memory_space<vmem>>) target(%dma_start3A_155 : memref<10240x128xf32, #tpu.memory_space<vmem_shared>>) offsets(%dma_start3A_152 : memref<128xi32, #tpu.memory_space<vmem>>) semaphore(%arg15 : memref<!tpu.dma_semaphore, #tpu.memory_space<semaphore_mem>>) {add = true}
    }
    %dma_wait3A = arith.constant 0 : i32
    %dma_wait3A_57 = arith.constant 0 : i32
    %dma_wait3A_58 = tpu.memref_slice %arg8[%dma_wait3A, %dma_wait3A_57] : memref<16x128xi32, #tpu.memory_space<vmem>> -> memref<1x128xi32, #tpu.memory_space<vmem>>
    %dma_wait3A_59 = tpu.memref_squeeze %dma_wait3A_58 : memref<1x128xi32, #tpu.memory_space<vmem>> -> memref<128xi32, #tpu.memory_space<vmem>>
    %dma_wait3A_60 = arith.constant 0 : i32
    %dma_wait3A_61 = arith.constant 0 : i32
    %dma_wait3A_62 = tpu.memref_slice %arg16[%dma_wait3A_60, %dma_wait3A_61] : memref<10240x128xf32, #tpu.memory_space<vmem_shared>> -> memref<10240x128xf32, #tpu.memory_space<vmem_shared>>
    tpu.wait_indirect_dma semaphore(%arg14 : memref<!tpu.dma_semaphore, #tpu.memory_space<semaphore_mem>>) src(%arg9 : memref<128x128xf32, #tpu.memory_space<vmem>>) dst(%dma_wait3A_62 : memref<10240x128xf32, #tpu.memory_space<vmem_shared>>)
    %dma_wait3A_63 = arith.constant 0 : i32
    %dma_wait3A_64 = arith.constant 0 : i32
    %dma_wait3A_65 = tpu.memref_slice %arg8[%dma_wait3A_63, %dma_wait3A_64] : memref<16x128xi32, #tpu.memory_space<vmem>> -> memref<1x128xi32, #tpu.memory_space<vmem>>
    %dma_wait3A_66 = tpu.memref_squeeze %dma_wait3A_65 : memref<1x128xi32, #tpu.memory_space<vmem>> -> memref<128xi32, #tpu.memory_space<vmem>>
    %dma_wait3A_67 = arith.constant 0 : i32
    %dma_wait3A_68 = arith.constant 0 : i32
    %dma_wait3A_69 = tpu.memref_slice %arg16[%dma_wait3A_67, %dma_wait3A_68] : memref<10240x128xf32, #tpu.memory_space<vmem_shared>> -> memref<10240x128xf32, #tpu.memory_space<vmem_shared>>
    tpu.wait_indirect_dma semaphore(%arg15 : memref<!tpu.dma_semaphore, #tpu.memory_space<semaphore_mem>>) src(%arg10 : memref<128x128xf32, #tpu.memory_space<vmem>>) dst(%dma_wait3A_69 : memref<10240x128xf32, #tpu.memory_space<vmem_shared>>)
    %barrier3A_70 = arith.constant 0 : index
    tpu.barrier barrier_id(%barrier3A_70)
    %mul3A_71 = arith.constant 640 : i32
    %mul3A_72 = arith.muli %arg1, %mul3A_71 : i32
    %mul3A_73 = arith.constant 640 : i32
    %mul3A_74 = arith.muli %arg1, %mul3A_73 : i32
    "tpu.region"() ({
      %run_scoped3A = tpu.sem_alloc : memref<!tpu.dma_semaphore, #tpu.memory_space<semaphore_mem>>
      %dma_start3A_75 = arith.constant 0 : i32
      %dma_start3A_76 = tpu.memref_slice %arg6[%arg0, %mul3A_74, %dma_start3A_75] : memref<2x10240x128xf32, #tpu.memory_space<hbm>> -> memref<1x640x128xf32, #tpu.memory_space<hbm>>
      %dma_start3A_77 = tpu.memref_squeeze %dma_start3A_76 : memref<1x640x128xf32, #tpu.memory_space<hbm>> -> memref<640x128xf32, #tpu.memory_space<hbm>>
      %dma_start3A_78 = arith.constant 0 : i32
      %dma_start3A_79 = tpu.memref_slice %arg16[%mul3A_72, %dma_start3A_78] : memref<10240x128xf32, #tpu.memory_space<vmem_shared>> -> memref<640x128xf32, #tpu.memory_space<vmem_shared>>
      tpu.enqueue_dma source(%dma_start3A_79 : memref<640x128xf32, #tpu.memory_space<vmem_shared>>) target(%dma_start3A_77 : memref<640x128xf32, #tpu.memory_space<hbm>>) target_semaphore(%run_scoped3A : memref<!tpu.dma_semaphore, #tpu.memory_space<semaphore_mem>>)
      %dma_wait3A_80 = arith.constant 0 : i32
      %dma_wait3A_81 = tpu.memref_slice %arg6[%arg0, %mul3A_74, %dma_wait3A_80] : memref<2x10240x128xf32, #tpu.memory_space<hbm>> -> memref<1x640x128xf32, #tpu.memory_space<hbm>>
      %dma_wait3A_82 = tpu.memref_squeeze %dma_wait3A_81 : memref<1x640x128xf32, #tpu.memory_space<hbm>> -> memref<640x128xf32, #tpu.memory_space<hbm>>
      %dma_wait3A_83 = arith.constant 0 : i32
      %dma_wait3A_84 = tpu.memref_slice %arg16[%mul3A_72, %dma_wait3A_83] : memref<10240x128xf32, #tpu.memory_space<vmem_shared>> -> memref<640x128xf32, #tpu.memory_space<vmem_shared>>
      tpu.wait_dma2 semaphore(%run_scoped3A : memref<!tpu.dma_semaphore, #tpu.memory_space<semaphore_mem>>) src(%dma_wait3A_84 : memref<640x128xf32, #tpu.memory_space<vmem_shared>>) dst(%dma_wait3A_82 : memref<640x128xf32, #tpu.memory_space<hbm>>)
      tpu.yield
    }) : () -> ()
    return
  }
}

#map = affine_map<(d0, d1) -> (0, 0)>
#map1 = affine_map<(d0, d1) -> (0, 0, 0)>
module attributes {stable_mosaic.version = 14 : i64} {
  func.func @_sc_aggregate(%arg0: i32, %arg1: i32, %arg2: memref<10240x128xf32, #tpu.memory_space<hbm>>, %arg3: memref<2560x128xi32, #tpu.memory_space<hbm>>, %arg4: memref<2560x128xi32, #tpu.memory_space<hbm>>, %arg5: memref<640x128xf32, #tpu.memory_space<hbm>>, %arg6: memref<2x10240x128xf32, #tpu.memory_space<hbm>>, %arg7: memref<16x128xi32, #tpu.memory_space<vmem>>, %arg8: memref<16x128xi32, #tpu.memory_space<vmem>>, %arg9: memref<128x128xf32, #tpu.memory_space<vmem>>, %arg10: memref<128x128xf32, #tpu.memory_space<vmem>>, %arg11: memref<!tpu.dma_semaphore, #tpu.memory_space<semaphore_mem>>, %arg12: memref<!tpu.dma_semaphore, #tpu.memory_space<semaphore_mem>>, %arg13: memref<!tpu.dma_semaphore, #tpu.memory_space<semaphore_mem>>, %arg14: memref<!tpu.dma_semaphore, #tpu.memory_space<semaphore_mem>>, %arg15: memref<!tpu.dma_semaphore, #tpu.memory_space<semaphore_mem>>, %arg16: memref<10240x128xf32, #tpu.memory_space<vmem_shared>>) attributes {dimension_semantics = [#tpu.dimension_semantics<core_parallel>, #tpu.dimension_semantics<subcore_parallel>], iteration_bounds = array<i64: 2, 16>, scalar_prefetch = 0 : i64, scratch_operands = 10 : i64, tpu.core_type = #tpu.core_type<sc_vector_subcore>, window_params = [{transform_indices = #map}, {transform_indices = #map}, {transform_indices = #map}, {transform_indices = #map}, {transform_indices = #map1}]} {
    %eq3A = arith.constant 0 : i32
    %eq3A_0 = arith.cmpi eq, %arg0, %eq3A : i32
    %jit3A = arith.constant 152 : i32
    %jit3A_1 = arith.constant 8 : i32
    %select_n3A = arith.select %eq3A_0, %jit3A, %jit3A_1 : i32
    %eq3A_2 = arith.constant 0 : i32
    %eq3A_3 = arith.cmpi eq, %arg0, %eq3A_2 : i32
    %mul3A = arith.constant 152 : i32
    %mul3A_4 = arith.muli %arg1, %mul3A : i32
    %mul3A_5 = arith.constant 8 : i32
    %mul3A_6 = arith.muli %arg1, %mul3A_5 : i32
    %add3A = arith.constant 2432 : i32
    %add3A_7 = arith.addi %add3A, %mul3A_6 : i32
    %select_n3A_8 = arith.select %eq3A_3, %mul3A_4, %add3A_7 : i32
    %multiple_of3A = tpu.assume_multiple %select_n3A_8, 8 : i32
    %jit3A_9 = arith.constant 2 : i32
    %div3A = arith.divsi %select_n3A, %jit3A_9 : i32
    %sign3A = arith.constant 0 : i32
    %sign3A_10 = arith.cmpi sgt, %select_n3A, %sign3A : i32
    %sign3A_11 = arith.extui %sign3A_10 : i1 to i32
    %sign3A_12 = arith.constant 0 : i32
    %sign3A_13 = arith.cmpi slt, %select_n3A, %sign3A_12 : i32
    %sign3A_14 = arith.extui %sign3A_13 : i1 to i32
    %sign3A_15 = arith.subi %sign3A_11, %sign3A_14 : i32
    %sign3A_16 = arith.constant 0 : i32
    %sign3A_17 = arith.cmpi sgt, %jit3A_9, %sign3A_16 : i32
    %sign3A_18 = arith.extui %sign3A_17 : i1 to i32
    %sign3A_19 = arith.constant 0 : i32
    %sign3A_20 = arith.cmpi slt, %jit3A_9, %sign3A_19 : i32
    %sign3A_21 = arith.extui %sign3A_20 : i1 to i32
    %sign3A_22 = arith.subi %sign3A_18, %sign3A_21 : i32
    %ne3A = arith.cmpi ne, %sign3A_15, %sign3A_22 : i32
    %rem3A = arith.remsi %select_n3A, %jit3A_9 : i32
    %ne3A_23 = arith.constant 0 : i32
    %ne3A_24 = arith.cmpi ne, %rem3A, %ne3A_23 : i32
    %and3A = arith.andi %ne3A, %ne3A_24 : i1
    %sub3A = arith.constant 1 : i32
    %sub3A_25 = arith.subi %div3A, %sub3A : i32
    %select_n3A_26 = arith.select %and3A, %sub3A_25, %div3A : i32
    %mul3A_27 = arith.constant 640 : i32
    %mul3A_28 = arith.muli %arg1, %mul3A_27 : i32
    "tpu.region"() ({
      %run_scoped3A = tpu.sem_alloc : memref<!tpu.dma_semaphore, #tpu.memory_space<semaphore_mem>>
      %dma_start3A_75 = arith.constant 0 : i32
      %dma_start3A_76 = tpu.memref_slice %arg16[%mul3A_28, %dma_start3A_75] : memref<10240x128xf32, #tpu.memory_space<vmem_shared>> -> memref<640x128xf32, #tpu.memory_space<vmem_shared>>
      tpu.enqueue_dma source(%arg5 : memref<640x128xf32, #tpu.memory_space<hbm>>) target(%dma_start3A_76 : memref<640x128xf32, #tpu.memory_space<vmem_shared>>) target_semaphore(%run_scoped3A : memref<!tpu.dma_semaphore, #tpu.memory_space<semaphore_mem>>)
      %dma_wait3A_77 = arith.constant 0 : i32
      %dma_wait3A_78 = tpu.memref_slice %arg16[%mul3A_28, %dma_wait3A_77] : memref<10240x128xf32, #tpu.memory_space<vmem_shared>> -> memref<640x128xf32, #tpu.memory_space<vmem_shared>>
      tpu.wait_dma2 semaphore(%run_scoped3A : memref<!tpu.dma_semaphore, #tpu.memory_space<semaphore_mem>>) src(%arg5 : memref<640x128xf32, #tpu.memory_space<hbm>>) dst(%dma_wait3A_78 : memref<640x128xf32, #tpu.memory_space<vmem_shared>>)
      tpu.yield
    }) : () -> ()
    %dma_start3A = arith.constant 0 : i32
    %dma_start3A_29 = arith.constant 0 : i32
    %dma_start3A_30 = tpu.memref_slice %arg7[%dma_start3A, %dma_start3A_29] : memref<16x128xi32, #tpu.memory_space<vmem>> -> memref<8x128xi32, #tpu.memory_space<vmem>>
    %dma_start3A_31 = arith.constant 0 : i32
    %dma_start3A_32 = tpu.memref_slice %arg3[%multiple_of3A, %dma_start3A_31] : memref<2560x128xi32, #tpu.memory_space<hbm>> -> memref<8x128xi32, #tpu.memory_space<hbm>>
    %dma_start3A_33 = arith.constant 0 : i32
    %dma_start3A_34 = arith.constant 0 : i32
    %dma_start3A_35 = tpu.memref_slice %arg7[%dma_start3A_33, %dma_start3A_34] : memref<16x128xi32, #tpu.memory_space<vmem>> -> memref<8x128xi32, #tpu.memory_space<vmem>>
    %dma_start3A_36 = arith.constant 0 : i32
    %dma_start3A_37 = tpu.memref_slice %arg3[%multiple_of3A, %dma_start3A_36] : memref<2560x128xi32, #tpu.memory_space<hbm>> -> memref<8x128xi32, #tpu.memory_space<hbm>>
    tpu.enqueue_dma source(%dma_start3A_37 : memref<8x128xi32, #tpu.memory_space<hbm>>) target(%dma_start3A_35 : memref<8x128xi32, #tpu.memory_space<vmem>>) target_semaphore(%arg11 : memref<!tpu.dma_semaphore, #tpu.memory_space<semaphore_mem>>)
    %dma_start3A_38 = arith.constant 0 : i32
    %dma_start3A_39 = arith.constant 0 : i32
    %dma_start3A_40 = tpu.memref_slice %arg8[%dma_start3A_38, %dma_start3A_39] : memref<16x128xi32, #tpu.memory_space<vmem>> -> memref<8x128xi32, #tpu.memory_space<vmem>>
    %dma_start3A_41 = arith.constant 0 : i32
    %dma_start3A_42 = tpu.memref_slice %arg4[%multiple_of3A, %dma_start3A_41] : memref<2560x128xi32, #tpu.memory_space<hbm>> -> memref<8x128xi32, #tpu.memory_space<hbm>>
    %dma_start3A_43 = arith.constant 0 : i32
    %dma_start3A_44 = arith.constant 0 : i32
    %dma_start3A_45 = tpu.memref_slice %arg8[%dma_start3A_43, %dma_start3A_44] : memref<16x128xi32, #tpu.memory_space<vmem>> -> memref<8x128xi32, #tpu.memory_space<vmem>>
    %dma_start3A_46 = arith.constant 0 : i32
    %dma_start3A_47 = tpu.memref_slice %arg4[%multiple_of3A, %dma_start3A_46] : memref<2560x128xi32, #tpu.memory_space<hbm>> -> memref<8x128xi32, #tpu.memory_space<hbm>>
    tpu.enqueue_dma source(%dma_start3A_47 : memref<8x128xi32, #tpu.memory_space<hbm>>) target(%dma_start3A_45 : memref<8x128xi32, #tpu.memory_space<vmem>>) target_semaphore(%arg11 : memref<!tpu.dma_semaphore, #tpu.memory_space<semaphore_mem>>)
    %barrier3A = arith.constant 0 : index
    tpu.barrier barrier_id(%barrier3A)
    %while3A = arith.constant 0 : i32
    %while3A_48 = arith.constant 0 : i32
    %while3A_49 = arith.subi %select_n3A_26, %while3A_48 : i32
    %while3A_50 = arith.addi %while3A_48, %while3A_49 : i32
    %while3A_51 = arith.constant 1 : i32
    %while3A_52 = arith.divsi %while3A_49, %while3A_51 : i32
    %while3A_53 = arith.muli %while3A_52, %while3A_51 : i32
    %while3A_54 = arith.addi %while3A_48, %while3A_53 : i32
    %while3A_55 = arith.constant 1 : i32
    scf.for %while3A_75 = %while3A_48 to %while3A_54 step %while3A_55  : i32 {
      %rem3A_76 = arith.constant 4 : i32
      %rem3A_77 = arith.remsi %while3A_75, %rem3A_76 : i32
      %eq3A_78 = arith.constant 0 : i32
      %eq3A_79 = arith.cmpi eq, %rem3A_77, %eq3A_78 : i32
      %gt3A = arith.constant 0 : i32
      %gt3A_80 = arith.cmpi sgt, %while3A_75, %gt3A : i32
      %and3A_81 = arith.andi %eq3A_79, %gt3A_80 : i1
      %convert_element_type3A = arith.extui %and3A_81 : i1 to i32
      %cond3A = arith.constant 0 : i32
      %cond3A_82 = arith.cmpi ne, %convert_element_type3A, %cond3A : i32
      scf.if %cond3A_82 {
        %dma_wait3A_156 = arith.constant 0 : i32
        %dma_wait3A_157 = arith.constant 0 : i32
        %dma_wait3A_158 = tpu.memref_slice %arg8[%dma_wait3A_156, %dma_wait3A_157] : memref<16x128xi32, #tpu.memory_space<vmem>> -> memref<1x128xi32, #tpu.memory_space<vmem>>
        %dma_wait3A_159 = tpu.memref_squeeze %dma_wait3A_158 : memref<1x128xi32, #tpu.memory_space<vmem>> -> memref<128xi32, #tpu.memory_space<vmem>>
        %dma_wait3A_160 = arith.constant 0 : i32
        %dma_wait3A_161 = arith.constant 0 : i32
        %dma_wait3A_162 = tpu.memref_slice %arg16[%dma_wait3A_160, %dma_wait3A_161] : memref<10240x128xf32, #tpu.memory_space<vmem_shared>> -> memref<10240x128xf32, #tpu.memory_space<vmem_shared>>
        tpu.wait_indirect_dma semaphore(%arg14 : memref<!tpu.dma_semaphore, #tpu.memory_space<semaphore_mem>>) src(%arg9 : memref<128x128xf32, #tpu.memory_space<vmem>>) dst(%dma_wait3A_162 : memref<10240x128xf32, #tpu.memory_space<vmem_shared>>)
        %dma_wait3A_163 = arith.constant 0 : i32
        %dma_wait3A_164 = arith.constant 0 : i32
        %dma_wait3A_165 = tpu.memref_slice %arg8[%dma_wait3A_163, %dma_wait3A_164] : memref<16x128xi32, #tpu.memory_space<vmem>> -> memref<1x128xi32, #tpu.memory_space<vmem>>
        %dma_wait3A_166 = tpu.memref_squeeze %dma_wait3A_165 : memref<1x128xi32, #tpu.memory_space<vmem>> -> memref<128xi32, #tpu.memory_space<vmem>>
        %dma_wait3A_167 = arith.constant 0 : i32
        %dma_wait3A_168 = arith.constant 0 : i32
        %dma_wait3A_169 = tpu.memref_slice %arg16[%dma_wait3A_167, %dma_wait3A_168] : memref<10240x128xf32, #tpu.memory_space<vmem_shared>> -> memref<10240x128xf32, #tpu.memory_space<vmem_shared>>
        tpu.wait_indirect_dma semaphore(%arg15 : memref<!tpu.dma_semaphore, #tpu.memory_space<semaphore_mem>>) src(%arg10 : memref<128x128xf32, #tpu.memory_space<vmem>>) dst(%dma_wait3A_169 : memref<10240x128xf32, #tpu.memory_space<vmem_shared>>)
      } else {
      }
      %convert_element_type3A_83 = arith.extui %eq3A_79 : i1 to i32
      %cond3A_84 = arith.constant 0 : i32
      %cond3A_85 = arith.cmpi ne, %convert_element_type3A_83, %cond3A_84 : i32
      scf.if %cond3A_85 {
        %dma_wait3A_156 = arith.constant 0 : i32
        %dma_wait3A_157 = arith.constant 0 : i32
        %dma_wait3A_158 = tpu.memref_slice %arg7[%dma_wait3A_156, %dma_wait3A_157] : memref<16x128xi32, #tpu.memory_space<vmem>> -> memref<8x128xi32, #tpu.memory_space<vmem>>
        %dma_wait3A_159 = arith.constant 0 : i32
        %dma_wait3A_160 = arith.constant 0 : i32
        %dma_wait3A_161 = tpu.memref_slice %arg3[%dma_wait3A_159, %dma_wait3A_160] : memref<2560x128xi32, #tpu.memory_space<hbm>> -> memref<8x128xi32, #tpu.memory_space<hbm>>
        %dma_wait3A_162 = arith.constant 0 : i32
        %dma_wait3A_163 = arith.constant 0 : i32
        %dma_wait3A_164 = tpu.memref_slice %arg7[%dma_wait3A_162, %dma_wait3A_163] : memref<16x128xi32, #tpu.memory_space<vmem>> -> memref<8x128xi32, #tpu.memory_space<vmem>>
        %dma_wait3A_165 = arith.constant 0 : i32
        %dma_wait3A_166 = arith.constant 0 : i32
        %dma_wait3A_167 = tpu.memref_slice %arg3[%dma_wait3A_165, %dma_wait3A_166] : memref<2560x128xi32, #tpu.memory_space<hbm>> -> memref<8x128xi32, #tpu.memory_space<hbm>>
        tpu.wait_dma2 semaphore(%arg11 : memref<!tpu.dma_semaphore, #tpu.memory_space<semaphore_mem>>) src(%dma_wait3A_167 : memref<8x128xi32, #tpu.memory_space<hbm>>) dst(%dma_wait3A_164 : memref<8x128xi32, #tpu.memory_space<vmem>>)
        %dma_wait3A_168 = arith.constant 0 : i32
        %dma_wait3A_169 = arith.constant 0 : i32
        %dma_wait3A_170 = tpu.memref_slice %arg8[%dma_wait3A_168, %dma_wait3A_169] : memref<16x128xi32, #tpu.memory_space<vmem>> -> memref<8x128xi32, #tpu.memory_space<vmem>>
        %dma_wait3A_171 = arith.constant 0 : i32
        %dma_wait3A_172 = arith.constant 0 : i32
        %dma_wait3A_173 = tpu.memref_slice %arg3[%dma_wait3A_171, %dma_wait3A_172] : memref<2560x128xi32, #tpu.memory_space<hbm>> -> memref<8x128xi32, #tpu.memory_space<hbm>>
        %dma_wait3A_174 = arith.constant 0 : i32
        %dma_wait3A_175 = arith.constant 0 : i32
        %dma_wait3A_176 = tpu.memref_slice %arg8[%dma_wait3A_174, %dma_wait3A_175] : memref<16x128xi32, #tpu.memory_space<vmem>> -> memref<8x128xi32, #tpu.memory_space<vmem>>
        %dma_wait3A_177 = arith.constant 0 : i32
        %dma_wait3A_178 = arith.constant 0 : i32
        %dma_wait3A_179 = tpu.memref_slice %arg3[%dma_wait3A_177, %dma_wait3A_178] : memref<2560x128xi32, #tpu.memory_space<hbm>> -> memref<8x128xi32, #tpu.memory_space<hbm>>
        tpu.wait_dma2 semaphore(%arg11 : memref<!tpu.dma_semaphore, #tpu.memory_space<semaphore_mem>>) src(%dma_wait3A_179 : memref<8x128xi32, #tpu.memory_space<hbm>>) dst(%dma_wait3A_176 : memref<8x128xi32, #tpu.memory_space<vmem>>)
      } else {
      }
      %sub3A_86 = arith.constant 4 : i32
      %sub3A_87 = arith.subi %select_n3A_26, %sub3A_86 : i32
      %lt3A = arith.cmpi slt, %while3A_75, %sub3A_87 : i32
      %and3A_88 = arith.andi %eq3A_79, %lt3A : i1
      %convert_element_type3A_89 = arith.extui %and3A_88 : i1 to i32
      %cond3A_90 = arith.constant 0 : i32
      %cond3A_91 = arith.cmpi ne, %convert_element_type3A_89, %cond3A_90 : i32
      scf.if %cond3A_91 {
        %jit3A_156 = arith.constant 4 : i32
        %div3A_157 = arith.divsi %while3A_75, %jit3A_156 : i32
        %sign3A_158 = arith.constant 0 : i32
        %sign3A_159 = arith.cmpi sgt, %while3A_75, %sign3A_158 : i32
        %sign3A_160 = arith.extui %sign3A_159 : i1 to i32
        %sign3A_161 = arith.constant 0 : i32
        %sign3A_162 = arith.cmpi slt, %while3A_75, %sign3A_161 : i32
        %sign3A_163 = arith.extui %sign3A_162 : i1 to i32
        %sign3A_164 = arith.subi %sign3A_160, %sign3A_163 : i32
        %sign3A_165 = arith.constant 0 : i32
        %sign3A_166 = arith.cmpi sgt, %jit3A_156, %sign3A_165 : i32
        %sign3A_167 = arith.extui %sign3A_166 : i1 to i32
        %sign3A_168 = arith.constant 0 : i32
        %sign3A_169 = arith.cmpi slt, %jit3A_156, %sign3A_168 : i32
        %sign3A_170 = arith.extui %sign3A_169 : i1 to i32
        %sign3A_171 = arith.subi %sign3A_167, %sign3A_170 : i32
        %ne3A_172 = arith.cmpi ne, %sign3A_164, %sign3A_171 : i32
        %rem3A_173 = arith.remsi %while3A_75, %jit3A_156 : i32
        %ne3A_174 = arith.constant 0 : i32
        %ne3A_175 = arith.cmpi ne, %rem3A_173, %ne3A_174 : i32
        %and3A_176 = arith.andi %ne3A_172, %ne3A_175 : i1
        %sub3A_177 = arith.constant 1 : i32
        %sub3A_178 = arith.subi %div3A_157, %sub3A_177 : i32
        %select_n3A_179 = arith.select %and3A_176, %sub3A_178, %div3A_157 : i32
        %add3A_180 = arith.constant 1 : i32
        %add3A_181 = arith.addi %select_n3A_179, %add3A_180 : i32
        %mul3A_182 = arith.constant 8 : i32
        %mul3A_183 = arith.muli %add3A_181, %mul3A_182 : i32
        %add3A_184 = arith.addi %multiple_of3A, %mul3A_183 : i32
        %multiple_of3A_185 = tpu.assume_multiple %add3A_184, 8 : i32
        %rem3A_186 = arith.constant 2 : i32
        %rem3A_187 = arith.remsi %add3A_181, %rem3A_186 : i32
        %mul3A_188 = arith.constant 8 : i32
        %mul3A_189 = arith.muli %rem3A_187, %mul3A_188 : i32
        %multiple_of3A_190 = tpu.assume_multiple %mul3A_189, 8 : i32
        %dma_start3A_191 = arith.constant 0 : i32
        %dma_start3A_192 = tpu.memref_slice %arg7[%multiple_of3A_190, %dma_start3A_191] : memref<16x128xi32, #tpu.memory_space<vmem>> -> memref<8x128xi32, #tpu.memory_space<vmem>>
        %dma_start3A_193 = arith.constant 0 : i32
        %dma_start3A_194 = tpu.memref_slice %arg3[%multiple_of3A_185, %dma_start3A_193] : memref<2560x128xi32, #tpu.memory_space<hbm>> -> memref<8x128xi32, #tpu.memory_space<hbm>>
        %dma_start3A_195 = arith.constant 0 : i32
        %dma_start3A_196 = tpu.memref_slice %arg7[%multiple_of3A_190, %dma_start3A_195] : memref<16x128xi32, #tpu.memory_space<vmem>> -> memref<8x128xi32, #tpu.memory_space<vmem>>
        %dma_start3A_197 = arith.constant 0 : i32
        %dma_start3A_198 = tpu.memref_slice %arg3[%multiple_of3A_185, %dma_start3A_197] : memref<2560x128xi32, #tpu.memory_space<hbm>> -> memref<8x128xi32, #tpu.memory_space<hbm>>
        tpu.enqueue_dma source(%dma_start3A_198 : memref<8x128xi32, #tpu.memory_space<hbm>>) target(%dma_start3A_196 : memref<8x128xi32, #tpu.memory_space<vmem>>) target_semaphore(%arg11 : memref<!tpu.dma_semaphore, #tpu.memory_space<semaphore_mem>>)
        %dma_start3A_199 = arith.constant 0 : i32
        %dma_start3A_200 = tpu.memref_slice %arg8[%multiple_of3A_190, %dma_start3A_199] : memref<16x128xi32, #tpu.memory_space<vmem>> -> memref<8x128xi32, #tpu.memory_space<vmem>>
        %dma_start3A_201 = arith.constant 0 : i32
        %dma_start3A_202 = tpu.memref_slice %arg4[%multiple_of3A_185, %dma_start3A_201] : memref<2560x128xi32, #tpu.memory_space<hbm>> -> memref<8x128xi32, #tpu.memory_space<hbm>>
        %dma_start3A_203 = arith.constant 0 : i32
        %dma_start3A_204 = tpu.memref_slice %arg8[%multiple_of3A_190, %dma_start3A_203] : memref<16x128xi32, #tpu.memory_space<vmem>> -> memref<8x128xi32, #tpu.memory_space<vmem>>
        %dma_start3A_205 = arith.constant 0 : i32
        %dma_start3A_206 = tpu.memref_slice %arg4[%multiple_of3A_185, %dma_start3A_205] : memref<2560x128xi32, #tpu.memory_space<hbm>> -> memref<8x128xi32, #tpu.memory_space<hbm>>
        tpu.enqueue_dma source(%dma_start3A_206 : memref<8x128xi32, #tpu.memory_space<hbm>>) target(%dma_start3A_204 : memref<8x128xi32, #tpu.memory_space<vmem>>) target_semaphore(%arg11 : memref<!tpu.dma_semaphore, #tpu.memory_space<semaphore_mem>>)
      } else {
      }
      %not3A = arith.constant true
      %not3A_92 = arith.xori %eq3A_79, %not3A : i1
      %convert_element_type3A_93 = arith.extui %not3A_92 : i1 to i32
      %cond3A_94 = arith.constant 0 : i32
      %cond3A_95 = arith.cmpi ne, %convert_element_type3A_93, %cond3A_94 : i32
      scf.if %cond3A_95 {
        %dma_wait3A_156 = arith.constant 0 : i32
        %dma_wait3A_157 = arith.constant 0 : i32
        %dma_wait3A_158 = tpu.memref_slice %arg8[%dma_wait3A_156, %dma_wait3A_157] : memref<16x128xi32, #tpu.memory_space<vmem>> -> memref<1x128xi32, #tpu.memory_space<vmem>>
        %dma_wait3A_159 = tpu.memref_squeeze %dma_wait3A_158 : memref<1x128xi32, #tpu.memory_space<vmem>> -> memref<128xi32, #tpu.memory_space<vmem>>
        %dma_wait3A_160 = arith.constant 0 : i32
        %dma_wait3A_161 = arith.constant 0 : i32
        %dma_wait3A_162 = tpu.memref_slice %arg16[%dma_wait3A_160, %dma_wait3A_161] : memref<10240x128xf32, #tpu.memory_space<vmem_shared>> -> memref<10240x128xf32, #tpu.memory_space<vmem_shared>>
        tpu.wait_indirect_dma semaphore(%arg14 : memref<!tpu.dma_semaphore, #tpu.memory_space<semaphore_mem>>) src(%arg9 : memref<128x128xf32, #tpu.memory_space<vmem>>) dst(%dma_wait3A_162 : memref<10240x128xf32, #tpu.memory_space<vmem_shared>>)
        %dma_wait3A_163 = arith.constant 0 : i32
        %dma_wait3A_164 = arith.constant 0 : i32
        %dma_wait3A_165 = tpu.memref_slice %arg8[%dma_wait3A_163, %dma_wait3A_164] : memref<16x128xi32, #tpu.memory_space<vmem>> -> memref<1x128xi32, #tpu.memory_space<vmem>>
        %dma_wait3A_166 = tpu.memref_squeeze %dma_wait3A_165 : memref<1x128xi32, #tpu.memory_space<vmem>> -> memref<128xi32, #tpu.memory_space<vmem>>
        %dma_wait3A_167 = arith.constant 0 : i32
        %dma_wait3A_168 = arith.constant 0 : i32
        %dma_wait3A_169 = tpu.memref_slice %arg16[%dma_wait3A_167, %dma_wait3A_168] : memref<10240x128xf32, #tpu.memory_space<vmem_shared>> -> memref<10240x128xf32, #tpu.memory_space<vmem_shared>>
        tpu.wait_indirect_dma semaphore(%arg15 : memref<!tpu.dma_semaphore, #tpu.memory_space<semaphore_mem>>) src(%arg10 : memref<128x128xf32, #tpu.memory_space<vmem>>) dst(%dma_wait3A_169 : memref<10240x128xf32, #tpu.memory_space<vmem_shared>>)
      } else {
      }
      %mul3A_96 = arith.constant 2 : i32
      %mul3A_97 = arith.muli %mul3A_96, %while3A_75 : i32
      %add3A_98 = arith.constant 0 : i32
      %add3A_99 = arith.addi %mul3A_97, %add3A_98 : i32
      %rem3A_100 = arith.constant 16 : i32
      %rem3A_101 = arith.remsi %add3A_99, %rem3A_100 : i32
      %dma_start3A_102 = arith.constant 0 : i32
      %dma_start3A_103 = tpu.memref_slice %arg7[%rem3A_101, %dma_start3A_102] : memref<16x128xi32, #tpu.memory_space<vmem>> -> memref<1x128xi32, #tpu.memory_space<vmem>>
      %dma_start3A_104 = tpu.memref_squeeze %dma_start3A_103 : memref<1x128xi32, #tpu.memory_space<vmem>> -> memref<128xi32, #tpu.memory_space<vmem>>
      %dma_start3A_105 = arith.constant 0 : i32
      %dma_start3A_106 = arith.constant 0 : i32
      %dma_start3A_107 = tpu.memref_slice %arg2[%dma_start3A_105, %dma_start3A_106] : memref<10240x128xf32, #tpu.memory_space<hbm>> -> memref<10240x128xf32, #tpu.memory_space<hbm>>
      tpu.enqueue_indirect_dma source(%dma_start3A_107 : memref<10240x128xf32, #tpu.memory_space<hbm>>) target(%arg9 : memref<128x128xf32, #tpu.memory_space<vmem>>) offsets(%dma_start3A_104 : memref<128xi32, #tpu.memory_space<vmem>>) semaphore(%arg12 : memref<!tpu.dma_semaphore, #tpu.memory_space<semaphore_mem>>)
      %mul3A_108 = arith.constant 2 : i32
      %mul3A_109 = arith.muli %mul3A_108, %while3A_75 : i32
      %add3A_110 = arith.constant 1 : i32
      %add3A_111 = arith.addi %mul3A_109, %add3A_110 : i32
      %rem3A_112 = arith.constant 16 : i32
      %rem3A_113 = arith.remsi %add3A_111, %rem3A_112 : i32
      %dma_start3A_114 = arith.constant 0 : i32
      %dma_start3A_115 = tpu.memref_slice %arg7[%rem3A_113, %dma_start3A_114] : memref<16x128xi32, #tpu.memory_space<vmem>> -> memref<1x128xi32, #tpu.memory_space<vmem>>
      %dma_start3A_116 = tpu.memref_squeeze %dma_start3A_115 : memref<1x128xi32, #tpu.memory_space<vmem>> -> memref<128xi32, #tpu.memory_space<vmem>>
      %dma_start3A_117 = arith.constant 0 : i32
      %dma_start3A_118 = arith.constant 0 : i32
      %dma_start3A_119 = tpu.memref_slice %arg2[%dma_start3A_117, %dma_start3A_118] : memref<10240x128xf32, #tpu.memory_space<hbm>> -> memref<10240x128xf32, #tpu.memory_space<hbm>>
      tpu.enqueue_indirect_dma source(%dma_start3A_119 : memref<10240x128xf32, #tpu.memory_space<hbm>>) target(%arg10 : memref<128x128xf32, #tpu.memory_space<vmem>>) offsets(%dma_start3A_116 : memref<128xi32, #tpu.memory_space<vmem>>) semaphore(%arg13 : memref<!tpu.dma_semaphore, #tpu.memory_space<semaphore_mem>>)
      %mul3A_120 = arith.constant 2 : i32
      %mul3A_121 = arith.muli %mul3A_120, %while3A_75 : i32
      %add3A_122 = arith.constant 0 : i32
      %add3A_123 = arith.addi %mul3A_121, %add3A_122 : i32
      %rem3A_124 = arith.constant 16 : i32
      %rem3A_125 = arith.remsi %add3A_123, %rem3A_124 : i32
      %dma_wait3A_126 = arith.constant 0 : i32
      %dma_wait3A_127 = tpu.memref_slice %arg7[%rem3A_125, %dma_wait3A_126] : memref<16x128xi32, #tpu.memory_space<vmem>> -> memref<1x128xi32, #tpu.memory_space<vmem>>
      %dma_wait3A_128 = tpu.memref_squeeze %dma_wait3A_127 : memref<1x128xi32, #tpu.memory_space<vmem>> -> memref<128xi32, #tpu.memory_space<vmem>>
      %dma_wait3A_129 = arith.constant 0 : i32
      %dma_wait3A_130 = arith.constant 0 : i32
      %dma_wait3A_131 = tpu.memref_slice %arg2[%dma_wait3A_129, %dma_wait3A_130] : memref<10240x128xf32, #tpu.memory_space<hbm>> -> memref<10240x128xf32, #tpu.memory_space<hbm>>
      tpu.wait_indirect_dma semaphore(%arg12 : memref<!tpu.dma_semaphore, #tpu.memory_space<semaphore_mem>>) src(%dma_wait3A_131 : memref<10240x128xf32, #tpu.memory_space<hbm>>) dst(%arg9 : memref<128x128xf32, #tpu.memory_space<vmem>>)
      %dma_start3A_132 = arith.constant 0 : i32
      %dma_start3A_133 = tpu.memref_slice %arg8[%rem3A_125, %dma_start3A_132] : memref<16x128xi32, #tpu.memory_space<vmem>> -> memref<1x128xi32, #tpu.memory_space<vmem>>
      %dma_start3A_134 = tpu.memref_squeeze %dma_start3A_133 : memref<1x128xi32, #tpu.memory_space<vmem>> -> memref<128xi32, #tpu.memory_space<vmem>>
      %dma_start3A_135 = arith.constant 0 : i32
      %dma_start3A_136 = arith.constant 0 : i32
      %dma_start3A_137 = tpu.memref_slice %arg16[%dma_start3A_135, %dma_start3A_136] : memref<10240x128xf32, #tpu.memory_space<vmem_shared>> -> memref<10240x128xf32, #tpu.memory_space<vmem_shared>>
      tpu.enqueue_indirect_dma source(%arg9 : memref<128x128xf32, #tpu.memory_space<vmem>>) target(%dma_start3A_137 : memref<10240x128xf32, #tpu.memory_space<vmem_shared>>) offsets(%dma_start3A_134 : memref<128xi32, #tpu.memory_space<vmem>>) semaphore(%arg14 : memref<!tpu.dma_semaphore, #tpu.memory_space<semaphore_mem>>) {add = true}
      %mul3A_138 = arith.constant 2 : i32
      %mul3A_139 = arith.muli %mul3A_138, %while3A_75 : i32
      %add3A_140 = arith.constant 1 : i32
      %add3A_141 = arith.addi %mul3A_139, %add3A_140 : i32
      %rem3A_142 = arith.constant 16 : i32
      %rem3A_143 = arith.remsi %add3A_141, %rem3A_142 : i32
      %dma_wait3A_144 = arith.constant 0 : i32
      %dma_wait3A_145 = tpu.memref_slice %arg7[%rem3A_143, %dma_wait3A_144] : memref<16x128xi32, #tpu.memory_space<vmem>> -> memref<1x128xi32, #tpu.memory_space<vmem>>
      %dma_wait3A_146 = tpu.memref_squeeze %dma_wait3A_145 : memref<1x128xi32, #tpu.memory_space<vmem>> -> memref<128xi32, #tpu.memory_space<vmem>>
      %dma_wait3A_147 = arith.constant 0 : i32
      %dma_wait3A_148 = arith.constant 0 : i32
      %dma_wait3A_149 = tpu.memref_slice %arg2[%dma_wait3A_147, %dma_wait3A_148] : memref<10240x128xf32, #tpu.memory_space<hbm>> -> memref<10240x128xf32, #tpu.memory_space<hbm>>
      tpu.wait_indirect_dma semaphore(%arg13 : memref<!tpu.dma_semaphore, #tpu.memory_space<semaphore_mem>>) src(%dma_wait3A_149 : memref<10240x128xf32, #tpu.memory_space<hbm>>) dst(%arg10 : memref<128x128xf32, #tpu.memory_space<vmem>>)
      %dma_start3A_150 = arith.constant 0 : i32
      %dma_start3A_151 = tpu.memref_slice %arg8[%rem3A_143, %dma_start3A_150] : memref<16x128xi32, #tpu.memory_space<vmem>> -> memref<1x128xi32, #tpu.memory_space<vmem>>
      %dma_start3A_152 = tpu.memref_squeeze %dma_start3A_151 : memref<1x128xi32, #tpu.memory_space<vmem>> -> memref<128xi32, #tpu.memory_space<vmem>>
      %dma_start3A_153 = arith.constant 0 : i32
      %dma_start3A_154 = arith.constant 0 : i32
      %dma_start3A_155 = tpu.memref_slice %arg16[%dma_start3A_153, %dma_start3A_154] : memref<10240x128xf32, #tpu.memory_space<vmem_shared>> -> memref<10240x128xf32, #tpu.memory_space<vmem_shared>>
      tpu.enqueue_indirect_dma source(%arg10 : memref<128x128xf32, #tpu.memory_space<vmem>>) target(%dma_start3A_155 : memref<10240x128xf32, #tpu.memory_space<vmem_shared>>) offsets(%dma_start3A_152 : memref<128xi32, #tpu.memory_space<vmem>>) semaphore(%arg15 : memref<!tpu.dma_semaphore, #tpu.memory_space<semaphore_mem>>) {add = true}
    }
    %while3A_56 = arith.constant 1 : i32
    scf.for %while3A_75 = %while3A_54 to %while3A_50 step %while3A_56  : i32 {
      %rem3A_76 = arith.constant 4 : i32
      %rem3A_77 = arith.remsi %while3A_75, %rem3A_76 : i32
      %eq3A_78 = arith.constant 0 : i32
      %eq3A_79 = arith.cmpi eq, %rem3A_77, %eq3A_78 : i32
      %gt3A = arith.constant 0 : i32
      %gt3A_80 = arith.cmpi sgt, %while3A_75, %gt3A : i32
      %and3A_81 = arith.andi %eq3A_79, %gt3A_80 : i1
      %convert_element_type3A = arith.extui %and3A_81 : i1 to i32
      %cond3A = arith.constant 0 : i32
      %cond3A_82 = arith.cmpi ne, %convert_element_type3A, %cond3A : i32
      scf.if %cond3A_82 {
        %dma_wait3A_156 = arith.constant 0 : i32
        %dma_wait3A_157 = arith.constant 0 : i32
        %dma_wait3A_158 = tpu.memref_slice %arg8[%dma_wait3A_156, %dma_wait3A_157] : memref<16x128xi32, #tpu.memory_space<vmem>> -> memref<1x128xi32, #tpu.memory_space<vmem>>
        %dma_wait3A_159 = tpu.memref_squeeze %dma_wait3A_158 : memref<1x128xi32, #tpu.memory_space<vmem>> -> memref<128xi32, #tpu.memory_space<vmem>>
        %dma_wait3A_160 = arith.constant 0 : i32
        %dma_wait3A_161 = arith.constant 0 : i32
        %dma_wait3A_162 = tpu.memref_slice %arg16[%dma_wait3A_160, %dma_wait3A_161] : memref<10240x128xf32, #tpu.memory_space<vmem_shared>> -> memref<10240x128xf32, #tpu.memory_space<vmem_shared>>
        tpu.wait_indirect_dma semaphore(%arg14 : memref<!tpu.dma_semaphore, #tpu.memory_space<semaphore_mem>>) src(%arg9 : memref<128x128xf32, #tpu.memory_space<vmem>>) dst(%dma_wait3A_162 : memref<10240x128xf32, #tpu.memory_space<vmem_shared>>)
        %dma_wait3A_163 = arith.constant 0 : i32
        %dma_wait3A_164 = arith.constant 0 : i32
        %dma_wait3A_165 = tpu.memref_slice %arg8[%dma_wait3A_163, %dma_wait3A_164] : memref<16x128xi32, #tpu.memory_space<vmem>> -> memref<1x128xi32, #tpu.memory_space<vmem>>
        %dma_wait3A_166 = tpu.memref_squeeze %dma_wait3A_165 : memref<1x128xi32, #tpu.memory_space<vmem>> -> memref<128xi32, #tpu.memory_space<vmem>>
        %dma_wait3A_167 = arith.constant 0 : i32
        %dma_wait3A_168 = arith.constant 0 : i32
        %dma_wait3A_169 = tpu.memref_slice %arg16[%dma_wait3A_167, %dma_wait3A_168] : memref<10240x128xf32, #tpu.memory_space<vmem_shared>> -> memref<10240x128xf32, #tpu.memory_space<vmem_shared>>
        tpu.wait_indirect_dma semaphore(%arg15 : memref<!tpu.dma_semaphore, #tpu.memory_space<semaphore_mem>>) src(%arg10 : memref<128x128xf32, #tpu.memory_space<vmem>>) dst(%dma_wait3A_169 : memref<10240x128xf32, #tpu.memory_space<vmem_shared>>)
      } else {
      }
      %convert_element_type3A_83 = arith.extui %eq3A_79 : i1 to i32
      %cond3A_84 = arith.constant 0 : i32
      %cond3A_85 = arith.cmpi ne, %convert_element_type3A_83, %cond3A_84 : i32
      scf.if %cond3A_85 {
        %dma_wait3A_156 = arith.constant 0 : i32
        %dma_wait3A_157 = arith.constant 0 : i32
        %dma_wait3A_158 = tpu.memref_slice %arg7[%dma_wait3A_156, %dma_wait3A_157] : memref<16x128xi32, #tpu.memory_space<vmem>> -> memref<8x128xi32, #tpu.memory_space<vmem>>
        %dma_wait3A_159 = arith.constant 0 : i32
        %dma_wait3A_160 = arith.constant 0 : i32
        %dma_wait3A_161 = tpu.memref_slice %arg3[%dma_wait3A_159, %dma_wait3A_160] : memref<2560x128xi32, #tpu.memory_space<hbm>> -> memref<8x128xi32, #tpu.memory_space<hbm>>
        %dma_wait3A_162 = arith.constant 0 : i32
        %dma_wait3A_163 = arith.constant 0 : i32
        %dma_wait3A_164 = tpu.memref_slice %arg7[%dma_wait3A_162, %dma_wait3A_163] : memref<16x128xi32, #tpu.memory_space<vmem>> -> memref<8x128xi32, #tpu.memory_space<vmem>>
        %dma_wait3A_165 = arith.constant 0 : i32
        %dma_wait3A_166 = arith.constant 0 : i32
        %dma_wait3A_167 = tpu.memref_slice %arg3[%dma_wait3A_165, %dma_wait3A_166] : memref<2560x128xi32, #tpu.memory_space<hbm>> -> memref<8x128xi32, #tpu.memory_space<hbm>>
        tpu.wait_dma2 semaphore(%arg11 : memref<!tpu.dma_semaphore, #tpu.memory_space<semaphore_mem>>) src(%dma_wait3A_167 : memref<8x128xi32, #tpu.memory_space<hbm>>) dst(%dma_wait3A_164 : memref<8x128xi32, #tpu.memory_space<vmem>>)
        %dma_wait3A_168 = arith.constant 0 : i32
        %dma_wait3A_169 = arith.constant 0 : i32
        %dma_wait3A_170 = tpu.memref_slice %arg8[%dma_wait3A_168, %dma_wait3A_169] : memref<16x128xi32, #tpu.memory_space<vmem>> -> memref<8x128xi32, #tpu.memory_space<vmem>>
        %dma_wait3A_171 = arith.constant 0 : i32
        %dma_wait3A_172 = arith.constant 0 : i32
        %dma_wait3A_173 = tpu.memref_slice %arg3[%dma_wait3A_171, %dma_wait3A_172] : memref<2560x128xi32, #tpu.memory_space<hbm>> -> memref<8x128xi32, #tpu.memory_space<hbm>>
        %dma_wait3A_174 = arith.constant 0 : i32
        %dma_wait3A_175 = arith.constant 0 : i32
        %dma_wait3A_176 = tpu.memref_slice %arg8[%dma_wait3A_174, %dma_wait3A_175] : memref<16x128xi32, #tpu.memory_space<vmem>> -> memref<8x128xi32, #tpu.memory_space<vmem>>
        %dma_wait3A_177 = arith.constant 0 : i32
        %dma_wait3A_178 = arith.constant 0 : i32
        %dma_wait3A_179 = tpu.memref_slice %arg3[%dma_wait3A_177, %dma_wait3A_178] : memref<2560x128xi32, #tpu.memory_space<hbm>> -> memref<8x128xi32, #tpu.memory_space<hbm>>
        tpu.wait_dma2 semaphore(%arg11 : memref<!tpu.dma_semaphore, #tpu.memory_space<semaphore_mem>>) src(%dma_wait3A_179 : memref<8x128xi32, #tpu.memory_space<hbm>>) dst(%dma_wait3A_176 : memref<8x128xi32, #tpu.memory_space<vmem>>)
      } else {
      }
      %sub3A_86 = arith.constant 4 : i32
      %sub3A_87 = arith.subi %select_n3A_26, %sub3A_86 : i32
      %lt3A = arith.cmpi slt, %while3A_75, %sub3A_87 : i32
      %and3A_88 = arith.andi %eq3A_79, %lt3A : i1
      %convert_element_type3A_89 = arith.extui %and3A_88 : i1 to i32
      %cond3A_90 = arith.constant 0 : i32
      %cond3A_91 = arith.cmpi ne, %convert_element_type3A_89, %cond3A_90 : i32
      scf.if %cond3A_91 {
        %jit3A_156 = arith.constant 4 : i32
        %div3A_157 = arith.divsi %while3A_75, %jit3A_156 : i32
        %sign3A_158 = arith.constant 0 : i32
        %sign3A_159 = arith.cmpi sgt, %while3A_75, %sign3A_158 : i32
        %sign3A_160 = arith.extui %sign3A_159 : i1 to i32
        %sign3A_161 = arith.constant 0 : i32
        %sign3A_162 = arith.cmpi slt, %while3A_75, %sign3A_161 : i32
        %sign3A_163 = arith.extui %sign3A_162 : i1 to i32
        %sign3A_164 = arith.subi %sign3A_160, %sign3A_163 : i32
        %sign3A_165 = arith.constant 0 : i32
        %sign3A_166 = arith.cmpi sgt, %jit3A_156, %sign3A_165 : i32
        %sign3A_167 = arith.extui %sign3A_166 : i1 to i32
        %sign3A_168 = arith.constant 0 : i32
        %sign3A_169 = arith.cmpi slt, %jit3A_156, %sign3A_168 : i32
        %sign3A_170 = arith.extui %sign3A_169 : i1 to i32
        %sign3A_171 = arith.subi %sign3A_167, %sign3A_170 : i32
        %ne3A_172 = arith.cmpi ne, %sign3A_164, %sign3A_171 : i32
        %rem3A_173 = arith.remsi %while3A_75, %jit3A_156 : i32
        %ne3A_174 = arith.constant 0 : i32
        %ne3A_175 = arith.cmpi ne, %rem3A_173, %ne3A_174 : i32
        %and3A_176 = arith.andi %ne3A_172, %ne3A_175 : i1
        %sub3A_177 = arith.constant 1 : i32
        %sub3A_178 = arith.subi %div3A_157, %sub3A_177 : i32
        %select_n3A_179 = arith.select %and3A_176, %sub3A_178, %div3A_157 : i32
        %add3A_180 = arith.constant 1 : i32
        %add3A_181 = arith.addi %select_n3A_179, %add3A_180 : i32
        %mul3A_182 = arith.constant 8 : i32
        %mul3A_183 = arith.muli %add3A_181, %mul3A_182 : i32
        %add3A_184 = arith.addi %multiple_of3A, %mul3A_183 : i32
        %multiple_of3A_185 = tpu.assume_multiple %add3A_184, 8 : i32
        %rem3A_186 = arith.constant 2 : i32
        %rem3A_187 = arith.remsi %add3A_181, %rem3A_186 : i32
        %mul3A_188 = arith.constant 8 : i32
        %mul3A_189 = arith.muli %rem3A_187, %mul3A_188 : i32
        %multiple_of3A_190 = tpu.assume_multiple %mul3A_189, 8 : i32
        %dma_start3A_191 = arith.constant 0 : i32
        %dma_start3A_192 = tpu.memref_slice %arg7[%multiple_of3A_190, %dma_start3A_191] : memref<16x128xi32, #tpu.memory_space<vmem>> -> memref<8x128xi32, #tpu.memory_space<vmem>>
        %dma_start3A_193 = arith.constant 0 : i32
        %dma_start3A_194 = tpu.memref_slice %arg3[%multiple_of3A_185, %dma_start3A_193] : memref<2560x128xi32, #tpu.memory_space<hbm>> -> memref<8x128xi32, #tpu.memory_space<hbm>>
        %dma_start3A_195 = arith.constant 0 : i32
        %dma_start3A_196 = tpu.memref_slice %arg7[%multiple_of3A_190, %dma_start3A_195] : memref<16x128xi32, #tpu.memory_space<vmem>> -> memref<8x128xi32, #tpu.memory_space<vmem>>
        %dma_start3A_197 = arith.constant 0 : i32
        %dma_start3A_198 = tpu.memref_slice %arg3[%multiple_of3A_185, %dma_start3A_197] : memref<2560x128xi32, #tpu.memory_space<hbm>> -> memref<8x128xi32, #tpu.memory_space<hbm>>
        tpu.enqueue_dma source(%dma_start3A_198 : memref<8x128xi32, #tpu.memory_space<hbm>>) target(%dma_start3A_196 : memref<8x128xi32, #tpu.memory_space<vmem>>) target_semaphore(%arg11 : memref<!tpu.dma_semaphore, #tpu.memory_space<semaphore_mem>>)
        %dma_start3A_199 = arith.constant 0 : i32
        %dma_start3A_200 = tpu.memref_slice %arg8[%multiple_of3A_190, %dma_start3A_199] : memref<16x128xi32, #tpu.memory_space<vmem>> -> memref<8x128xi32, #tpu.memory_space<vmem>>
        %dma_start3A_201 = arith.constant 0 : i32
        %dma_start3A_202 = tpu.memref_slice %arg4[%multiple_of3A_185, %dma_start3A_201] : memref<2560x128xi32, #tpu.memory_space<hbm>> -> memref<8x128xi32, #tpu.memory_space<hbm>>
        %dma_start3A_203 = arith.constant 0 : i32
        %dma_start3A_204 = tpu.memref_slice %arg8[%multiple_of3A_190, %dma_start3A_203] : memref<16x128xi32, #tpu.memory_space<vmem>> -> memref<8x128xi32, #tpu.memory_space<vmem>>
        %dma_start3A_205 = arith.constant 0 : i32
        %dma_start3A_206 = tpu.memref_slice %arg4[%multiple_of3A_185, %dma_start3A_205] : memref<2560x128xi32, #tpu.memory_space<hbm>> -> memref<8x128xi32, #tpu.memory_space<hbm>>
        tpu.enqueue_dma source(%dma_start3A_206 : memref<8x128xi32, #tpu.memory_space<hbm>>) target(%dma_start3A_204 : memref<8x128xi32, #tpu.memory_space<vmem>>) target_semaphore(%arg11 : memref<!tpu.dma_semaphore, #tpu.memory_space<semaphore_mem>>)
      } else {
      }
      %not3A = arith.constant true
      %not3A_92 = arith.xori %eq3A_79, %not3A : i1
      %convert_element_type3A_93 = arith.extui %not3A_92 : i1 to i32
      %cond3A_94 = arith.constant 0 : i32
      %cond3A_95 = arith.cmpi ne, %convert_element_type3A_93, %cond3A_94 : i32
      scf.if %cond3A_95 {
        %dma_wait3A_156 = arith.constant 0 : i32
        %dma_wait3A_157 = arith.constant 0 : i32
        %dma_wait3A_158 = tpu.memref_slice %arg8[%dma_wait3A_156, %dma_wait3A_157] : memref<16x128xi32, #tpu.memory_space<vmem>> -> memref<1x128xi32, #tpu.memory_space<vmem>>
        %dma_wait3A_159 = tpu.memref_squeeze %dma_wait3A_158 : memref<1x128xi32, #tpu.memory_space<vmem>> -> memref<128xi32, #tpu.memory_space<vmem>>
        %dma_wait3A_160 = arith.constant 0 : i32
        %dma_wait3A_161 = arith.constant 0 : i32
        %dma_wait3A_162 = tpu.memref_slice %arg16[%dma_wait3A_160, %dma_wait3A_161] : memref<10240x128xf32, #tpu.memory_space<vmem_shared>> -> memref<10240x128xf32, #tpu.memory_space<vmem_shared>>
        tpu.wait_indirect_dma semaphore(%arg14 : memref<!tpu.dma_semaphore, #tpu.memory_space<semaphore_mem>>) src(%arg9 : memref<128x128xf32, #tpu.memory_space<vmem>>) dst(%dma_wait3A_162 : memref<10240x128xf32, #tpu.memory_space<vmem_shared>>)
        %dma_wait3A_163 = arith.constant 0 : i32
        %dma_wait3A_164 = arith.constant 0 : i32
        %dma_wait3A_165 = tpu.memref_slice %arg8[%dma_wait3A_163, %dma_wait3A_164] : memref<16x128xi32, #tpu.memory_space<vmem>> -> memref<1x128xi32, #tpu.memory_space<vmem>>
        %dma_wait3A_166 = tpu.memref_squeeze %dma_wait3A_165 : memref<1x128xi32, #tpu.memory_space<vmem>> -> memref<128xi32, #tpu.memory_space<vmem>>
        %dma_wait3A_167 = arith.constant 0 : i32
        %dma_wait3A_168 = arith.constant 0 : i32
        %dma_wait3A_169 = tpu.memref_slice %arg16[%dma_wait3A_167, %dma_wait3A_168] : memref<10240x128xf32, #tpu.memory_space<vmem_shared>> -> memref<10240x128xf32, #tpu.memory_space<vmem_shared>>
        tpu.wait_indirect_dma semaphore(%arg15 : memref<!tpu.dma_semaphore, #tpu.memory_space<semaphore_mem>>) src(%arg10 : memref<128x128xf32, #tpu.memory_space<vmem>>) dst(%dma_wait3A_169 : memref<10240x128xf32, #tpu.memory_space<vmem_shared>>)
      } else {
      }
      %mul3A_96 = arith.constant 2 : i32
      %mul3A_97 = arith.muli %mul3A_96, %while3A_75 : i32
      %add3A_98 = arith.constant 0 : i32
      %add3A_99 = arith.addi %mul3A_97, %add3A_98 : i32
      %rem3A_100 = arith.constant 16 : i32
      %rem3A_101 = arith.remsi %add3A_99, %rem3A_100 : i32
      %dma_start3A_102 = arith.constant 0 : i32
      %dma_start3A_103 = tpu.memref_slice %arg7[%rem3A_101, %dma_start3A_102] : memref<16x128xi32, #tpu.memory_space<vmem>> -> memref<1x128xi32, #tpu.memory_space<vmem>>
      %dma_start3A_104 = tpu.memref_squeeze %dma_start3A_103 : memref<1x128xi32, #tpu.memory_space<vmem>> -> memref<128xi32, #tpu.memory_space<vmem>>
      %dma_start3A_105 = arith.constant 0 : i32
      %dma_start3A_106 = arith.constant 0 : i32
      %dma_start3A_107 = tpu.memref_slice %arg2[%dma_start3A_105, %dma_start3A_106] : memref<10240x128xf32, #tpu.memory_space<hbm>> -> memref<10240x128xf32, #tpu.memory_space<hbm>>
      tpu.enqueue_indirect_dma source(%dma_start3A_107 : memref<10240x128xf32, #tpu.memory_space<hbm>>) target(%arg9 : memref<128x128xf32, #tpu.memory_space<vmem>>) offsets(%dma_start3A_104 : memref<128xi32, #tpu.memory_space<vmem>>) semaphore(%arg12 : memref<!tpu.dma_semaphore, #tpu.memory_space<semaphore_mem>>)
      %mul3A_108 = arith.constant 2 : i32
      %mul3A_109 = arith.muli %mul3A_108, %while3A_75 : i32
      %add3A_110 = arith.constant 1 : i32
      %add3A_111 = arith.addi %mul3A_109, %add3A_110 : i32
      %rem3A_112 = arith.constant 16 : i32
      %rem3A_113 = arith.remsi %add3A_111, %rem3A_112 : i32
      %dma_start3A_114 = arith.constant 0 : i32
      %dma_start3A_115 = tpu.memref_slice %arg7[%rem3A_113, %dma_start3A_114] : memref<16x128xi32, #tpu.memory_space<vmem>> -> memref<1x128xi32, #tpu.memory_space<vmem>>
      %dma_start3A_116 = tpu.memref_squeeze %dma_start3A_115 : memref<1x128xi32, #tpu.memory_space<vmem>> -> memref<128xi32, #tpu.memory_space<vmem>>
      %dma_start3A_117 = arith.constant 0 : i32
      %dma_start3A_118 = arith.constant 0 : i32
      %dma_start3A_119 = tpu.memref_slice %arg2[%dma_start3A_117, %dma_start3A_118] : memref<10240x128xf32, #tpu.memory_space<hbm>> -> memref<10240x128xf32, #tpu.memory_space<hbm>>
      tpu.enqueue_indirect_dma source(%dma_start3A_119 : memref<10240x128xf32, #tpu.memory_space<hbm>>) target(%arg10 : memref<128x128xf32, #tpu.memory_space<vmem>>) offsets(%dma_start3A_116 : memref<128xi32, #tpu.memory_space<vmem>>) semaphore(%arg13 : memref<!tpu.dma_semaphore, #tpu.memory_space<semaphore_mem>>)
      %mul3A_120 = arith.constant 2 : i32
      %mul3A_121 = arith.muli %mul3A_120, %while3A_75 : i32
      %add3A_122 = arith.constant 0 : i32
      %add3A_123 = arith.addi %mul3A_121, %add3A_122 : i32
      %rem3A_124 = arith.constant 16 : i32
      %rem3A_125 = arith.remsi %add3A_123, %rem3A_124 : i32
      %dma_wait3A_126 = arith.constant 0 : i32
      %dma_wait3A_127 = tpu.memref_slice %arg7[%rem3A_125, %dma_wait3A_126] : memref<16x128xi32, #tpu.memory_space<vmem>> -> memref<1x128xi32, #tpu.memory_space<vmem>>
      %dma_wait3A_128 = tpu.memref_squeeze %dma_wait3A_127 : memref<1x128xi32, #tpu.memory_space<vmem>> -> memref<128xi32, #tpu.memory_space<vmem>>
      %dma_wait3A_129 = arith.constant 0 : i32
      %dma_wait3A_130 = arith.constant 0 : i32
      %dma_wait3A_131 = tpu.memref_slice %arg2[%dma_wait3A_129, %dma_wait3A_130] : memref<10240x128xf32, #tpu.memory_space<hbm>> -> memref<10240x128xf32, #tpu.memory_space<hbm>>
      tpu.wait_indirect_dma semaphore(%arg12 : memref<!tpu.dma_semaphore, #tpu.memory_space<semaphore_mem>>) src(%dma_wait3A_131 : memref<10240x128xf32, #tpu.memory_space<hbm>>) dst(%arg9 : memref<128x128xf32, #tpu.memory_space<vmem>>)
      %dma_start3A_132 = arith.constant 0 : i32
      %dma_start3A_133 = tpu.memref_slice %arg8[%rem3A_125, %dma_start3A_132] : memref<16x128xi32, #tpu.memory_space<vmem>> -> memref<1x128xi32, #tpu.memory_space<vmem>>
      %dma_start3A_134 = tpu.memref_squeeze %dma_start3A_133 : memref<1x128xi32, #tpu.memory_space<vmem>> -> memref<128xi32, #tpu.memory_space<vmem>>
      %dma_start3A_135 = arith.constant 0 : i32
      %dma_start3A_136 = arith.constant 0 : i32
      %dma_start3A_137 = tpu.memref_slice %arg16[%dma_start3A_135, %dma_start3A_136] : memref<10240x128xf32, #tpu.memory_space<vmem_shared>> -> memref<10240x128xf32, #tpu.memory_space<vmem_shared>>
      tpu.enqueue_indirect_dma source(%arg9 : memref<128x128xf32, #tpu.memory_space<vmem>>) target(%dma_start3A_137 : memref<10240x128xf32, #tpu.memory_space<vmem_shared>>) offsets(%dma_start3A_134 : memref<128xi32, #tpu.memory_space<vmem>>) semaphore(%arg14 : memref<!tpu.dma_semaphore, #tpu.memory_space<semaphore_mem>>) {add = true}
      %mul3A_138 = arith.constant 2 : i32
      %mul3A_139 = arith.muli %mul3A_138, %while3A_75 : i32
      %add3A_140 = arith.constant 1 : i32
      %add3A_141 = arith.addi %mul3A_139, %add3A_140 : i32
      %rem3A_142 = arith.constant 16 : i32
      %rem3A_143 = arith.remsi %add3A_141, %rem3A_142 : i32
      %dma_wait3A_144 = arith.constant 0 : i32
      %dma_wait3A_145 = tpu.memref_slice %arg7[%rem3A_143, %dma_wait3A_144] : memref<16x128xi32, #tpu.memory_space<vmem>> -> memref<1x128xi32, #tpu.memory_space<vmem>>
      %dma_wait3A_146 = tpu.memref_squeeze %dma_wait3A_145 : memref<1x128xi32, #tpu.memory_space<vmem>> -> memref<128xi32, #tpu.memory_space<vmem>>
      %dma_wait3A_147 = arith.constant 0 : i32
      %dma_wait3A_148 = arith.constant 0 : i32
      %dma_wait3A_149 = tpu.memref_slice %arg2[%dma_wait3A_147, %dma_wait3A_148] : memref<10240x128xf32, #tpu.memory_space<hbm>> -> memref<10240x128xf32, #tpu.memory_space<hbm>>
      tpu.wait_indirect_dma semaphore(%arg13 : memref<!tpu.dma_semaphore, #tpu.memory_space<semaphore_mem>>) src(%dma_wait3A_149 : memref<10240x128xf32, #tpu.memory_space<hbm>>) dst(%arg10 : memref<128x128xf32, #tpu.memory_space<vmem>>)
      %dma_start3A_150 = arith.constant 0 : i32
      %dma_start3A_151 = tpu.memref_slice %arg8[%rem3A_143, %dma_start3A_150] : memref<16x128xi32, #tpu.memory_space<vmem>> -> memref<1x128xi32, #tpu.memory_space<vmem>>
      %dma_start3A_152 = tpu.memref_squeeze %dma_start3A_151 : memref<1x128xi32, #tpu.memory_space<vmem>> -> memref<128xi32, #tpu.memory_space<vmem>>
      %dma_start3A_153 = arith.constant 0 : i32
      %dma_start3A_154 = arith.constant 0 : i32
      %dma_start3A_155 = tpu.memref_slice %arg16[%dma_start3A_153, %dma_start3A_154] : memref<10240x128xf32, #tpu.memory_space<vmem_shared>> -> memref<10240x128xf32, #tpu.memory_space<vmem_shared>>
      tpu.enqueue_indirect_dma source(%arg10 : memref<128x128xf32, #tpu.memory_space<vmem>>) target(%dma_start3A_155 : memref<10240x128xf32, #tpu.memory_space<vmem_shared>>) offsets(%dma_start3A_152 : memref<128xi32, #tpu.memory_space<vmem>>) semaphore(%arg15 : memref<!tpu.dma_semaphore, #tpu.memory_space<semaphore_mem>>) {add = true}
    }
    %dma_wait3A = arith.constant 0 : i32
    %dma_wait3A_57 = arith.constant 0 : i32
    %dma_wait3A_58 = tpu.memref_slice %arg8[%dma_wait3A, %dma_wait3A_57] : memref<16x128xi32, #tpu.memory_space<vmem>> -> memref<1x128xi32, #tpu.memory_space<vmem>>
    %dma_wait3A_59 = tpu.memref_squeeze %dma_wait3A_58 : memref<1x128xi32, #tpu.memory_space<vmem>> -> memref<128xi32, #tpu.memory_space<vmem>>
    %dma_wait3A_60 = arith.constant 0 : i32
    %dma_wait3A_61 = arith.constant 0 : i32
    %dma_wait3A_62 = tpu.memref_slice %arg16[%dma_wait3A_60, %dma_wait3A_61] : memref<10240x128xf32, #tpu.memory_space<vmem_shared>> -> memref<10240x128xf32, #tpu.memory_space<vmem_shared>>
    tpu.wait_indirect_dma semaphore(%arg14 : memref<!tpu.dma_semaphore, #tpu.memory_space<semaphore_mem>>) src(%arg9 : memref<128x128xf32, #tpu.memory_space<vmem>>) dst(%dma_wait3A_62 : memref<10240x128xf32, #tpu.memory_space<vmem_shared>>)
    %dma_wait3A_63 = arith.constant 0 : i32
    %dma_wait3A_64 = arith.constant 0 : i32
    %dma_wait3A_65 = tpu.memref_slice %arg8[%dma_wait3A_63, %dma_wait3A_64] : memref<16x128xi32, #tpu.memory_space<vmem>> -> memref<1x128xi32, #tpu.memory_space<vmem>>
    %dma_wait3A_66 = tpu.memref_squeeze %dma_wait3A_65 : memref<1x128xi32, #tpu.memory_space<vmem>> -> memref<128xi32, #tpu.memory_space<vmem>>
    %dma_wait3A_67 = arith.constant 0 : i32
    %dma_wait3A_68 = arith.constant 0 : i32
    %dma_wait3A_69 = tpu.memref_slice %arg16[%dma_wait3A_67, %dma_wait3A_68] : memref<10240x128xf32, #tpu.memory_space<vmem_shared>> -> memref<10240x128xf32, #tpu.memory_space<vmem_shared>>
    tpu.wait_indirect_dma semaphore(%arg15 : memref<!tpu.dma_semaphore, #tpu.memory_space<semaphore_mem>>) src(%arg10 : memref<128x128xf32, #tpu.memory_space<vmem>>) dst(%dma_wait3A_69 : memref<10240x128xf32, #tpu.memory_space<vmem_shared>>)
    %barrier3A_70 = arith.constant 0 : index
    tpu.barrier barrier_id(%barrier3A_70)
    %mul3A_71 = arith.constant 640 : i32
    %mul3A_72 = arith.muli %arg1, %mul3A_71 : i32
    %mul3A_73 = arith.constant 640 : i32
    %mul3A_74 = arith.muli %arg1, %mul3A_73 : i32
    "tpu.region"() ({
      %run_scoped3A = tpu.sem_alloc : memref<!tpu.dma_semaphore, #tpu.memory_space<semaphore_mem>>
      %dma_start3A_75 = arith.constant 0 : i32
      %dma_start3A_76 = tpu.memref_slice %arg6[%arg0, %mul3A_74, %dma_start3A_75] : memref<2x10240x128xf32, #tpu.memory_space<hbm>> -> memref<1x640x128xf32, #tpu.memory_space<hbm>>
      %dma_start3A_77 = tpu.memref_squeeze %dma_start3A_76 : memref<1x640x128xf32, #tpu.memory_space<hbm>> -> memref<640x128xf32, #tpu.memory_space<hbm>>
      %dma_start3A_78 = arith.constant 0 : i32
      %dma_start3A_79 = tpu.memref_slice %arg16[%mul3A_72, %dma_start3A_78] : memref<10240x128xf32, #tpu.memory_space<vmem_shared>> -> memref<640x128xf32, #tpu.memory_space<vmem_shared>>
      tpu.enqueue_dma source(%dma_start3A_79 : memref<640x128xf32, #tpu.memory_space<vmem_shared>>) target(%dma_start3A_77 : memref<640x128xf32, #tpu.memory_space<hbm>>) target_semaphore(%run_scoped3A : memref<!tpu.dma_semaphore, #tpu.memory_space<semaphore_mem>>)
      %dma_wait3A_80 = arith.constant 0 : i32
      %dma_wait3A_81 = tpu.memref_slice %arg6[%arg0, %mul3A_74, %dma_wait3A_80] : memref<2x10240x128xf32, #tpu.memory_space<hbm>> -> memref<1x640x128xf32, #tpu.memory_space<hbm>>
      %dma_wait3A_82 = tpu.memref_squeeze %dma_wait3A_81 : memref<1x640x128xf32, #tpu.memory_space<hbm>> -> memref<640x128xf32, #tpu.memory_space<hbm>>
      %dma_wait3A_83 = arith.constant 0 : i32
      %dma_wait3A_84 = tpu.memref_slice %arg16[%mul3A_72, %dma_wait3A_83] : memref<10240x128xf32, #tpu.memory_space<vmem_shared>> -> memref<640x128xf32, #tpu.memory_space<vmem_shared>>
      tpu.wait_dma2 semaphore(%run_scoped3A : memref<!tpu.dma_semaphore, #tpu.memory_space<semaphore_mem>>) src(%dma_wait3A_84 : memref<640x128xf32, #tpu.memory_space<vmem_shared>>) dst(%dma_wait3A_82 : memref<640x128xf32, #tpu.memory_space<hbm>>)
      tpu.yield
    }) : () -> ()
    return
  }
}

#map = affine_map<(d0, d1) -> (0, 0)>
#map1 = affine_map<(d0, d1) -> (0, 0, 0)>
module attributes {stable_mosaic.version = 14 : i64} {
  func.func @_sc_count(%arg0: i32, %arg1: i32, %arg2: memref<2560x128xi32, #tpu.memory_space<hbm>>, %arg3: memref<128x128xf32, #tpu.memory_space<hbm>>, %arg4: memref<640x128xf32, #tpu.memory_space<hbm>>, %arg5: memref<2x10240x128xf32, #tpu.memory_space<hbm>>, %arg6: memref<80x128xi32, #tpu.memory_space<vmem>>, %arg7: memref<128x128xf32, #tpu.memory_space<vmem>>, %arg8: memref<10240x128xf32, #tpu.memory_space<vmem_shared>>) attributes {dimension_semantics = [#tpu.dimension_semantics<core_parallel>, #tpu.dimension_semantics<subcore_parallel>], iteration_bounds = array<i64: 2, 16>, scalar_prefetch = 0 : i64, scratch_operands = 3 : i64, tpu.core_type = #tpu.core_type<sc_vector_subcore>, window_params = [{transform_indices = #map}, {transform_indices = #map}, {transform_indices = #map}, {transform_indices = #map1}]} {
    %mul3A = arith.constant 16 : i32
    %mul3A_0 = arith.muli %arg0, %mul3A : i32
    %add3A = arith.addi %mul3A_0, %arg1 : i32
    %mul3A_1 = arith.constant 640 : i32
    %mul3A_2 = arith.muli %arg1, %mul3A_1 : i32
    "tpu.region"() ({
      %run_scoped3A = tpu.sem_alloc : memref<!tpu.dma_semaphore, #tpu.memory_space<semaphore_mem>>
      %dma_start3A = arith.constant 0 : i32
      %dma_start3A_15 = tpu.memref_slice %arg8[%mul3A_2, %dma_start3A] : memref<10240x128xf32, #tpu.memory_space<vmem_shared>> -> memref<640x128xf32, #tpu.memory_space<vmem_shared>>
      tpu.enqueue_dma source(%arg4 : memref<640x128xf32, #tpu.memory_space<hbm>>) target(%dma_start3A_15 : memref<640x128xf32, #tpu.memory_space<vmem_shared>>) target_semaphore(%run_scoped3A : memref<!tpu.dma_semaphore, #tpu.memory_space<semaphore_mem>>)
      %dma_wait3A = arith.constant 0 : i32
      %dma_wait3A_16 = tpu.memref_slice %arg8[%mul3A_2, %dma_wait3A] : memref<10240x128xf32, #tpu.memory_space<vmem_shared>> -> memref<640x128xf32, #tpu.memory_space<vmem_shared>>
      tpu.wait_dma2 semaphore(%run_scoped3A : memref<!tpu.dma_semaphore, #tpu.memory_space<semaphore_mem>>) src(%arg4 : memref<640x128xf32, #tpu.memory_space<hbm>>) dst(%dma_wait3A_16 : memref<640x128xf32, #tpu.memory_space<vmem_shared>>)
      tpu.yield
    }) : () -> ()
    "tpu.region"() ({
      %run_scoped3A = tpu.sem_alloc : memref<!tpu.dma_semaphore, #tpu.memory_space<semaphore_mem>>
      tpu.enqueue_dma source(%arg3 : memref<128x128xf32, #tpu.memory_space<hbm>>) target(%arg7 : memref<128x128xf32, #tpu.memory_space<vmem>>) target_semaphore(%run_scoped3A : memref<!tpu.dma_semaphore, #tpu.memory_space<semaphore_mem>>)
      tpu.wait_dma2 semaphore(%run_scoped3A : memref<!tpu.dma_semaphore, #tpu.memory_space<semaphore_mem>>) src(%arg3 : memref<128x128xf32, #tpu.memory_space<hbm>>) dst(%arg7 : memref<128x128xf32, #tpu.memory_space<vmem>>)
      tpu.yield
    }) : () -> ()
    %mul3A_3 = arith.constant 80 : i32
    %mul3A_4 = arith.muli %add3A, %mul3A_3 : i32
    "tpu.region"() ({
      %run_scoped3A = tpu.sem_alloc : memref<!tpu.dma_semaphore, #tpu.memory_space<semaphore_mem>>
      %dma_start3A = arith.constant 0 : i32
      %dma_start3A_15 = tpu.memref_slice %arg2[%mul3A_4, %dma_start3A] : memref<2560x128xi32, #tpu.memory_space<hbm>> -> memref<80x128xi32, #tpu.memory_space<hbm>>
      %dma_start3A_16 = arith.constant 0 : i32
      %dma_start3A_17 = tpu.memref_slice %arg2[%mul3A_4, %dma_start3A_16] : memref<2560x128xi32, #tpu.memory_space<hbm>> -> memref<80x128xi32, #tpu.memory_space<hbm>>
      tpu.enqueue_dma source(%dma_start3A_17 : memref<80x128xi32, #tpu.memory_space<hbm>>) target(%arg6 : memref<80x128xi32, #tpu.memory_space<vmem>>) target_semaphore(%run_scoped3A : memref<!tpu.dma_semaphore, #tpu.memory_space<semaphore_mem>>)
      %dma_wait3A = arith.constant 0 : i32
      %dma_wait3A_18 = tpu.memref_slice %arg2[%mul3A_4, %dma_wait3A] : memref<2560x128xi32, #tpu.memory_space<hbm>> -> memref<80x128xi32, #tpu.memory_space<hbm>>
      %dma_wait3A_19 = arith.constant 0 : i32
      %dma_wait3A_20 = tpu.memref_slice %arg2[%mul3A_4, %dma_wait3A_19] : memref<2560x128xi32, #tpu.memory_space<hbm>> -> memref<80x128xi32, #tpu.memory_space<hbm>>
      tpu.wait_dma2 semaphore(%run_scoped3A : memref<!tpu.dma_semaphore, #tpu.memory_space<semaphore_mem>>) src(%dma_wait3A_20 : memref<80x128xi32, #tpu.memory_space<hbm>>) dst(%arg6 : memref<80x128xi32, #tpu.memory_space<vmem>>)
      tpu.yield
    }) : () -> ()
    %barrier3A = arith.constant 0 : index
    tpu.barrier barrier_id(%barrier3A)
    %scan3A = arith.constant 0 : i32
    %scan3A_5 = arith.constant 0 : i32
    %scan3A_6 = arith.constant 80 : i32
    %scan3A_7 = arith.addi %scan3A_5, %scan3A_6 : i32
    %scan3A_8 = arith.constant 1 : i32
    scf.for %scan3A_15 = %scan3A_5 to %scan3A_7 step %scan3A_8  : i32 {
      "tpu.region"() ({
        %run_scoped3A = tpu.sem_alloc : memref<!tpu.dma_semaphore, #tpu.memory_space<semaphore_mem>>
        %dma_start3A = arith.constant 0 : i32
        %dma_start3A_16 = tpu.memref_slice %arg6[%scan3A_15, %dma_start3A] : memref<80x128xi32, #tpu.memory_space<vmem>> -> memref<1x128xi32, #tpu.memory_space<vmem>>
        %dma_start3A_17 = tpu.memref_squeeze %dma_start3A_16 : memref<1x128xi32, #tpu.memory_space<vmem>> -> memref<128xi32, #tpu.memory_space<vmem>>
        %dma_start3A_18 = arith.constant 0 : i32
        %dma_start3A_19 = arith.constant 0 : i32
        %dma_start3A_20 = tpu.memref_slice %arg8[%dma_start3A_18, %dma_start3A_19] : memref<10240x128xf32, #tpu.memory_space<vmem_shared>> -> memref<10240x128xf32, #tpu.memory_space<vmem_shared>>
        tpu.enqueue_indirect_dma source(%arg7 : memref<128x128xf32, #tpu.memory_space<vmem>>) target(%dma_start3A_20 : memref<10240x128xf32, #tpu.memory_space<vmem_shared>>) offsets(%dma_start3A_17 : memref<128xi32, #tpu.memory_space<vmem>>) semaphore(%run_scoped3A : memref<!tpu.dma_semaphore, #tpu.memory_space<semaphore_mem>>) {add = true}
        %dma_wait3A = arith.constant 0 : i32
        %dma_wait3A_21 = tpu.memref_slice %arg6[%scan3A_15, %dma_wait3A] : memref<80x128xi32, #tpu.memory_space<vmem>> -> memref<1x128xi32, #tpu.memory_space<vmem>>
        %dma_wait3A_22 = tpu.memref_squeeze %dma_wait3A_21 : memref<1x128xi32, #tpu.memory_space<vmem>> -> memref<128xi32, #tpu.memory_space<vmem>>
        %dma_wait3A_23 = arith.constant 0 : i32
        %dma_wait3A_24 = arith.constant 0 : i32
        %dma_wait3A_25 = tpu.memref_slice %arg8[%dma_wait3A_23, %dma_wait3A_24] : memref<10240x128xf32, #tpu.memory_space<vmem_shared>> -> memref<10240x128xf32, #tpu.memory_space<vmem_shared>>
        tpu.wait_indirect_dma semaphore(%run_scoped3A : memref<!tpu.dma_semaphore, #tpu.memory_space<semaphore_mem>>) src(%arg7 : memref<128x128xf32, #tpu.memory_space<vmem>>) dst(%dma_wait3A_25 : memref<10240x128xf32, #tpu.memory_space<vmem_shared>>)
        tpu.yield
      }) : () -> ()
    }
    %scan3A_9 = arith.constant 80 : i32
    %barrier3A_10 = arith.constant 0 : index
    tpu.barrier barrier_id(%barrier3A_10)
    %mul3A_11 = arith.constant 640 : i32
    %mul3A_12 = arith.muli %arg1, %mul3A_11 : i32
    %mul3A_13 = arith.constant 640 : i32
    %mul3A_14 = arith.muli %arg1, %mul3A_13 : i32
    "tpu.region"() ({
      %run_scoped3A = tpu.sem_alloc : memref<!tpu.dma_semaphore, #tpu.memory_space<semaphore_mem>>
      %dma_start3A = arith.constant 0 : i32
      %dma_start3A_15 = tpu.memref_slice %arg5[%arg0, %mul3A_14, %dma_start3A] : memref<2x10240x128xf32, #tpu.memory_space<hbm>> -> memref<1x640x128xf32, #tpu.memory_space<hbm>>
      %dma_start3A_16 = tpu.memref_squeeze %dma_start3A_15 : memref<1x640x128xf32, #tpu.memory_space<hbm>> -> memref<640x128xf32, #tpu.memory_space<hbm>>
      %dma_start3A_17 = arith.constant 0 : i32
      %dma_start3A_18 = tpu.memref_slice %arg8[%mul3A_12, %dma_start3A_17] : memref<10240x128xf32, #tpu.memory_space<vmem_shared>> -> memref<640x128xf32, #tpu.memory_space<vmem_shared>>
      tpu.enqueue_dma source(%dma_start3A_18 : memref<640x128xf32, #tpu.memory_space<vmem_shared>>) target(%dma_start3A_16 : memref<640x128xf32, #tpu.memory_space<hbm>>) target_semaphore(%run_scoped3A : memref<!tpu.dma_semaphore, #tpu.memory_space<semaphore_mem>>)
      %dma_wait3A = arith.constant 0 : i32
      %dma_wait3A_19 = tpu.memref_slice %arg5[%arg0, %mul3A_14, %dma_wait3A] : memref<2x10240x128xf32, #tpu.memory_space<hbm>> -> memref<1x640x128xf32, #tpu.memory_space<hbm>>
      %dma_wait3A_20 = tpu.memref_squeeze %dma_wait3A_19 : memref<1x640x128xf32, #tpu.memory_space<hbm>> -> memref<640x128xf32, #tpu.memory_space<hbm>>
      %dma_wait3A_21 = arith.constant 0 : i32
      %dma_wait3A_22 = tpu.memref_slice %arg8[%mul3A_12, %dma_wait3A_21] : memref<10240x128xf32, #tpu.memory_space<vmem_shared>> -> memref<640x128xf32, #tpu.memory_space<vmem_shared>>
      tpu.wait_dma2 semaphore(%run_scoped3A : memref<!tpu.dma_semaphore, #tpu.memory_space<semaphore_mem>>) src(%dma_wait3A_22 : memref<640x128xf32, #tpu.memory_space<vmem_shared>>) dst(%dma_wait3A_20 : memref<640x128xf32, #tpu.memory_space<hbm>>)
      tpu.yield
    }) : () -> ()
    return
  }
}

#map = affine_map<(d0, d1) -> (0, 0)>
#map1 = affine_map<(d0, d1) -> (0, 0, 0)>
module attributes {stable_mosaic.version = 14 : i64} {
  func.func @_sc_aggregate(%arg0: i32, %arg1: i32, %arg2: memref<10240x128xf32, #tpu.memory_space<hbm>>, %arg3: memref<2560x128xi32, #tpu.memory_space<hbm>>, %arg4: memref<2560x128xi32, #tpu.memory_space<hbm>>, %arg5: memref<640x128xf32, #tpu.memory_space<hbm>>, %arg6: memref<2x10240x128xf32, #tpu.memory_space<hbm>>, %arg7: memref<16x128xi32, #tpu.memory_space<vmem>>, %arg8: memref<16x128xi32, #tpu.memory_space<vmem>>, %arg9: memref<128x128xf32, #tpu.memory_space<vmem>>, %arg10: memref<128x128xf32, #tpu.memory_space<vmem>>, %arg11: memref<!tpu.dma_semaphore, #tpu.memory_space<semaphore_mem>>, %arg12: memref<!tpu.dma_semaphore, #tpu.memory_space<semaphore_mem>>, %arg13: memref<!tpu.dma_semaphore, #tpu.memory_space<semaphore_mem>>, %arg14: memref<!tpu.dma_semaphore, #tpu.memory_space<semaphore_mem>>, %arg15: memref<!tpu.dma_semaphore, #tpu.memory_space<semaphore_mem>>, %arg16: memref<10240x128xf32, #tpu.memory_space<vmem_shared>>) attributes {dimension_semantics = [#tpu.dimension_semantics<core_parallel>, #tpu.dimension_semantics<subcore_parallel>], iteration_bounds = array<i64: 2, 16>, scalar_prefetch = 0 : i64, scratch_operands = 10 : i64, tpu.core_type = #tpu.core_type<sc_vector_subcore>, window_params = [{transform_indices = #map}, {transform_indices = #map}, {transform_indices = #map}, {transform_indices = #map}, {transform_indices = #map1}]} {
    %eq3A = arith.constant 0 : i32
    %eq3A_0 = arith.cmpi eq, %arg0, %eq3A : i32
    %jit3A = arith.constant 152 : i32
    %jit3A_1 = arith.constant 8 : i32
    %select_n3A = arith.select %eq3A_0, %jit3A, %jit3A_1 : i32
    %eq3A_2 = arith.constant 0 : i32
    %eq3A_3 = arith.cmpi eq, %arg0, %eq3A_2 : i32
    %mul3A = arith.constant 152 : i32
    %mul3A_4 = arith.muli %arg1, %mul3A : i32
    %mul3A_5 = arith.constant 8 : i32
    %mul3A_6 = arith.muli %arg1, %mul3A_5 : i32
    %add3A = arith.constant 2432 : i32
    %add3A_7 = arith.addi %add3A, %mul3A_6 : i32
    %select_n3A_8 = arith.select %eq3A_3, %mul3A_4, %add3A_7 : i32
    %multiple_of3A = tpu.assume_multiple %select_n3A_8, 8 : i32
    %jit3A_9 = arith.constant 2 : i32
    %div3A = arith.divsi %select_n3A, %jit3A_9 : i32
    %sign3A = arith.constant 0 : i32
    %sign3A_10 = arith.cmpi sgt, %select_n3A, %sign3A : i32
    %sign3A_11 = arith.extui %sign3A_10 : i1 to i32
    %sign3A_12 = arith.constant 0 : i32
    %sign3A_13 = arith.cmpi slt, %select_n3A, %sign3A_12 : i32
    %sign3A_14 = arith.extui %sign3A_13 : i1 to i32
    %sign3A_15 = arith.subi %sign3A_11, %sign3A_14 : i32
    %sign3A_16 = arith.constant 0 : i32
    %sign3A_17 = arith.cmpi sgt, %jit3A_9, %sign3A_16 : i32
    %sign3A_18 = arith.extui %sign3A_17 : i1 to i32
    %sign3A_19 = arith.constant 0 : i32
    %sign3A_20 = arith.cmpi slt, %jit3A_9, %sign3A_19 : i32
    %sign3A_21 = arith.extui %sign3A_20 : i1 to i32
    %sign3A_22 = arith.subi %sign3A_18, %sign3A_21 : i32
    %ne3A = arith.cmpi ne, %sign3A_15, %sign3A_22 : i32
    %rem3A = arith.remsi %select_n3A, %jit3A_9 : i32
    %ne3A_23 = arith.constant 0 : i32
    %ne3A_24 = arith.cmpi ne, %rem3A, %ne3A_23 : i32
    %and3A = arith.andi %ne3A, %ne3A_24 : i1
    %sub3A = arith.constant 1 : i32
    %sub3A_25 = arith.subi %div3A, %sub3A : i32
    %select_n3A_26 = arith.select %and3A, %sub3A_25, %div3A : i32
    %mul3A_27 = arith.constant 640 : i32
    %mul3A_28 = arith.muli %arg1, %mul3A_27 : i32
    "tpu.region"() ({
      %run_scoped3A = tpu.sem_alloc : memref<!tpu.dma_semaphore, #tpu.memory_space<semaphore_mem>>
      %dma_start3A_75 = arith.constant 0 : i32
      %dma_start3A_76 = tpu.memref_slice %arg16[%mul3A_28, %dma_start3A_75] : memref<10240x128xf32, #tpu.memory_space<vmem_shared>> -> memref<640x128xf32, #tpu.memory_space<vmem_shared>>
      tpu.enqueue_dma source(%arg5 : memref<640x128xf32, #tpu.memory_space<hbm>>) target(%dma_start3A_76 : memref<640x128xf32, #tpu.memory_space<vmem_shared>>) target_semaphore(%run_scoped3A : memref<!tpu.dma_semaphore, #tpu.memory_space<semaphore_mem>>)
      %dma_wait3A_77 = arith.constant 0 : i32
      %dma_wait3A_78 = tpu.memref_slice %arg16[%mul3A_28, %dma_wait3A_77] : memref<10240x128xf32, #tpu.memory_space<vmem_shared>> -> memref<640x128xf32, #tpu.memory_space<vmem_shared>>
      tpu.wait_dma2 semaphore(%run_scoped3A : memref<!tpu.dma_semaphore, #tpu.memory_space<semaphore_mem>>) src(%arg5 : memref<640x128xf32, #tpu.memory_space<hbm>>) dst(%dma_wait3A_78 : memref<640x128xf32, #tpu.memory_space<vmem_shared>>)
      tpu.yield
    }) : () -> ()
    %dma_start3A = arith.constant 0 : i32
    %dma_start3A_29 = arith.constant 0 : i32
    %dma_start3A_30 = tpu.memref_slice %arg7[%dma_start3A, %dma_start3A_29] : memref<16x128xi32, #tpu.memory_space<vmem>> -> memref<8x128xi32, #tpu.memory_space<vmem>>
    %dma_start3A_31 = arith.constant 0 : i32
    %dma_start3A_32 = tpu.memref_slice %arg3[%multiple_of3A, %dma_start3A_31] : memref<2560x128xi32, #tpu.memory_space<hbm>> -> memref<8x128xi32, #tpu.memory_space<hbm>>
    %dma_start3A_33 = arith.constant 0 : i32
    %dma_start3A_34 = arith.constant 0 : i32
    %dma_start3A_35 = tpu.memref_slice %arg7[%dma_start3A_33, %dma_start3A_34] : memref<16x128xi32, #tpu.memory_space<vmem>> -> memref<8x128xi32, #tpu.memory_space<vmem>>
    %dma_start3A_36 = arith.constant 0 : i32
    %dma_start3A_37 = tpu.memref_slice %arg3[%multiple_of3A, %dma_start3A_36] : memref<2560x128xi32, #tpu.memory_space<hbm>> -> memref<8x128xi32, #tpu.memory_space<hbm>>
    tpu.enqueue_dma source(%dma_start3A_37 : memref<8x128xi32, #tpu.memory_space<hbm>>) target(%dma_start3A_35 : memref<8x128xi32, #tpu.memory_space<vmem>>) target_semaphore(%arg11 : memref<!tpu.dma_semaphore, #tpu.memory_space<semaphore_mem>>)
    %dma_start3A_38 = arith.constant 0 : i32
    %dma_start3A_39 = arith.constant 0 : i32
    %dma_start3A_40 = tpu.memref_slice %arg8[%dma_start3A_38, %dma_start3A_39] : memref<16x128xi32, #tpu.memory_space<vmem>> -> memref<8x128xi32, #tpu.memory_space<vmem>>
    %dma_start3A_41 = arith.constant 0 : i32
    %dma_start3A_42 = tpu.memref_slice %arg4[%multiple_of3A, %dma_start3A_41] : memref<2560x128xi32, #tpu.memory_space<hbm>> -> memref<8x128xi32, #tpu.memory_space<hbm>>
    %dma_start3A_43 = arith.constant 0 : i32
    %dma_start3A_44 = arith.constant 0 : i32
    %dma_start3A_45 = tpu.memref_slice %arg8[%dma_start3A_43, %dma_start3A_44] : memref<16x128xi32, #tpu.memory_space<vmem>> -> memref<8x128xi32, #tpu.memory_space<vmem>>
    %dma_start3A_46 = arith.constant 0 : i32
    %dma_start3A_47 = tpu.memref_slice %arg4[%multiple_of3A, %dma_start3A_46] : memref<2560x128xi32, #tpu.memory_space<hbm>> -> memref<8x128xi32, #tpu.memory_space<hbm>>
    tpu.enqueue_dma source(%dma_start3A_47 : memref<8x128xi32, #tpu.memory_space<hbm>>) target(%dma_start3A_45 : memref<8x128xi32, #tpu.memory_space<vmem>>) target_semaphore(%arg11 : memref<!tpu.dma_semaphore, #tpu.memory_space<semaphore_mem>>)
    %barrier3A = arith.constant 0 : index
    tpu.barrier barrier_id(%barrier3A)
    %while3A = arith.constant 0 : i32
    %while3A_48 = arith.constant 0 : i32
    %while3A_49 = arith.subi %select_n3A_26, %while3A_48 : i32
    %while3A_50 = arith.addi %while3A_48, %while3A_49 : i32
    %while3A_51 = arith.constant 1 : i32
    %while3A_52 = arith.divsi %while3A_49, %while3A_51 : i32
    %while3A_53 = arith.muli %while3A_52, %while3A_51 : i32
    %while3A_54 = arith.addi %while3A_48, %while3A_53 : i32
    %while3A_55 = arith.constant 1 : i32
    scf.for %while3A_75 = %while3A_48 to %while3A_54 step %while3A_55  : i32 {
      %rem3A_76 = arith.constant 4 : i32
      %rem3A_77 = arith.remsi %while3A_75, %rem3A_76 : i32
      %eq3A_78 = arith.constant 0 : i32
      %eq3A_79 = arith.cmpi eq, %rem3A_77, %eq3A_78 : i32
      %gt3A = arith.constant 0 : i32
      %gt3A_80 = arith.cmpi sgt, %while3A_75, %gt3A : i32
      %and3A_81 = arith.andi %eq3A_79, %gt3A_80 : i1
      %convert_element_type3A = arith.extui %and3A_81 : i1 to i32
      %cond3A = arith.constant 0 : i32
      %cond3A_82 = arith.cmpi ne, %convert_element_type3A, %cond3A : i32
      scf.if %cond3A_82 {
        %dma_wait3A_156 = arith.constant 0 : i32
        %dma_wait3A_157 = arith.constant 0 : i32
        %dma_wait3A_158 = tpu.memref_slice %arg8[%dma_wait3A_156, %dma_wait3A_157] : memref<16x128xi32, #tpu.memory_space<vmem>> -> memref<1x128xi32, #tpu.memory_space<vmem>>
        %dma_wait3A_159 = tpu.memref_squeeze %dma_wait3A_158 : memref<1x128xi32, #tpu.memory_space<vmem>> -> memref<128xi32, #tpu.memory_space<vmem>>
        %dma_wait3A_160 = arith.constant 0 : i32
        %dma_wait3A_161 = arith.constant 0 : i32
        %dma_wait3A_162 = tpu.memref_slice %arg16[%dma_wait3A_160, %dma_wait3A_161] : memref<10240x128xf32, #tpu.memory_space<vmem_shared>> -> memref<10240x128xf32, #tpu.memory_space<vmem_shared>>
        tpu.wait_indirect_dma semaphore(%arg14 : memref<!tpu.dma_semaphore, #tpu.memory_space<semaphore_mem>>) src(%arg9 : memref<128x128xf32, #tpu.memory_space<vmem>>) dst(%dma_wait3A_162 : memref<10240x128xf32, #tpu.memory_space<vmem_shared>>)
        %dma_wait3A_163 = arith.constant 0 : i32
        %dma_wait3A_164 = arith.constant 0 : i32
        %dma_wait3A_165 = tpu.memref_slice %arg8[%dma_wait3A_163, %dma_wait3A_164] : memref<16x128xi32, #tpu.memory_space<vmem>> -> memref<1x128xi32, #tpu.memory_space<vmem>>
        %dma_wait3A_166 = tpu.memref_squeeze %dma_wait3A_165 : memref<1x128xi32, #tpu.memory_space<vmem>> -> memref<128xi32, #tpu.memory_space<vmem>>
        %dma_wait3A_167 = arith.constant 0 : i32
        %dma_wait3A_168 = arith.constant 0 : i32
        %dma_wait3A_169 = tpu.memref_slice %arg16[%dma_wait3A_167, %dma_wait3A_168] : memref<10240x128xf32, #tpu.memory_space<vmem_shared>> -> memref<10240x128xf32, #tpu.memory_space<vmem_shared>>
        tpu.wait_indirect_dma semaphore(%arg15 : memref<!tpu.dma_semaphore, #tpu.memory_space<semaphore_mem>>) src(%arg10 : memref<128x128xf32, #tpu.memory_space<vmem>>) dst(%dma_wait3A_169 : memref<10240x128xf32, #tpu.memory_space<vmem_shared>>)
      } else {
      }
      %convert_element_type3A_83 = arith.extui %eq3A_79 : i1 to i32
      %cond3A_84 = arith.constant 0 : i32
      %cond3A_85 = arith.cmpi ne, %convert_element_type3A_83, %cond3A_84 : i32
      scf.if %cond3A_85 {
        %dma_wait3A_156 = arith.constant 0 : i32
        %dma_wait3A_157 = arith.constant 0 : i32
        %dma_wait3A_158 = tpu.memref_slice %arg7[%dma_wait3A_156, %dma_wait3A_157] : memref<16x128xi32, #tpu.memory_space<vmem>> -> memref<8x128xi32, #tpu.memory_space<vmem>>
        %dma_wait3A_159 = arith.constant 0 : i32
        %dma_wait3A_160 = arith.constant 0 : i32
        %dma_wait3A_161 = tpu.memref_slice %arg3[%dma_wait3A_159, %dma_wait3A_160] : memref<2560x128xi32, #tpu.memory_space<hbm>> -> memref<8x128xi32, #tpu.memory_space<hbm>>
        %dma_wait3A_162 = arith.constant 0 : i32
        %dma_wait3A_163 = arith.constant 0 : i32
        %dma_wait3A_164 = tpu.memref_slice %arg7[%dma_wait3A_162, %dma_wait3A_163] : memref<16x128xi32, #tpu.memory_space<vmem>> -> memref<8x128xi32, #tpu.memory_space<vmem>>
        %dma_wait3A_165 = arith.constant 0 : i32
        %dma_wait3A_166 = arith.constant 0 : i32
        %dma_wait3A_167 = tpu.memref_slice %arg3[%dma_wait3A_165, %dma_wait3A_166] : memref<2560x128xi32, #tpu.memory_space<hbm>> -> memref<8x128xi32, #tpu.memory_space<hbm>>
        tpu.wait_dma2 semaphore(%arg11 : memref<!tpu.dma_semaphore, #tpu.memory_space<semaphore_mem>>) src(%dma_wait3A_167 : memref<8x128xi32, #tpu.memory_space<hbm>>) dst(%dma_wait3A_164 : memref<8x128xi32, #tpu.memory_space<vmem>>)
        %dma_wait3A_168 = arith.constant 0 : i32
        %dma_wait3A_169 = arith.constant 0 : i32
        %dma_wait3A_170 = tpu.memref_slice %arg8[%dma_wait3A_168, %dma_wait3A_169] : memref<16x128xi32, #tpu.memory_space<vmem>> -> memref<8x128xi32, #tpu.memory_space<vmem>>
        %dma_wait3A_171 = arith.constant 0 : i32
        %dma_wait3A_172 = arith.constant 0 : i32
        %dma_wait3A_173 = tpu.memref_slice %arg3[%dma_wait3A_171, %dma_wait3A_172] : memref<2560x128xi32, #tpu.memory_space<hbm>> -> memref<8x128xi32, #tpu.memory_space<hbm>>
        %dma_wait3A_174 = arith.constant 0 : i32
        %dma_wait3A_175 = arith.constant 0 : i32
        %dma_wait3A_176 = tpu.memref_slice %arg8[%dma_wait3A_174, %dma_wait3A_175] : memref<16x128xi32, #tpu.memory_space<vmem>> -> memref<8x128xi32, #tpu.memory_space<vmem>>
        %dma_wait3A_177 = arith.constant 0 : i32
        %dma_wait3A_178 = arith.constant 0 : i32
        %dma_wait3A_179 = tpu.memref_slice %arg3[%dma_wait3A_177, %dma_wait3A_178] : memref<2560x128xi32, #tpu.memory_space<hbm>> -> memref<8x128xi32, #tpu.memory_space<hbm>>
        tpu.wait_dma2 semaphore(%arg11 : memref<!tpu.dma_semaphore, #tpu.memory_space<semaphore_mem>>) src(%dma_wait3A_179 : memref<8x128xi32, #tpu.memory_space<hbm>>) dst(%dma_wait3A_176 : memref<8x128xi32, #tpu.memory_space<vmem>>)
      } else {
      }
      %sub3A_86 = arith.constant 4 : i32
      %sub3A_87 = arith.subi %select_n3A_26, %sub3A_86 : i32
      %lt3A = arith.cmpi slt, %while3A_75, %sub3A_87 : i32
      %and3A_88 = arith.andi %eq3A_79, %lt3A : i1
      %convert_element_type3A_89 = arith.extui %and3A_88 : i1 to i32
      %cond3A_90 = arith.constant 0 : i32
      %cond3A_91 = arith.cmpi ne, %convert_element_type3A_89, %cond3A_90 : i32
      scf.if %cond3A_91 {
        %jit3A_156 = arith.constant 4 : i32
        %div3A_157 = arith.divsi %while3A_75, %jit3A_156 : i32
        %sign3A_158 = arith.constant 0 : i32
        %sign3A_159 = arith.cmpi sgt, %while3A_75, %sign3A_158 : i32
        %sign3A_160 = arith.extui %sign3A_159 : i1 to i32
        %sign3A_161 = arith.constant 0 : i32
        %sign3A_162 = arith.cmpi slt, %while3A_75, %sign3A_161 : i32
        %sign3A_163 = arith.extui %sign3A_162 : i1 to i32
        %sign3A_164 = arith.subi %sign3A_160, %sign3A_163 : i32
        %sign3A_165 = arith.constant 0 : i32
        %sign3A_166 = arith.cmpi sgt, %jit3A_156, %sign3A_165 : i32
        %sign3A_167 = arith.extui %sign3A_166 : i1 to i32
        %sign3A_168 = arith.constant 0 : i32
        %sign3A_169 = arith.cmpi slt, %jit3A_156, %sign3A_168 : i32
        %sign3A_170 = arith.extui %sign3A_169 : i1 to i32
        %sign3A_171 = arith.subi %sign3A_167, %sign3A_170 : i32
        %ne3A_172 = arith.cmpi ne, %sign3A_164, %sign3A_171 : i32
        %rem3A_173 = arith.remsi %while3A_75, %jit3A_156 : i32
        %ne3A_174 = arith.constant 0 : i32
        %ne3A_175 = arith.cmpi ne, %rem3A_173, %ne3A_174 : i32
        %and3A_176 = arith.andi %ne3A_172, %ne3A_175 : i1
        %sub3A_177 = arith.constant 1 : i32
        %sub3A_178 = arith.subi %div3A_157, %sub3A_177 : i32
        %select_n3A_179 = arith.select %and3A_176, %sub3A_178, %div3A_157 : i32
        %add3A_180 = arith.constant 1 : i32
        %add3A_181 = arith.addi %select_n3A_179, %add3A_180 : i32
        %mul3A_182 = arith.constant 8 : i32
        %mul3A_183 = arith.muli %add3A_181, %mul3A_182 : i32
        %add3A_184 = arith.addi %multiple_of3A, %mul3A_183 : i32
        %multiple_of3A_185 = tpu.assume_multiple %add3A_184, 8 : i32
        %rem3A_186 = arith.constant 2 : i32
        %rem3A_187 = arith.remsi %add3A_181, %rem3A_186 : i32
        %mul3A_188 = arith.constant 8 : i32
        %mul3A_189 = arith.muli %rem3A_187, %mul3A_188 : i32
        %multiple_of3A_190 = tpu.assume_multiple %mul3A_189, 8 : i32
        %dma_start3A_191 = arith.constant 0 : i32
        %dma_start3A_192 = tpu.memref_slice %arg7[%multiple_of3A_190, %dma_start3A_191] : memref<16x128xi32, #tpu.memory_space<vmem>> -> memref<8x128xi32, #tpu.memory_space<vmem>>
        %dma_start3A_193 = arith.constant 0 : i32
        %dma_start3A_194 = tpu.memref_slice %arg3[%multiple_of3A_185, %dma_start3A_193] : memref<2560x128xi32, #tpu.memory_space<hbm>> -> memref<8x128xi32, #tpu.memory_space<hbm>>
        %dma_start3A_195 = arith.constant 0 : i32
        %dma_start3A_196 = tpu.memref_slice %arg7[%multiple_of3A_190, %dma_start3A_195] : memref<16x128xi32, #tpu.memory_space<vmem>> -> memref<8x128xi32, #tpu.memory_space<vmem>>
        %dma_start3A_197 = arith.constant 0 : i32
        %dma_start3A_198 = tpu.memref_slice %arg3[%multiple_of3A_185, %dma_start3A_197] : memref<2560x128xi32, #tpu.memory_space<hbm>> -> memref<8x128xi32, #tpu.memory_space<hbm>>
        tpu.enqueue_dma source(%dma_start3A_198 : memref<8x128xi32, #tpu.memory_space<hbm>>) target(%dma_start3A_196 : memref<8x128xi32, #tpu.memory_space<vmem>>) target_semaphore(%arg11 : memref<!tpu.dma_semaphore, #tpu.memory_space<semaphore_mem>>)
        %dma_start3A_199 = arith.constant 0 : i32
        %dma_start3A_200 = tpu.memref_slice %arg8[%multiple_of3A_190, %dma_start3A_199] : memref<16x128xi32, #tpu.memory_space<vmem>> -> memref<8x128xi32, #tpu.memory_space<vmem>>
        %dma_start3A_201 = arith.constant 0 : i32
        %dma_start3A_202 = tpu.memref_slice %arg4[%multiple_of3A_185, %dma_start3A_201] : memref<2560x128xi32, #tpu.memory_space<hbm>> -> memref<8x128xi32, #tpu.memory_space<hbm>>
        %dma_start3A_203 = arith.constant 0 : i32
        %dma_start3A_204 = tpu.memref_slice %arg8[%multiple_of3A_190, %dma_start3A_203] : memref<16x128xi32, #tpu.memory_space<vmem>> -> memref<8x128xi32, #tpu.memory_space<vmem>>
        %dma_start3A_205 = arith.constant 0 : i32
        %dma_start3A_206 = tpu.memref_slice %arg4[%multiple_of3A_185, %dma_start3A_205] : memref<2560x128xi32, #tpu.memory_space<hbm>> -> memref<8x128xi32, #tpu.memory_space<hbm>>
        tpu.enqueue_dma source(%dma_start3A_206 : memref<8x128xi32, #tpu.memory_space<hbm>>) target(%dma_start3A_204 : memref<8x128xi32, #tpu.memory_space<vmem>>) target_semaphore(%arg11 : memref<!tpu.dma_semaphore, #tpu.memory_space<semaphore_mem>>)
      } else {
      }
      %not3A = arith.constant true
      %not3A_92 = arith.xori %eq3A_79, %not3A : i1
      %convert_element_type3A_93 = arith.extui %not3A_92 : i1 to i32
      %cond3A_94 = arith.constant 0 : i32
      %cond3A_95 = arith.cmpi ne, %convert_element_type3A_93, %cond3A_94 : i32
      scf.if %cond3A_95 {
        %dma_wait3A_156 = arith.constant 0 : i32
        %dma_wait3A_157 = arith.constant 0 : i32
        %dma_wait3A_158 = tpu.memref_slice %arg8[%dma_wait3A_156, %dma_wait3A_157] : memref<16x128xi32, #tpu.memory_space<vmem>> -> memref<1x128xi32, #tpu.memory_space<vmem>>
        %dma_wait3A_159 = tpu.memref_squeeze %dma_wait3A_158 : memref<1x128xi32, #tpu.memory_space<vmem>> -> memref<128xi32, #tpu.memory_space<vmem>>
        %dma_wait3A_160 = arith.constant 0 : i32
        %dma_wait3A_161 = arith.constant 0 : i32
        %dma_wait3A_162 = tpu.memref_slice %arg16[%dma_wait3A_160, %dma_wait3A_161] : memref<10240x128xf32, #tpu.memory_space<vmem_shared>> -> memref<10240x128xf32, #tpu.memory_space<vmem_shared>>
        tpu.wait_indirect_dma semaphore(%arg14 : memref<!tpu.dma_semaphore, #tpu.memory_space<semaphore_mem>>) src(%arg9 : memref<128x128xf32, #tpu.memory_space<vmem>>) dst(%dma_wait3A_162 : memref<10240x128xf32, #tpu.memory_space<vmem_shared>>)
        %dma_wait3A_163 = arith.constant 0 : i32
        %dma_wait3A_164 = arith.constant 0 : i32
        %dma_wait3A_165 = tpu.memref_slice %arg8[%dma_wait3A_163, %dma_wait3A_164] : memref<16x128xi32, #tpu.memory_space<vmem>> -> memref<1x128xi32, #tpu.memory_space<vmem>>
        %dma_wait3A_166 = tpu.memref_squeeze %dma_wait3A_165 : memref<1x128xi32, #tpu.memory_space<vmem>> -> memref<128xi32, #tpu.memory_space<vmem>>
        %dma_wait3A_167 = arith.constant 0 : i32
        %dma_wait3A_168 = arith.constant 0 : i32
        %dma_wait3A_169 = tpu.memref_slice %arg16[%dma_wait3A_167, %dma_wait3A_168] : memref<10240x128xf32, #tpu.memory_space<vmem_shared>> -> memref<10240x128xf32, #tpu.memory_space<vmem_shared>>
        tpu.wait_indirect_dma semaphore(%arg15 : memref<!tpu.dma_semaphore, #tpu.memory_space<semaphore_mem>>) src(%arg10 : memref<128x128xf32, #tpu.memory_space<vmem>>) dst(%dma_wait3A_169 : memref<10240x128xf32, #tpu.memory_space<vmem_shared>>)
      } else {
      }
      %mul3A_96 = arith.constant 2 : i32
      %mul3A_97 = arith.muli %mul3A_96, %while3A_75 : i32
      %add3A_98 = arith.constant 0 : i32
      %add3A_99 = arith.addi %mul3A_97, %add3A_98 : i32
      %rem3A_100 = arith.constant 16 : i32
      %rem3A_101 = arith.remsi %add3A_99, %rem3A_100 : i32
      %dma_start3A_102 = arith.constant 0 : i32
      %dma_start3A_103 = tpu.memref_slice %arg7[%rem3A_101, %dma_start3A_102] : memref<16x128xi32, #tpu.memory_space<vmem>> -> memref<1x128xi32, #tpu.memory_space<vmem>>
      %dma_start3A_104 = tpu.memref_squeeze %dma_start3A_103 : memref<1x128xi32, #tpu.memory_space<vmem>> -> memref<128xi32, #tpu.memory_space<vmem>>
      %dma_start3A_105 = arith.constant 0 : i32
      %dma_start3A_106 = arith.constant 0 : i32
      %dma_start3A_107 = tpu.memref_slice %arg2[%dma_start3A_105, %dma_start3A_106] : memref<10240x128xf32, #tpu.memory_space<hbm>> -> memref<10240x128xf32, #tpu.memory_space<hbm>>
      tpu.enqueue_indirect_dma source(%dma_start3A_107 : memref<10240x128xf32, #tpu.memory_space<hbm>>) target(%arg9 : memref<128x128xf32, #tpu.memory_space<vmem>>) offsets(%dma_start3A_104 : memref<128xi32, #tpu.memory_space<vmem>>) semaphore(%arg12 : memref<!tpu.dma_semaphore, #tpu.memory_space<semaphore_mem>>)
      %mul3A_108 = arith.constant 2 : i32
      %mul3A_109 = arith.muli %mul3A_108, %while3A_75 : i32
      %add3A_110 = arith.constant 1 : i32
      %add3A_111 = arith.addi %mul3A_109, %add3A_110 : i32
      %rem3A_112 = arith.constant 16 : i32
      %rem3A_113 = arith.remsi %add3A_111, %rem3A_112 : i32
      %dma_start3A_114 = arith.constant 0 : i32
      %dma_start3A_115 = tpu.memref_slice %arg7[%rem3A_113, %dma_start3A_114] : memref<16x128xi32, #tpu.memory_space<vmem>> -> memref<1x128xi32, #tpu.memory_space<vmem>>
      %dma_start3A_116 = tpu.memref_squeeze %dma_start3A_115 : memref<1x128xi32, #tpu.memory_space<vmem>> -> memref<128xi32, #tpu.memory_space<vmem>>
      %dma_start3A_117 = arith.constant 0 : i32
      %dma_start3A_118 = arith.constant 0 : i32
      %dma_start3A_119 = tpu.memref_slice %arg2[%dma_start3A_117, %dma_start3A_118] : memref<10240x128xf32, #tpu.memory_space<hbm>> -> memref<10240x128xf32, #tpu.memory_space<hbm>>
      tpu.enqueue_indirect_dma source(%dma_start3A_119 : memref<10240x128xf32, #tpu.memory_space<hbm>>) target(%arg10 : memref<128x128xf32, #tpu.memory_space<vmem>>) offsets(%dma_start3A_116 : memref<128xi32, #tpu.memory_space<vmem>>) semaphore(%arg13 : memref<!tpu.dma_semaphore, #tpu.memory_space<semaphore_mem>>)
      %mul3A_120 = arith.constant 2 : i32
      %mul3A_121 = arith.muli %mul3A_120, %while3A_75 : i32
      %add3A_122 = arith.constant 0 : i32
      %add3A_123 = arith.addi %mul3A_121, %add3A_122 : i32
      %rem3A_124 = arith.constant 16 : i32
      %rem3A_125 = arith.remsi %add3A_123, %rem3A_124 : i32
      %dma_wait3A_126 = arith.constant 0 : i32
      %dma_wait3A_127 = tpu.memref_slice %arg7[%rem3A_125, %dma_wait3A_126] : memref<16x128xi32, #tpu.memory_space<vmem>> -> memref<1x128xi32, #tpu.memory_space<vmem>>
      %dma_wait3A_128 = tpu.memref_squeeze %dma_wait3A_127 : memref<1x128xi32, #tpu.memory_space<vmem>> -> memref<128xi32, #tpu.memory_space<vmem>>
      %dma_wait3A_129 = arith.constant 0 : i32
      %dma_wait3A_130 = arith.constant 0 : i32
      %dma_wait3A_131 = tpu.memref_slice %arg2[%dma_wait3A_129, %dma_wait3A_130] : memref<10240x128xf32, #tpu.memory_space<hbm>> -> memref<10240x128xf32, #tpu.memory_space<hbm>>
      tpu.wait_indirect_dma semaphore(%arg12 : memref<!tpu.dma_semaphore, #tpu.memory_space<semaphore_mem>>) src(%dma_wait3A_131 : memref<10240x128xf32, #tpu.memory_space<hbm>>) dst(%arg9 : memref<128x128xf32, #tpu.memory_space<vmem>>)
      %dma_start3A_132 = arith.constant 0 : i32
      %dma_start3A_133 = tpu.memref_slice %arg8[%rem3A_125, %dma_start3A_132] : memref<16x128xi32, #tpu.memory_space<vmem>> -> memref<1x128xi32, #tpu.memory_space<vmem>>
      %dma_start3A_134 = tpu.memref_squeeze %dma_start3A_133 : memref<1x128xi32, #tpu.memory_space<vmem>> -> memref<128xi32, #tpu.memory_space<vmem>>
      %dma_start3A_135 = arith.constant 0 : i32
      %dma_start3A_136 = arith.constant 0 : i32
      %dma_start3A_137 = tpu.memref_slice %arg16[%dma_start3A_135, %dma_start3A_136] : memref<10240x128xf32, #tpu.memory_space<vmem_shared>> -> memref<10240x128xf32, #tpu.memory_space<vmem_shared>>
      tpu.enqueue_indirect_dma source(%arg9 : memref<128x128xf32, #tpu.memory_space<vmem>>) target(%dma_start3A_137 : memref<10240x128xf32, #tpu.memory_space<vmem_shared>>) offsets(%dma_start3A_134 : memref<128xi32, #tpu.memory_space<vmem>>) semaphore(%arg14 : memref<!tpu.dma_semaphore, #tpu.memory_space<semaphore_mem>>) {add = true}
      %mul3A_138 = arith.constant 2 : i32
      %mul3A_139 = arith.muli %mul3A_138, %while3A_75 : i32
      %add3A_140 = arith.constant 1 : i32
      %add3A_141 = arith.addi %mul3A_139, %add3A_140 : i32
      %rem3A_142 = arith.constant 16 : i32
      %rem3A_143 = arith.remsi %add3A_141, %rem3A_142 : i32
      %dma_wait3A_144 = arith.constant 0 : i32
      %dma_wait3A_145 = tpu.memref_slice %arg7[%rem3A_143, %dma_wait3A_144] : memref<16x128xi32, #tpu.memory_space<vmem>> -> memref<1x128xi32, #tpu.memory_space<vmem>>
      %dma_wait3A_146 = tpu.memref_squeeze %dma_wait3A_145 : memref<1x128xi32, #tpu.memory_space<vmem>> -> memref<128xi32, #tpu.memory_space<vmem>>
      %dma_wait3A_147 = arith.constant 0 : i32
      %dma_wait3A_148 = arith.constant 0 : i32
      %dma_wait3A_149 = tpu.memref_slice %arg2[%dma_wait3A_147, %dma_wait3A_148] : memref<10240x128xf32, #tpu.memory_space<hbm>> -> memref<10240x128xf32, #tpu.memory_space<hbm>>
      tpu.wait_indirect_dma semaphore(%arg13 : memref<!tpu.dma_semaphore, #tpu.memory_space<semaphore_mem>>) src(%dma_wait3A_149 : memref<10240x128xf32, #tpu.memory_space<hbm>>) dst(%arg10 : memref<128x128xf32, #tpu.memory_space<vmem>>)
      %dma_start3A_150 = arith.constant 0 : i32
      %dma_start3A_151 = tpu.memref_slice %arg8[%rem3A_143, %dma_start3A_150] : memref<16x128xi32, #tpu.memory_space<vmem>> -> memref<1x128xi32, #tpu.memory_space<vmem>>
      %dma_start3A_152 = tpu.memref_squeeze %dma_start3A_151 : memref<1x128xi32, #tpu.memory_space<vmem>> -> memref<128xi32, #tpu.memory_space<vmem>>
      %dma_start3A_153 = arith.constant 0 : i32
      %dma_start3A_154 = arith.constant 0 : i32
      %dma_start3A_155 = tpu.memref_slice %arg16[%dma_start3A_153, %dma_start3A_154] : memref<10240x128xf32, #tpu.memory_space<vmem_shared>> -> memref<10240x128xf32, #tpu.memory_space<vmem_shared>>
      tpu.enqueue_indirect_dma source(%arg10 : memref<128x128xf32, #tpu.memory_space<vmem>>) target(%dma_start3A_155 : memref<10240x128xf32, #tpu.memory_space<vmem_shared>>) offsets(%dma_start3A_152 : memref<128xi32, #tpu.memory_space<vmem>>) semaphore(%arg15 : memref<!tpu.dma_semaphore, #tpu.memory_space<semaphore_mem>>) {add = true}
    }
    %while3A_56 = arith.constant 1 : i32
    scf.for %while3A_75 = %while3A_54 to %while3A_50 step %while3A_56  : i32 {
      %rem3A_76 = arith.constant 4 : i32
      %rem3A_77 = arith.remsi %while3A_75, %rem3A_76 : i32
      %eq3A_78 = arith.constant 0 : i32
      %eq3A_79 = arith.cmpi eq, %rem3A_77, %eq3A_78 : i32
      %gt3A = arith.constant 0 : i32
      %gt3A_80 = arith.cmpi sgt, %while3A_75, %gt3A : i32
      %and3A_81 = arith.andi %eq3A_79, %gt3A_80 : i1
      %convert_element_type3A = arith.extui %and3A_81 : i1 to i32
      %cond3A = arith.constant 0 : i32
      %cond3A_82 = arith.cmpi ne, %convert_element_type3A, %cond3A : i32
      scf.if %cond3A_82 {
        %dma_wait3A_156 = arith.constant 0 : i32
        %dma_wait3A_157 = arith.constant 0 : i32
        %dma_wait3A_158 = tpu.memref_slice %arg8[%dma_wait3A_156, %dma_wait3A_157] : memref<16x128xi32, #tpu.memory_space<vmem>> -> memref<1x128xi32, #tpu.memory_space<vmem>>
        %dma_wait3A_159 = tpu.memref_squeeze %dma_wait3A_158 : memref<1x128xi32, #tpu.memory_space<vmem>> -> memref<128xi32, #tpu.memory_space<vmem>>
        %dma_wait3A_160 = arith.constant 0 : i32
        %dma_wait3A_161 = arith.constant 0 : i32
        %dma_wait3A_162 = tpu.memref_slice %arg16[%dma_wait3A_160, %dma_wait3A_161] : memref<10240x128xf32, #tpu.memory_space<vmem_shared>> -> memref<10240x128xf32, #tpu.memory_space<vmem_shared>>
        tpu.wait_indirect_dma semaphore(%arg14 : memref<!tpu.dma_semaphore, #tpu.memory_space<semaphore_mem>>) src(%arg9 : memref<128x128xf32, #tpu.memory_space<vmem>>) dst(%dma_wait3A_162 : memref<10240x128xf32, #tpu.memory_space<vmem_shared>>)
        %dma_wait3A_163 = arith.constant 0 : i32
        %dma_wait3A_164 = arith.constant 0 : i32
        %dma_wait3A_165 = tpu.memref_slice %arg8[%dma_wait3A_163, %dma_wait3A_164] : memref<16x128xi32, #tpu.memory_space<vmem>> -> memref<1x128xi32, #tpu.memory_space<vmem>>
        %dma_wait3A_166 = tpu.memref_squeeze %dma_wait3A_165 : memref<1x128xi32, #tpu.memory_space<vmem>> -> memref<128xi32, #tpu.memory_space<vmem>>
        %dma_wait3A_167 = arith.constant 0 : i32
        %dma_wait3A_168 = arith.constant 0 : i32
        %dma_wait3A_169 = tpu.memref_slice %arg16[%dma_wait3A_167, %dma_wait3A_168] : memref<10240x128xf32, #tpu.memory_space<vmem_shared>> -> memref<10240x128xf32, #tpu.memory_space<vmem_shared>>
        tpu.wait_indirect_dma semaphore(%arg15 : memref<!tpu.dma_semaphore, #tpu.memory_space<semaphore_mem>>) src(%arg10 : memref<128x128xf32, #tpu.memory_space<vmem>>) dst(%dma_wait3A_169 : memref<10240x128xf32, #tpu.memory_space<vmem_shared>>)
      } else {
      }
      %convert_element_type3A_83 = arith.extui %eq3A_79 : i1 to i32
      %cond3A_84 = arith.constant 0 : i32
      %cond3A_85 = arith.cmpi ne, %convert_element_type3A_83, %cond3A_84 : i32
      scf.if %cond3A_85 {
        %dma_wait3A_156 = arith.constant 0 : i32
        %dma_wait3A_157 = arith.constant 0 : i32
        %dma_wait3A_158 = tpu.memref_slice %arg7[%dma_wait3A_156, %dma_wait3A_157] : memref<16x128xi32, #tpu.memory_space<vmem>> -> memref<8x128xi32, #tpu.memory_space<vmem>>
        %dma_wait3A_159 = arith.constant 0 : i32
        %dma_wait3A_160 = arith.constant 0 : i32
        %dma_wait3A_161 = tpu.memref_slice %arg3[%dma_wait3A_159, %dma_wait3A_160] : memref<2560x128xi32, #tpu.memory_space<hbm>> -> memref<8x128xi32, #tpu.memory_space<hbm>>
        %dma_wait3A_162 = arith.constant 0 : i32
        %dma_wait3A_163 = arith.constant 0 : i32
        %dma_wait3A_164 = tpu.memref_slice %arg7[%dma_wait3A_162, %dma_wait3A_163] : memref<16x128xi32, #tpu.memory_space<vmem>> -> memref<8x128xi32, #tpu.memory_space<vmem>>
        %dma_wait3A_165 = arith.constant 0 : i32
        %dma_wait3A_166 = arith.constant 0 : i32
        %dma_wait3A_167 = tpu.memref_slice %arg3[%dma_wait3A_165, %dma_wait3A_166] : memref<2560x128xi32, #tpu.memory_space<hbm>> -> memref<8x128xi32, #tpu.memory_space<hbm>>
        tpu.wait_dma2 semaphore(%arg11 : memref<!tpu.dma_semaphore, #tpu.memory_space<semaphore_mem>>) src(%dma_wait3A_167 : memref<8x128xi32, #tpu.memory_space<hbm>>) dst(%dma_wait3A_164 : memref<8x128xi32, #tpu.memory_space<vmem>>)
        %dma_wait3A_168 = arith.constant 0 : i32
        %dma_wait3A_169 = arith.constant 0 : i32
        %dma_wait3A_170 = tpu.memref_slice %arg8[%dma_wait3A_168, %dma_wait3A_169] : memref<16x128xi32, #tpu.memory_space<vmem>> -> memref<8x128xi32, #tpu.memory_space<vmem>>
        %dma_wait3A_171 = arith.constant 0 : i32
        %dma_wait3A_172 = arith.constant 0 : i32
        %dma_wait3A_173 = tpu.memref_slice %arg3[%dma_wait3A_171, %dma_wait3A_172] : memref<2560x128xi32, #tpu.memory_space<hbm>> -> memref<8x128xi32, #tpu.memory_space<hbm>>
        %dma_wait3A_174 = arith.constant 0 : i32
        %dma_wait3A_175 = arith.constant 0 : i32
        %dma_wait3A_176 = tpu.memref_slice %arg8[%dma_wait3A_174, %dma_wait3A_175] : memref<16x128xi32, #tpu.memory_space<vmem>> -> memref<8x128xi32, #tpu.memory_space<vmem>>
        %dma_wait3A_177 = arith.constant 0 : i32
        %dma_wait3A_178 = arith.constant 0 : i32
        %dma_wait3A_179 = tpu.memref_slice %arg3[%dma_wait3A_177, %dma_wait3A_178] : memref<2560x128xi32, #tpu.memory_space<hbm>> -> memref<8x128xi32, #tpu.memory_space<hbm>>
        tpu.wait_dma2 semaphore(%arg11 : memref<!tpu.dma_semaphore, #tpu.memory_space<semaphore_mem>>) src(%dma_wait3A_179 : memref<8x128xi32, #tpu.memory_space<hbm>>) dst(%dma_wait3A_176 : memref<8x128xi32, #tpu.memory_space<vmem>>)
      } else {
      }
      %sub3A_86 = arith.constant 4 : i32
      %sub3A_87 = arith.subi %select_n3A_26, %sub3A_86 : i32
      %lt3A = arith.cmpi slt, %while3A_75, %sub3A_87 : i32
      %and3A_88 = arith.andi %eq3A_79, %lt3A : i1
      %convert_element_type3A_89 = arith.extui %and3A_88 : i1 to i32
      %cond3A_90 = arith.constant 0 : i32
      %cond3A_91 = arith.cmpi ne, %convert_element_type3A_89, %cond3A_90 : i32
      scf.if %cond3A_91 {
        %jit3A_156 = arith.constant 4 : i32
        %div3A_157 = arith.divsi %while3A_75, %jit3A_156 : i32
        %sign3A_158 = arith.constant 0 : i32
        %sign3A_159 = arith.cmpi sgt, %while3A_75, %sign3A_158 : i32
        %sign3A_160 = arith.extui %sign3A_159 : i1 to i32
        %sign3A_161 = arith.constant 0 : i32
        %sign3A_162 = arith.cmpi slt, %while3A_75, %sign3A_161 : i32
        %sign3A_163 = arith.extui %sign3A_162 : i1 to i32
        %sign3A_164 = arith.subi %sign3A_160, %sign3A_163 : i32
        %sign3A_165 = arith.constant 0 : i32
        %sign3A_166 = arith.cmpi sgt, %jit3A_156, %sign3A_165 : i32
        %sign3A_167 = arith.extui %sign3A_166 : i1 to i32
        %sign3A_168 = arith.constant 0 : i32
        %sign3A_169 = arith.cmpi slt, %jit3A_156, %sign3A_168 : i32
        %sign3A_170 = arith.extui %sign3A_169 : i1 to i32
        %sign3A_171 = arith.subi %sign3A_167, %sign3A_170 : i32
        %ne3A_172 = arith.cmpi ne, %sign3A_164, %sign3A_171 : i32
        %rem3A_173 = arith.remsi %while3A_75, %jit3A_156 : i32
        %ne3A_174 = arith.constant 0 : i32
        %ne3A_175 = arith.cmpi ne, %rem3A_173, %ne3A_174 : i32
        %and3A_176 = arith.andi %ne3A_172, %ne3A_175 : i1
        %sub3A_177 = arith.constant 1 : i32
        %sub3A_178 = arith.subi %div3A_157, %sub3A_177 : i32
        %select_n3A_179 = arith.select %and3A_176, %sub3A_178, %div3A_157 : i32
        %add3A_180 = arith.constant 1 : i32
        %add3A_181 = arith.addi %select_n3A_179, %add3A_180 : i32
        %mul3A_182 = arith.constant 8 : i32
        %mul3A_183 = arith.muli %add3A_181, %mul3A_182 : i32
        %add3A_184 = arith.addi %multiple_of3A, %mul3A_183 : i32
        %multiple_of3A_185 = tpu.assume_multiple %add3A_184, 8 : i32
        %rem3A_186 = arith.constant 2 : i32
        %rem3A_187 = arith.remsi %add3A_181, %rem3A_186 : i32
        %mul3A_188 = arith.constant 8 : i32
        %mul3A_189 = arith.muli %rem3A_187, %mul3A_188 : i32
        %multiple_of3A_190 = tpu.assume_multiple %mul3A_189, 8 : i32
        %dma_start3A_191 = arith.constant 0 : i32
        %dma_start3A_192 = tpu.memref_slice %arg7[%multiple_of3A_190, %dma_start3A_191] : memref<16x128xi32, #tpu.memory_space<vmem>> -> memref<8x128xi32, #tpu.memory_space<vmem>>
        %dma_start3A_193 = arith.constant 0 : i32
        %dma_start3A_194 = tpu.memref_slice %arg3[%multiple_of3A_185, %dma_start3A_193] : memref<2560x128xi32, #tpu.memory_space<hbm>> -> memref<8x128xi32, #tpu.memory_space<hbm>>
        %dma_start3A_195 = arith.constant 0 : i32
        %dma_start3A_196 = tpu.memref_slice %arg7[%multiple_of3A_190, %dma_start3A_195] : memref<16x128xi32, #tpu.memory_space<vmem>> -> memref<8x128xi32, #tpu.memory_space<vmem>>
        %dma_start3A_197 = arith.constant 0 : i32
        %dma_start3A_198 = tpu.memref_slice %arg3[%multiple_of3A_185, %dma_start3A_197] : memref<2560x128xi32, #tpu.memory_space<hbm>> -> memref<8x128xi32, #tpu.memory_space<hbm>>
        tpu.enqueue_dma source(%dma_start3A_198 : memref<8x128xi32, #tpu.memory_space<hbm>>) target(%dma_start3A_196 : memref<8x128xi32, #tpu.memory_space<vmem>>) target_semaphore(%arg11 : memref<!tpu.dma_semaphore, #tpu.memory_space<semaphore_mem>>)
        %dma_start3A_199 = arith.constant 0 : i32
        %dma_start3A_200 = tpu.memref_slice %arg8[%multiple_of3A_190, %dma_start3A_199] : memref<16x128xi32, #tpu.memory_space<vmem>> -> memref<8x128xi32, #tpu.memory_space<vmem>>
        %dma_start3A_201 = arith.constant 0 : i32
        %dma_start3A_202 = tpu.memref_slice %arg4[%multiple_of3A_185, %dma_start3A_201] : memref<2560x128xi32, #tpu.memory_space<hbm>> -> memref<8x128xi32, #tpu.memory_space<hbm>>
        %dma_start3A_203 = arith.constant 0 : i32
        %dma_start3A_204 = tpu.memref_slice %arg8[%multiple_of3A_190, %dma_start3A_203] : memref<16x128xi32, #tpu.memory_space<vmem>> -> memref<8x128xi32, #tpu.memory_space<vmem>>
        %dma_start3A_205 = arith.constant 0 : i32
        %dma_start3A_206 = tpu.memref_slice %arg4[%multiple_of3A_185, %dma_start3A_205] : memref<2560x128xi32, #tpu.memory_space<hbm>> -> memref<8x128xi32, #tpu.memory_space<hbm>>
        tpu.enqueue_dma source(%dma_start3A_206 : memref<8x128xi32, #tpu.memory_space<hbm>>) target(%dma_start3A_204 : memref<8x128xi32, #tpu.memory_space<vmem>>) target_semaphore(%arg11 : memref<!tpu.dma_semaphore, #tpu.memory_space<semaphore_mem>>)
      } else {
      }
      %not3A = arith.constant true
      %not3A_92 = arith.xori %eq3A_79, %not3A : i1
      %convert_element_type3A_93 = arith.extui %not3A_92 : i1 to i32
      %cond3A_94 = arith.constant 0 : i32
      %cond3A_95 = arith.cmpi ne, %convert_element_type3A_93, %cond3A_94 : i32
      scf.if %cond3A_95 {
        %dma_wait3A_156 = arith.constant 0 : i32
        %dma_wait3A_157 = arith.constant 0 : i32
        %dma_wait3A_158 = tpu.memref_slice %arg8[%dma_wait3A_156, %dma_wait3A_157] : memref<16x128xi32, #tpu.memory_space<vmem>> -> memref<1x128xi32, #tpu.memory_space<vmem>>
        %dma_wait3A_159 = tpu.memref_squeeze %dma_wait3A_158 : memref<1x128xi32, #tpu.memory_space<vmem>> -> memref<128xi32, #tpu.memory_space<vmem>>
        %dma_wait3A_160 = arith.constant 0 : i32
        %dma_wait3A_161 = arith.constant 0 : i32
        %dma_wait3A_162 = tpu.memref_slice %arg16[%dma_wait3A_160, %dma_wait3A_161] : memref<10240x128xf32, #tpu.memory_space<vmem_shared>> -> memref<10240x128xf32, #tpu.memory_space<vmem_shared>>
        tpu.wait_indirect_dma semaphore(%arg14 : memref<!tpu.dma_semaphore, #tpu.memory_space<semaphore_mem>>) src(%arg9 : memref<128x128xf32, #tpu.memory_space<vmem>>) dst(%dma_wait3A_162 : memref<10240x128xf32, #tpu.memory_space<vmem_shared>>)
        %dma_wait3A_163 = arith.constant 0 : i32
        %dma_wait3A_164 = arith.constant 0 : i32
        %dma_wait3A_165 = tpu.memref_slice %arg8[%dma_wait3A_163, %dma_wait3A_164] : memref<16x128xi32, #tpu.memory_space<vmem>> -> memref<1x128xi32, #tpu.memory_space<vmem>>
        %dma_wait3A_166 = tpu.memref_squeeze %dma_wait3A_165 : memref<1x128xi32, #tpu.memory_space<vmem>> -> memref<128xi32, #tpu.memory_space<vmem>>
        %dma_wait3A_167 = arith.constant 0 : i32
        %dma_wait3A_168 = arith.constant 0 : i32
        %dma_wait3A_169 = tpu.memref_slice %arg16[%dma_wait3A_167, %dma_wait3A_168] : memref<10240x128xf32, #tpu.memory_space<vmem_shared>> -> memref<10240x128xf32, #tpu.memory_space<vmem_shared>>
        tpu.wait_indirect_dma semaphore(%arg15 : memref<!tpu.dma_semaphore, #tpu.memory_space<semaphore_mem>>) src(%arg10 : memref<128x128xf32, #tpu.memory_space<vmem>>) dst(%dma_wait3A_169 : memref<10240x128xf32, #tpu.memory_space<vmem_shared>>)
      } else {
      }
      %mul3A_96 = arith.constant 2 : i32
      %mul3A_97 = arith.muli %mul3A_96, %while3A_75 : i32
      %add3A_98 = arith.constant 0 : i32
      %add3A_99 = arith.addi %mul3A_97, %add3A_98 : i32
      %rem3A_100 = arith.constant 16 : i32
      %rem3A_101 = arith.remsi %add3A_99, %rem3A_100 : i32
      %dma_start3A_102 = arith.constant 0 : i32
      %dma_start3A_103 = tpu.memref_slice %arg7[%rem3A_101, %dma_start3A_102] : memref<16x128xi32, #tpu.memory_space<vmem>> -> memref<1x128xi32, #tpu.memory_space<vmem>>
      %dma_start3A_104 = tpu.memref_squeeze %dma_start3A_103 : memref<1x128xi32, #tpu.memory_space<vmem>> -> memref<128xi32, #tpu.memory_space<vmem>>
      %dma_start3A_105 = arith.constant 0 : i32
      %dma_start3A_106 = arith.constant 0 : i32
      %dma_start3A_107 = tpu.memref_slice %arg2[%dma_start3A_105, %dma_start3A_106] : memref<10240x128xf32, #tpu.memory_space<hbm>> -> memref<10240x128xf32, #tpu.memory_space<hbm>>
      tpu.enqueue_indirect_dma source(%dma_start3A_107 : memref<10240x128xf32, #tpu.memory_space<hbm>>) target(%arg9 : memref<128x128xf32, #tpu.memory_space<vmem>>) offsets(%dma_start3A_104 : memref<128xi32, #tpu.memory_space<vmem>>) semaphore(%arg12 : memref<!tpu.dma_semaphore, #tpu.memory_space<semaphore_mem>>)
      %mul3A_108 = arith.constant 2 : i32
      %mul3A_109 = arith.muli %mul3A_108, %while3A_75 : i32
      %add3A_110 = arith.constant 1 : i32
      %add3A_111 = arith.addi %mul3A_109, %add3A_110 : i32
      %rem3A_112 = arith.constant 16 : i32
      %rem3A_113 = arith.remsi %add3A_111, %rem3A_112 : i32
      %dma_start3A_114 = arith.constant 0 : i32
      %dma_start3A_115 = tpu.memref_slice %arg7[%rem3A_113, %dma_start3A_114] : memref<16x128xi32, #tpu.memory_space<vmem>> -> memref<1x128xi32, #tpu.memory_space<vmem>>
      %dma_start3A_116 = tpu.memref_squeeze %dma_start3A_115 : memref<1x128xi32, #tpu.memory_space<vmem>> -> memref<128xi32, #tpu.memory_space<vmem>>
      %dma_start3A_117 = arith.constant 0 : i32
      %dma_start3A_118 = arith.constant 0 : i32
      %dma_start3A_119 = tpu.memref_slice %arg2[%dma_start3A_117, %dma_start3A_118] : memref<10240x128xf32, #tpu.memory_space<hbm>> -> memref<10240x128xf32, #tpu.memory_space<hbm>>
      tpu.enqueue_indirect_dma source(%dma_start3A_119 : memref<10240x128xf32, #tpu.memory_space<hbm>>) target(%arg10 : memref<128x128xf32, #tpu.memory_space<vmem>>) offsets(%dma_start3A_116 : memref<128xi32, #tpu.memory_space<vmem>>) semaphore(%arg13 : memref<!tpu.dma_semaphore, #tpu.memory_space<semaphore_mem>>)
      %mul3A_120 = arith.constant 2 : i32
      %mul3A_121 = arith.muli %mul3A_120, %while3A_75 : i32
      %add3A_122 = arith.constant 0 : i32
      %add3A_123 = arith.addi %mul3A_121, %add3A_122 : i32
      %rem3A_124 = arith.constant 16 : i32
      %rem3A_125 = arith.remsi %add3A_123, %rem3A_124 : i32
      %dma_wait3A_126 = arith.constant 0 : i32
      %dma_wait3A_127 = tpu.memref_slice %arg7[%rem3A_125, %dma_wait3A_126] : memref<16x128xi32, #tpu.memory_space<vmem>> -> memref<1x128xi32, #tpu.memory_space<vmem>>
      %dma_wait3A_128 = tpu.memref_squeeze %dma_wait3A_127 : memref<1x128xi32, #tpu.memory_space<vmem>> -> memref<128xi32, #tpu.memory_space<vmem>>
      %dma_wait3A_129 = arith.constant 0 : i32
      %dma_wait3A_130 = arith.constant 0 : i32
      %dma_wait3A_131 = tpu.memref_slice %arg2[%dma_wait3A_129, %dma_wait3A_130] : memref<10240x128xf32, #tpu.memory_space<hbm>> -> memref<10240x128xf32, #tpu.memory_space<hbm>>
      tpu.wait_indirect_dma semaphore(%arg12 : memref<!tpu.dma_semaphore, #tpu.memory_space<semaphore_mem>>) src(%dma_wait3A_131 : memref<10240x128xf32, #tpu.memory_space<hbm>>) dst(%arg9 : memref<128x128xf32, #tpu.memory_space<vmem>>)
      %dma_start3A_132 = arith.constant 0 : i32
      %dma_start3A_133 = tpu.memref_slice %arg8[%rem3A_125, %dma_start3A_132] : memref<16x128xi32, #tpu.memory_space<vmem>> -> memref<1x128xi32, #tpu.memory_space<vmem>>
      %dma_start3A_134 = tpu.memref_squeeze %dma_start3A_133 : memref<1x128xi32, #tpu.memory_space<vmem>> -> memref<128xi32, #tpu.memory_space<vmem>>
      %dma_start3A_135 = arith.constant 0 : i32
      %dma_start3A_136 = arith.constant 0 : i32
      %dma_start3A_137 = tpu.memref_slice %arg16[%dma_start3A_135, %dma_start3A_136] : memref<10240x128xf32, #tpu.memory_space<vmem_shared>> -> memref<10240x128xf32, #tpu.memory_space<vmem_shared>>
      tpu.enqueue_indirect_dma source(%arg9 : memref<128x128xf32, #tpu.memory_space<vmem>>) target(%dma_start3A_137 : memref<10240x128xf32, #tpu.memory_space<vmem_shared>>) offsets(%dma_start3A_134 : memref<128xi32, #tpu.memory_space<vmem>>) semaphore(%arg14 : memref<!tpu.dma_semaphore, #tpu.memory_space<semaphore_mem>>) {add = true}
      %mul3A_138 = arith.constant 2 : i32
      %mul3A_139 = arith.muli %mul3A_138, %while3A_75 : i32
      %add3A_140 = arith.constant 1 : i32
      %add3A_141 = arith.addi %mul3A_139, %add3A_140 : i32
      %rem3A_142 = arith.constant 16 : i32
      %rem3A_143 = arith.remsi %add3A_141, %rem3A_142 : i32
      %dma_wait3A_144 = arith.constant 0 : i32
      %dma_wait3A_145 = tpu.memref_slice %arg7[%rem3A_143, %dma_wait3A_144] : memref<16x128xi32, #tpu.memory_space<vmem>> -> memref<1x128xi32, #tpu.memory_space<vmem>>
      %dma_wait3A_146 = tpu.memref_squeeze %dma_wait3A_145 : memref<1x128xi32, #tpu.memory_space<vmem>> -> memref<128xi32, #tpu.memory_space<vmem>>
      %dma_wait3A_147 = arith.constant 0 : i32
      %dma_wait3A_148 = arith.constant 0 : i32
      %dma_wait3A_149 = tpu.memref_slice %arg2[%dma_wait3A_147, %dma_wait3A_148] : memref<10240x128xf32, #tpu.memory_space<hbm>> -> memref<10240x128xf32, #tpu.memory_space<hbm>>
      tpu.wait_indirect_dma semaphore(%arg13 : memref<!tpu.dma_semaphore, #tpu.memory_space<semaphore_mem>>) src(%dma_wait3A_149 : memref<10240x128xf32, #tpu.memory_space<hbm>>) dst(%arg10 : memref<128x128xf32, #tpu.memory_space<vmem>>)
      %dma_start3A_150 = arith.constant 0 : i32
      %dma_start3A_151 = tpu.memref_slice %arg8[%rem3A_143, %dma_start3A_150] : memref<16x128xi32, #tpu.memory_space<vmem>> -> memref<1x128xi32, #tpu.memory_space<vmem>>
      %dma_start3A_152 = tpu.memref_squeeze %dma_start3A_151 : memref<1x128xi32, #tpu.memory_space<vmem>> -> memref<128xi32, #tpu.memory_space<vmem>>
      %dma_start3A_153 = arith.constant 0 : i32
      %dma_start3A_154 = arith.constant 0 : i32
      %dma_start3A_155 = tpu.memref_slice %arg16[%dma_start3A_153, %dma_start3A_154] : memref<10240x128xf32, #tpu.memory_space<vmem_shared>> -> memref<10240x128xf32, #tpu.memory_space<vmem_shared>>
      tpu.enqueue_indirect_dma source(%arg10 : memref<128x128xf32, #tpu.memory_space<vmem>>) target(%dma_start3A_155 : memref<10240x128xf32, #tpu.memory_space<vmem_shared>>) offsets(%dma_start3A_152 : memref<128xi32, #tpu.memory_space<vmem>>) semaphore(%arg15 : memref<!tpu.dma_semaphore, #tpu.memory_space<semaphore_mem>>) {add = true}
    }
    %dma_wait3A = arith.constant 0 : i32
    %dma_wait3A_57 = arith.constant 0 : i32
    %dma_wait3A_58 = tpu.memref_slice %arg8[%dma_wait3A, %dma_wait3A_57] : memref<16x128xi32, #tpu.memory_space<vmem>> -> memref<1x128xi32, #tpu.memory_space<vmem>>
    %dma_wait3A_59 = tpu.memref_squeeze %dma_wait3A_58 : memref<1x128xi32, #tpu.memory_space<vmem>> -> memref<128xi32, #tpu.memory_space<vmem>>
    %dma_wait3A_60 = arith.constant 0 : i32
    %dma_wait3A_61 = arith.constant 0 : i32
    %dma_wait3A_62 = tpu.memref_slice %arg16[%dma_wait3A_60, %dma_wait3A_61] : memref<10240x128xf32, #tpu.memory_space<vmem_shared>> -> memref<10240x128xf32, #tpu.memory_space<vmem_shared>>
    tpu.wait_indirect_dma semaphore(%arg14 : memref<!tpu.dma_semaphore, #tpu.memory_space<semaphore_mem>>) src(%arg9 : memref<128x128xf32, #tpu.memory_space<vmem>>) dst(%dma_wait3A_62 : memref<10240x128xf32, #tpu.memory_space<vmem_shared>>)
    %dma_wait3A_63 = arith.constant 0 : i32
    %dma_wait3A_64 = arith.constant 0 : i32
    %dma_wait3A_65 = tpu.memref_slice %arg8[%dma_wait3A_63, %dma_wait3A_64] : memref<16x128xi32, #tpu.memory_space<vmem>> -> memref<1x128xi32, #tpu.memory_space<vmem>>
    %dma_wait3A_66 = tpu.memref_squeeze %dma_wait3A_65 : memref<1x128xi32, #tpu.memory_space<vmem>> -> memref<128xi32, #tpu.memory_space<vmem>>
    %dma_wait3A_67 = arith.constant 0 : i32
    %dma_wait3A_68 = arith.constant 0 : i32
    %dma_wait3A_69 = tpu.memref_slice %arg16[%dma_wait3A_67, %dma_wait3A_68] : memref<10240x128xf32, #tpu.memory_space<vmem_shared>> -> memref<10240x128xf32, #tpu.memory_space<vmem_shared>>
    tpu.wait_indirect_dma semaphore(%arg15 : memref<!tpu.dma_semaphore, #tpu.memory_space<semaphore_mem>>) src(%arg10 : memref<128x128xf32, #tpu.memory_space<vmem>>) dst(%dma_wait3A_69 : memref<10240x128xf32, #tpu.memory_space<vmem_shared>>)
    %barrier3A_70 = arith.constant 0 : index
    tpu.barrier barrier_id(%barrier3A_70)
    %mul3A_71 = arith.constant 640 : i32
    %mul3A_72 = arith.muli %arg1, %mul3A_71 : i32
    %mul3A_73 = arith.constant 640 : i32
    %mul3A_74 = arith.muli %arg1, %mul3A_73 : i32
    "tpu.region"() ({
      %run_scoped3A = tpu.sem_alloc : memref<!tpu.dma_semaphore, #tpu.memory_space<semaphore_mem>>
      %dma_start3A_75 = arith.constant 0 : i32
      %dma_start3A_76 = tpu.memref_slice %arg6[%arg0, %mul3A_74, %dma_start3A_75] : memref<2x10240x128xf32, #tpu.memory_space<hbm>> -> memref<1x640x128xf32, #tpu.memory_space<hbm>>
      %dma_start3A_77 = tpu.memref_squeeze %dma_start3A_76 : memref<1x640x128xf32, #tpu.memory_space<hbm>> -> memref<640x128xf32, #tpu.memory_space<hbm>>
      %dma_start3A_78 = arith.constant 0 : i32
      %dma_start3A_79 = tpu.memref_slice %arg16[%mul3A_72, %dma_start3A_78] : memref<10240x128xf32, #tpu.memory_space<vmem_shared>> -> memref<640x128xf32, #tpu.memory_space<vmem_shared>>
      tpu.enqueue_dma source(%dma_start3A_79 : memref<640x128xf32, #tpu.memory_space<vmem_shared>>) target(%dma_start3A_77 : memref<640x128xf32, #tpu.memory_space<hbm>>) target_semaphore(%run_scoped3A : memref<!tpu.dma_semaphore, #tpu.memory_space<semaphore_mem>>)
      %dma_wait3A_80 = arith.constant 0 : i32
      %dma_wait3A_81 = tpu.memref_slice %arg6[%arg0, %mul3A_74, %dma_wait3A_80] : memref<2x10240x128xf32, #tpu.memory_space<hbm>> -> memref<1x640x128xf32, #tpu.memory_space<hbm>>
      %dma_wait3A_82 = tpu.memref_squeeze %dma_wait3A_81 : memref<1x640x128xf32, #tpu.memory_space<hbm>> -> memref<640x128xf32, #tpu.memory_space<hbm>>
      %dma_wait3A_83 = arith.constant 0 : i32
      %dma_wait3A_84 = tpu.memref_slice %arg16[%mul3A_72, %dma_wait3A_83] : memref<10240x128xf32, #tpu.memory_space<vmem_shared>> -> memref<640x128xf32, #tpu.memory_space<vmem_shared>>
      tpu.wait_dma2 semaphore(%run_scoped3A : memref<!tpu.dma_semaphore, #tpu.memory_space<semaphore_mem>>) src(%dma_wait3A_84 : memref<640x128xf32, #tpu.memory_space<vmem_shared>>) dst(%dma_wait3A_82 : memref<640x128xf32, #tpu.memory_space<hbm>>)
      tpu.yield
    }) : () -> ()
    return
  }
}

module attributes {stable_mosaic.version = 14 : i64} {
  func.func @_t1_body(%arg0: i32, %arg1: memref<512x128xf32, #tpu.memory_space<vmem>>, %arg2: memref<128x128xf32, #tpu.memory_space<vmem>>, %arg3: memref<2x512x128xf32, #tpu.memory_space<vmem>>, %arg4: memref<512x128xf32, #tpu.memory_space<vmem>>, %arg5: memref<512x1xf32, #tpu.memory_space<vmem>>) attributes {dimension_semantics = [#tpu.dimension_semantics<arbitrary>], iteration_bounds = array<i64: 20>, scalar_prefetch = 0 : i64, scratch_operands = 0 : i64, tpu.core_type = #tpu.core_type<tc>, window_params = [{transform_indices = @transform_0, window_bounds = array<i64: 512, 128>}, {pipeline_mode = #tpu.pipeline_mode<synchronous>, transform_indices = @transform_1, window_bounds = array<i64: 128, 128>}, {transform_indices = @transform_2, window_bounds = array<i64: 2, 512, 128>}, {transform_indices = @transform_3, window_bounds = array<i64: 512, 128>}, {transform_indices = @transform_4, window_bounds = array<i64: 512, 1>}]} {
    %get3A = arith.constant 0 : index
    %get3A_0 = arith.constant 0 : index
    %get3A_1 = arith.constant 0 : index
    %get3A_2 = vector.load %arg3[%get3A, %get3A_0, %get3A_1] : memref<2x512x128xf32, #tpu.memory_space<vmem>>, vector<1x512x1xf32>
    %get3A_3 = vector.shape_cast %get3A_2 : vector<1x512x1xf32> to vector<512x1xf32>
    %get3A_4 = arith.constant 1 : index
    %get3A_5 = arith.constant 0 : index
    %get3A_6 = arith.constant 0 : index
    %get3A_7 = vector.load %arg3[%get3A_4, %get3A_5, %get3A_6] : memref<2x512x128xf32, #tpu.memory_space<vmem>>, vector<1x512x1xf32>
    %get3A_8 = vector.shape_cast %get3A_7 : vector<1x512x1xf32> to vector<512x1xf32>
    %add3A = arith.addf %get3A_3, %get3A_8 : vector<512x1xf32>
    %add3A_9 = arith.constant 1.000000e+00 : f32
    %add3A_10 = vector.broadcast %add3A_9 : f32 to vector<512x1xf32>
    %add3A_11 = arith.addf %add3A, %add3A_10 : vector<512x1xf32>
    %iota3A = tpu.iota {dimensions = array<i32: 0>} : vector<512x1xi32>
    %mul3A = arith.constant 512 : i32
    %mul3A_12 = arith.muli %arg0, %mul3A : i32
    %add3A_13 = vector.broadcast %mul3A_12 : i32 to vector<512x1xi32>
    %add3A_14 = arith.addi %iota3A, %add3A_13 : vector<512x1xi32>
    %lt3A = arith.constant 10000 : i32
    %lt3A_15 = vector.broadcast %lt3A : i32 to vector<512x1xi32>
    %lt3A_16 = arith.cmpi slt, %add3A_14, %lt3A_15 : vector<512x1xi32>
    %rsqrt3A = math.rsqrt %add3A_11 : vector<512x1xf32>
    %jit3A = arith.constant 0.000000e+00 : f32
    %broadcast_in_dim3A = vector.broadcast %jit3A : f32 to vector<512x1xf32>
    %select_n3A = arith.select %lt3A_16, %rsqrt3A, %broadcast_in_dim3A : vector<512x1xi1>, vector<512x1xf32>
    %get3A_17 = arith.constant 0 : index
    %get3A_18 = arith.constant 0 : index
    %get3A_19 = vector.load %arg1[%get3A_17, %get3A_18] : memref<512x128xf32, #tpu.memory_space<vmem>>, vector<512x128xf32>
    %get3A_20 = arith.constant 0 : index
    %get3A_21 = arith.constant 0 : index
    %get3A_22 = vector.load %arg2[%get3A_20, %get3A_21] : memref<128x128xf32, #tpu.memory_space<vmem>>, vector<128x128xf32>
    %dot_general3A = arith.constant dense<0.000000e+00> : vector<512x128xf32>
    %dot_general3A_23 = tpu.matmul %get3A_19, %get3A_22, %dot_general3A {dimension_numbers = #tpu.dot_dimension_numbers<[1], [0], [0], [1], [0, 0, 1, 1], [], []>, transpose_lhs_hint = false} : vector<512x128xf32>, vector<128x128xf32>, vector<512x128xf32> -> vector<512x128xf32>
    %mul3A_24 = vector.broadcast %select_n3A : vector<512x1xf32> to vector<512x128xf32>
    %mul3A_25 = arith.mulf %mul3A_24, %dot_general3A_23 : vector<512x128xf32>
    %swap3A = arith.constant 0 : index
    %swap3A_26 = arith.constant 0 : index
    %swap3A_27 = vector.load %arg4[%swap3A, %swap3A_26] : memref<512x128xf32, #tpu.memory_space<vmem>>, vector<512x128xf32>
    tpu.vector_store %arg4[%swap3A, %swap3A_26], %mul3A_25 {strides = array<i32>} : memref<512x128xf32, #tpu.memory_space<vmem>>, vector<512x128xf32>,
    %swap3A_28 = arith.constant 0 : index
    %swap3A_29 = arith.constant 0 : index
    %swap3A_30 = vector.load %arg5[%swap3A_28, %swap3A_29] : memref<512x1xf32, #tpu.memory_space<vmem>>, vector<512x1xf32>
    tpu.vector_store %arg5[%swap3A_28, %swap3A_29], %select_n3A {strides = array<i32>} : memref<512x1xf32, #tpu.memory_space<vmem>>, vector<512x1xf32>,
    return
  }
  func.func @transform_0(%arg0: i32) -> (i32, i32) {
    %c0_i32 = arith.constant 0 : i32
    %c0_i32_0 = arith.constant 0 : i32
    return %arg0, %c0_i32 : i32, i32
  }
  func.func @transform_1(%arg0: i32) -> (i32, i32) {
    %c0_i32 = arith.constant 0 : i32
    %c0_i32_0 = arith.constant 0 : i32
    %c0_i32_1 = arith.constant 0 : i32
    return %c0_i32, %c0_i32_0 : i32, i32
  }
  func.func @transform_2(%arg0: i32) -> (i32, i32, i32) {
    %c0_i32 = arith.constant 0 : i32
    %c0_i32_0 = arith.constant 0 : i32
    %c0_i32_1 = arith.constant 0 : i32
    return %c0_i32, %arg0, %c0_i32_0 : i32, i32, i32
  }
  func.func @transform_3(%arg0: i32) -> (i32, i32) {
    %c0_i32 = arith.constant 0 : i32
    %c0_i32_0 = arith.constant 0 : i32
    return %arg0, %c0_i32 : i32, i32
  }
  func.func @transform_4(%arg0: i32) -> (i32, i32) {
    %c0_i32 = arith.constant 0 : i32
    %c0_i32_0 = arith.constant 0 : i32
    return %arg0, %c0_i32 : i32, i32
  }
}

module attributes {stable_mosaic.version = 14 : i64} {
  func.func @_tmid_body(%arg0: i32, %arg1: memref<2x512x128xf32, #tpu.memory_space<vmem>>, %arg2: memref<512x128xf32, #tpu.memory_space<vmem>>, %arg3: memref<512x1xf32, #tpu.memory_space<vmem>>, %arg4: memref<1x128xf32, #tpu.memory_space<vmem>>, %arg5: memref<128x128xf32, #tpu.memory_space<vmem>>, %arg6: memref<512x128xf32, #tpu.memory_space<vmem>>) attributes {dimension_semantics = [#tpu.dimension_semantics<arbitrary>], iteration_bounds = array<i64: 20>, scalar_prefetch = 0 : i64, scratch_operands = 0 : i64, tpu.core_type = #tpu.core_type<tc>, window_params = [{transform_indices = @transform_0, window_bounds = array<i64: 2, 512, 128>}, {transform_indices = @transform_1, window_bounds = array<i64: 512, 128>}, {transform_indices = @transform_2, window_bounds = array<i64: 512, 1>}, {pipeline_mode = #tpu.pipeline_mode<synchronous>, transform_indices = @transform_3, window_bounds = array<i64: 1, 128>}, {pipeline_mode = #tpu.pipeline_mode<synchronous>, transform_indices = @transform_4, window_bounds = array<i64: 128, 128>}, {transform_indices = @transform_5, window_bounds = array<i64: 512, 128>}]} {
    %get3A = arith.constant 0 : index
    %get3A_0 = arith.constant 0 : index
    %get3A_1 = vector.load %arg3[%get3A, %get3A_0] : memref<512x1xf32, #tpu.memory_space<vmem>>, vector<512x1xf32>
    %get3A_2 = arith.constant 0 : index
    %get3A_3 = arith.constant 0 : index
    %get3A_4 = arith.constant 0 : index
    %get3A_5 = vector.load %arg1[%get3A_2, %get3A_3, %get3A_4] : memref<2x512x128xf32, #tpu.memory_space<vmem>>, vector<1x512x128xf32>
    %get3A_6 = vector.shape_cast %get3A_5 : vector<1x512x128xf32> to vector<512x128xf32>
    %get3A_7 = arith.constant 1 : index
    %get3A_8 = arith.constant 0 : index
    %get3A_9 = arith.constant 0 : index
    %get3A_10 = vector.load %arg1[%get3A_7, %get3A_8, %get3A_9] : memref<2x512x128xf32, #tpu.memory_space<vmem>>, vector<1x512x128xf32>
    %get3A_11 = vector.shape_cast %get3A_10 : vector<1x512x128xf32> to vector<512x128xf32>
    %add3A = arith.addf %get3A_6, %get3A_11 : vector<512x128xf32>
    %get3A_12 = arith.constant 0 : index
    %get3A_13 = arith.constant 0 : index
    %get3A_14 = vector.load %arg2[%get3A_12, %get3A_13] : memref<512x128xf32, #tpu.memory_space<vmem>>, vector<512x128xf32>
    %add3A_15 = arith.addf %add3A, %get3A_14 : vector<512x128xf32>
    %mul3A = vector.broadcast %get3A_1 : vector<512x1xf32> to vector<512x128xf32>
    %mul3A_16 = arith.mulf %mul3A, %add3A_15 : vector<512x128xf32>
    %get3A_17 = arith.constant 0 : index
    %get3A_18 = arith.constant 0 : index
    %get3A_19 = vector.load %arg4[%get3A_17, %get3A_18] : memref<1x128xf32, #tpu.memory_space<vmem>>, vector<1x128xf32>
    %add3A_20 = vector.broadcast %get3A_19 : vector<1x128xf32> to vector<512x128xf32>
    %add3A_21 = arith.addf %mul3A_16, %add3A_20 : vector<512x128xf32>
    %max3A = arith.constant 0.000000e+00 : f32
    %max3A_22 = vector.broadcast %max3A : f32 to vector<512x128xf32>
    %max3A_23 = arith.maximumf %add3A_21, %max3A_22 : vector<512x128xf32>
    %get3A_24 = arith.constant 0 : index
    %get3A_25 = arith.constant 0 : index
    %get3A_26 = vector.load %arg5[%get3A_24, %get3A_25] : memref<128x128xf32, #tpu.memory_space<vmem>>, vector<128x128xf32>
    %dot_general3A = arith.constant dense<0.000000e+00> : vector<512x128xf32>
    %dot_general3A_27 = tpu.matmul %max3A_23, %get3A_26, %dot_general3A {dimension_numbers = #tpu.dot_dimension_numbers<[1], [0], [0], [1], [0, 0, 1, 1], [], []>, transpose_lhs_hint = false} : vector<512x128xf32>, vector<128x128xf32>, vector<512x128xf32> -> vector<512x128xf32>
    %mul3A_28 = vector.broadcast %get3A_1 : vector<512x1xf32> to vector<512x128xf32>
    %mul3A_29 = arith.mulf %mul3A_28, %dot_general3A_27 : vector<512x128xf32>
    %swap3A = arith.constant 0 : index
    %swap3A_30 = arith.constant 0 : index
    %swap3A_31 = vector.load %arg6[%swap3A, %swap3A_30] : memref<512x128xf32, #tpu.memory_space<vmem>>, vector<512x128xf32>
    tpu.vector_store %arg6[%swap3A, %swap3A_30], %mul3A_29 {strides = array<i32>} : memref<512x128xf32, #tpu.memory_space<vmem>>, vector<512x128xf32>,
    return
  }
  func.func @transform_0(%arg0: i32) -> (i32, i32, i32) {
    %c0_i32 = arith.constant 0 : i32
    %c0_i32_0 = arith.constant 0 : i32
    %c0_i32_1 = arith.constant 0 : i32
    return %c0_i32, %arg0, %c0_i32_0 : i32, i32, i32
  }
  func.func @transform_1(%arg0: i32) -> (i32, i32) {
    %c0_i32 = arith.constant 0 : i32
    %c0_i32_0 = arith.constant 0 : i32
    return %arg0, %c0_i32 : i32, i32
  }
  func.func @transform_2(%arg0: i32) -> (i32, i32) {
    %c0_i32 = arith.constant 0 : i32
    %c0_i32_0 = arith.constant 0 : i32
    return %arg0, %c0_i32 : i32, i32
  }
  func.func @transform_3(%arg0: i32) -> (i32, i32) {
    %c0_i32 = arith.constant 0 : i32
    %c0_i32_0 = arith.constant 0 : i32
    %c0_i32_1 = arith.constant 0 : i32
    return %c0_i32, %c0_i32_0 : i32, i32
  }
  func.func @transform_4(%arg0: i32) -> (i32, i32) {
    %c0_i32 = arith.constant 0 : i32
    %c0_i32_0 = arith.constant 0 : i32
    %c0_i32_1 = arith.constant 0 : i32
    return %c0_i32, %c0_i32_0 : i32, i32
  }
  func.func @transform_5(%arg0: i32) -> (i32, i32) {
    %c0_i32 = arith.constant 0 : i32
    %c0_i32_0 = arith.constant 0 : i32
    return %arg0, %c0_i32 : i32, i32
  }
}

module attributes {stable_mosaic.version = 14 : i64} {
  func.func @_t4_body(%arg0: i32, %arg1: memref<2x512x128xf32, #tpu.memory_space<vmem>>, %arg2: memref<512x128xf32, #tpu.memory_space<vmem>>, %arg3: memref<512x1xf32, #tpu.memory_space<vmem>>, %arg4: memref<1x128xf32, #tpu.memory_space<vmem>>, %arg5: memref<128x4xf32, #tpu.memory_space<vmem>>, %arg6: memref<1x4xf32, #tpu.memory_space<vmem>>, %arg7: memref<1x4xf32, #tpu.memory_space<vmem>>, %arg8: memref<1x128xf32, #tpu.memory_space<vmem>>) attributes {dimension_semantics = [#tpu.dimension_semantics<arbitrary>], iteration_bounds = array<i64: 20>, scalar_prefetch = 0 : i64, scratch_operands = 1 : i64, tpu.core_type = #tpu.core_type<tc>, window_params = [{transform_indices = @transform_0, window_bounds = array<i64: 2, 512, 128>}, {transform_indices = @transform_1, window_bounds = array<i64: 512, 128>}, {transform_indices = @transform_2, window_bounds = array<i64: 512, 1>}, {pipeline_mode = #tpu.pipeline_mode<synchronous>, transform_indices = @transform_3, window_bounds = array<i64: 1, 128>}, {pipeline_mode = #tpu.pipeline_mode<synchronous>, transform_indices = @transform_4, window_bounds = array<i64: 128, 4>}, {pipeline_mode = #tpu.pipeline_mode<synchronous>, transform_indices = @transform_5, window_bounds = array<i64: 1, 4>}, {pipeline_mode = #tpu.pipeline_mode<synchronous>, transform_indices = @transform_6, window_bounds = array<i64: 1, 4>}]} {
    %get3A = arith.constant 0 : index
    %get3A_0 = arith.constant 0 : index
    %get3A_1 = vector.load %arg3[%get3A, %get3A_0] : memref<512x1xf32, #tpu.memory_space<vmem>>, vector<512x1xf32>
    %get3A_2 = arith.constant 0 : index
    %get3A_3 = arith.constant 0 : index
    %get3A_4 = arith.constant 0 : index
    %get3A_5 = vector.load %arg1[%get3A_2, %get3A_3, %get3A_4] : memref<2x512x128xf32, #tpu.memory_space<vmem>>, vector<1x512x128xf32>
    %get3A_6 = vector.shape_cast %get3A_5 : vector<1x512x128xf32> to vector<512x128xf32>
    %get3A_7 = arith.constant 1 : index
    %get3A_8 = arith.constant 0 : index
    %get3A_9 = arith.constant 0 : index
    %get3A_10 = vector.load %arg1[%get3A_7, %get3A_8, %get3A_9] : memref<2x512x128xf32, #tpu.memory_space<vmem>>, vector<1x512x128xf32>
    %get3A_11 = vector.shape_cast %get3A_10 : vector<1x512x128xf32> to vector<512x128xf32>
    %add3A = arith.addf %get3A_6, %get3A_11 : vector<512x128xf32>
    %get3A_12 = arith.constant 0 : index
    %get3A_13 = arith.constant 0 : index
    %get3A_14 = vector.load %arg2[%get3A_12, %get3A_13] : memref<512x128xf32, #tpu.memory_space<vmem>>, vector<512x128xf32>
    %add3A_15 = arith.addf %add3A, %get3A_14 : vector<512x128xf32>
    %mul3A = vector.broadcast %get3A_1 : vector<512x1xf32> to vector<512x128xf32>
    %mul3A_16 = arith.mulf %mul3A, %add3A_15 : vector<512x128xf32>
    %get3A_17 = arith.constant 0 : index
    %get3A_18 = arith.constant 0 : index
    %get3A_19 = vector.load %arg4[%get3A_17, %get3A_18] : memref<1x128xf32, #tpu.memory_space<vmem>>, vector<1x128xf32>
    %add3A_20 = vector.broadcast %get3A_19 : vector<1x128xf32> to vector<512x128xf32>
    %add3A_21 = arith.addf %mul3A_16, %add3A_20 : vector<512x128xf32>
    %max3A = arith.constant 0.000000e+00 : f32
    %max3A_22 = vector.broadcast %max3A : f32 to vector<512x128xf32>
    %max3A_23 = arith.maximumf %add3A_21, %max3A_22 : vector<512x128xf32>
    %iota3A = tpu.iota {dimensions = array<i32: 0>} : vector<512x1xi32>
    %mul3A_24 = arith.constant 512 : i32
    %mul3A_25 = arith.muli %arg0, %mul3A_24 : i32
    %add3A_26 = vector.broadcast %mul3A_25 : i32 to vector<512x1xi32>
    %add3A_27 = arith.addi %iota3A, %add3A_26 : vector<512x1xi32>
    %lt3A = arith.constant 10000 : i32
    %lt3A_28 = vector.broadcast %lt3A : i32 to vector<512x1xi32>
    %lt3A_29 = arith.cmpi slt, %add3A_27, %lt3A_28 : vector<512x1xi32>
    %jit3A = arith.constant 0.000000e+00 : f32
    %broadcast_in_dim3A = vector.shape_cast %lt3A_29 : vector<512x1xi1> to vector<512x1xi1>
    %broadcast_in_dim3A_30 = vector.broadcast %broadcast_in_dim3A : vector<512x1xi1> to vector<512x128xi1>
    %broadcast_in_dim3A_31 = vector.broadcast %jit3A : f32 to vector<512x128xf32>
    %select_n3A = arith.select %broadcast_in_dim3A_30, %max3A_23, %broadcast_in_dim3A_31 : vector<512x128xi1>, vector<512x128xf32>
    %reduce_sum3A = arith.constant dense<0.000000e+00> : vector<128xf32>
    %reduce_sum3A_32 = vector.multi_reduction <add>, %select_n3A, %reduce_sum3A [0] : vector<512x128xf32> to vector<128xf32>
    %broadcast_in_dim3A_33 = vector.shape_cast %reduce_sum3A_32 : vector<128xf32> to vector<1x128xf32>
    %eq3A = arith.constant 0 : i32
    %eq3A_34 = arith.cmpi eq, %arg0, %eq3A : i32
    %convert_element_type3A = arith.extui %eq3A_34 : i1 to i32
    %cond3A = arith.constant 0 : i32
    %cond3A_35 = arith.cmpi ne, %convert_element_type3A, %cond3A : i32
    scf.if %cond3A_35 {
      %swap3A = arith.constant 0 : index
      %swap3A_45 = arith.constant 0 : index
      %swap3A_46 = vector.load %arg8[%swap3A, %swap3A_45] : memref<1x128xf32, #tpu.memory_space<vmem>>, vector<1x128xf32>
      tpu.vector_store %arg8[%swap3A, %swap3A_45], %broadcast_in_dim3A_33 {strides = array<i32>} : memref<1x128xf32, #tpu.memory_space<vmem>>, vector<1x128xf32>,
    } else {
    }
    %gt3A = arith.constant 0 : i32
    %gt3A_36 = arith.cmpi sgt, %arg0, %gt3A : i32
    %convert_element_type3A_37 = arith.extui %gt3A_36 : i1 to i32
    %cond3A_38 = arith.constant 0 : i32
    %cond3A_39 = arith.cmpi ne, %convert_element_type3A_37, %cond3A_38 : i32
    scf.if %cond3A_39 {
      %get3A_45 = arith.constant 0 : index
      %get3A_46 = arith.constant 0 : index
      %get3A_47 = vector.load %arg8[%get3A_45, %get3A_46] : memref<1x128xf32, #tpu.memory_space<vmem>>, vector<1x128xf32>
      %add3A_48 = arith.addf %get3A_47, %broadcast_in_dim3A_33 : vector<1x128xf32>
      %swap3A = arith.constant 0 : index
      %swap3A_49 = arith.constant 0 : index
      %swap3A_50 = vector.load %arg8[%swap3A, %swap3A_49] : memref<1x128xf32, #tpu.memory_space<vmem>>, vector<1x128xf32>
      tpu.vector_store %arg8[%swap3A, %swap3A_49], %add3A_48 {strides = array<i32>} : memref<1x128xf32, #tpu.memory_space<vmem>>, vector<1x128xf32>,
    } else {
    }
    %eq3A_40 = arith.constant 19 : i32
    %eq3A_41 = arith.cmpi eq, %arg0, %eq3A_40 : i32
    %convert_element_type3A_42 = arith.extui %eq3A_41 : i1 to i32
    %cond3A_43 = arith.constant 0 : i32
    %cond3A_44 = arith.cmpi ne, %convert_element_type3A_42, %cond3A_43 : i32
    scf.if %cond3A_44 {
      %get3A_45 = arith.constant 0 : index
      %get3A_46 = arith.constant 0 : index
      %get3A_47 = vector.load %arg8[%get3A_45, %get3A_46] : memref<1x128xf32, #tpu.memory_space<vmem>>, vector<1x128xf32>
      %mul3A_48 = arith.constant 9.99999974E-5 : f32
      %mul3A_49 = vector.broadcast %mul3A_48 : f32 to vector<1x128xf32>
      %mul3A_50 = arith.mulf %get3A_47, %mul3A_49 : vector<1x128xf32>
      %get3A_51 = arith.constant 0 : index
      %get3A_52 = arith.constant 0 : index
      %get3A_53 = vector.load %arg5[%get3A_51, %get3A_52] : memref<128x4xf32, #tpu.memory_space<vmem>>, vector<128x4xf32>
      %dot_general3A = arith.constant dense<0.000000e+00> : vector<1x4xf32>
      %dot_general3A_54 = tpu.matmul %mul3A_50, %get3A_53, %dot_general3A {dimension_numbers = #tpu.dot_dimension_numbers<[1], [0], [0], [1], [0, 0, 1, 1], [], []>, transpose_lhs_hint = false} : vector<1x128xf32>, vector<128x4xf32>, vector<1x4xf32> -> vector<1x4xf32>
      %get3A_55 = arith.constant 0 : index
      %get3A_56 = arith.constant 0 : index
      %get3A_57 = vector.load %arg6[%get3A_55, %get3A_56] : memref<1x4xf32, #tpu.memory_space<vmem>>, vector<1x4xf32>
      %add3A_58 = arith.addf %dot_general3A_54, %get3A_57 : vector<1x4xf32>
      %reduce_max3A = arith.constant dense<0xFF800000> : vector<1xf32>
      %reduce_max3A_59 = vector.multi_reduction <maximumf>, %add3A_58, %reduce_max3A [1] : vector<1x4xf32> to vector<1xf32>
      %broadcast_in_dim3A_60 = vector.shape_cast %reduce_max3A_59 : vector<1xf32> to vector<1x1xf32>
      %sub3A = vector.broadcast %broadcast_in_dim3A_60 : vector<1x1xf32> to vector<1x4xf32>
      %sub3A_61 = arith.subf %add3A_58, %sub3A : vector<1x4xf32>
      %exp3A = math.exp %sub3A_61 : vector<1x4xf32>
      %reduce_sum3A_62 = arith.constant dense<0.000000e+00> : vector<1xf32>
      %reduce_sum3A_63 = vector.multi_reduction <add>, %exp3A, %reduce_sum3A_62 [1] : vector<1x4xf32> to vector<1xf32>
      %broadcast_in_dim3A_64 = vector.shape_cast %reduce_sum3A_63 : vector<1xf32> to vector<1x1xf32>
      %div3A = vector.broadcast %broadcast_in_dim3A_64 : vector<1x1xf32> to vector<1x4xf32>
      %div3A_65 = arith.divf %exp3A, %div3A : vector<1x4xf32>
      %swap3A = arith.constant 0 : index
      %swap3A_66 = arith.constant 0 : index
      %swap3A_67 = vector.load %arg7[%swap3A, %swap3A_66] : memref<1x4xf32, #tpu.memory_space<vmem>>, vector<1x4xf32>
      tpu.vector_store %arg7[%swap3A, %swap3A_66], %div3A_65 {strides = array<i32>} : memref<1x4xf32, #tpu.memory_space<vmem>>, vector<1x4xf32>,
    } else {
    }
    return
  }
  func.func @transform_0(%arg0: i32) -> (i32, i32, i32) {
    %c0_i32 = arith.constant 0 : i32
    %c0_i32_0 = arith.constant 0 : i32
    %c0_i32_1 = arith.constant 0 : i32
    return %c0_i32, %arg0, %c0_i32_0 : i32, i32, i32
  }
  func.func @transform_1(%arg0: i32) -> (i32, i32) {
    %c0_i32 = arith.constant 0 : i32
    %c0_i32_0 = arith.constant 0 : i32
    return %arg0, %c0_i32 : i32, i32
  }
  func.func @transform_2(%arg0: i32) -> (i32, i32) {
    %c0_i32 = arith.constant 0 : i32
    %c0_i32_0 = arith.constant 0 : i32
    return %arg0, %c0_i32 : i32, i32
  }
  func.func @transform_3(%arg0: i32) -> (i32, i32) {
    %c0_i32 = arith.constant 0 : i32
    %c0_i32_0 = arith.constant 0 : i32
    %c0_i32_1 = arith.constant 0 : i32
    return %c0_i32, %c0_i32_0 : i32, i32
  }
  func.func @transform_4(%arg0: i32) -> (i32, i32) {
    %c0_i32 = arith.constant 0 : i32
    %c0_i32_0 = arith.constant 0 : i32
    %c0_i32_1 = arith.constant 0 : i32
    return %c0_i32, %c0_i32_0 : i32, i32
  }
  func.func @transform_5(%arg0: i32) -> (i32, i32) {
    %c0_i32 = arith.constant 0 : i32
    %c0_i32_0 = arith.constant 0 : i32
    %c0_i32_1 = arith.constant 0 : i32
    return %c0_i32, %c0_i32_0 : i32, i32
  }
  func.func @transform_6(%arg0: i32) -> (i32, i32) {
    %c0_i32 = arith.constant 0 : i32
    %c0_i32_0 = arith.constant 0 : i32
    %c0_i32_1 = arith.constant 0 : i32
    return %c0_i32, %c0_i32_0 : i32, i32
  }
}

</mosaic_0001>

<sc_bundles>
// kernel: kernel.10.cloned.1.call-start
scs
__scs_entry_jumppad:
0x0: {  	(pc) =	sbr.rel $0x88, $3  }
0x1: {  	(tag) =	ssettag $0x0;
	lr =	simm.s32 $0x1  }
0x2: {  	[smem:$0x3F97] =	sst lr;
	_ =	strace $0xD0000000  }
0x3: {  	_ = 	snop  }
0x4: {  	_ = 	snop  }
0x5: {  	_ = 	snop  }
0x6: {  	_ = 	snop  }
0x7: {  	_ = 	snop  }
__scs_overlays_trampoline_lowered:
0x8: {  	[smem:$0x3FA6] =	sst s0  }
0x9: {  	[smem:$0x3FA7] =	sst s1  }
0xa: {  	[smem:$0x3FA8] =	sst s2  }
0xb: {  	[smem:$0x3FA9] =	sst s3  }
0xc: {  	[smem:$0x3FAA] =	sst s4  }
0xd: {  	[smem:$0x3FAB] =	sst s5  }
0xe: {  	[smem:$0x3FAC] =	sst s6  }
0xf: {  	[smem:$0x3FAD] =	sst s7  }
0x10: {  	[smem:$0x3FAE] =	sst s8  }
0x11: {  	[smem:$0x3FAF] =	sst s9;
	s0 =	simm.s32 @!p0 $0x0  }
0x12: {  	s1 =	sld [smem:$0x3F95];
	s0 =	simm.s32 @p0 $0x1  }
0x13: {  	[smem:$0x3FB0] =	sst s0;
	s0 =	simm.s32 @!p1 $0x0  }
0x14: {  	s2 =	sld [smem:$0x3F94];
	s0 =	simm.s32 @p1 $0x1  }
0x15: {  	[smem:$0x3FB1] =	sst s0;
	s0 =	simm.s32 @!p2 $0x0  }
0x16: {  	s3 =	sld [smem:$0x3FDB];
	s0 =	simm.s32 @p2 $0x1  }
0x17: {  	s4 =	simm.s32 $0x1BF5;
	[smem:$0x3FB3] =	sst s0  }
0x18: {  	s0 =	sld [smem:$0x3F96];
	_ =	swait.ge [sflag:s4], $0x0  }
0x19: {  	s7 =	sld [smem:$0x3F97]  }
0x1a: {  	s8 =	sadd.s32 $0xFFFFE003, lr  }
0x1b: {  	s9 =	sadd.s32 $0xFFFFFEF7, lr;
	s5 =	simm.s32 $0xFFFFFFFF;
	p2 =	slt.u32 s8, $0xFFFFF086  }
0x1c: {  	p1 =	slt.u32 s9, $0xF7A;
	s5 =	simm.s32 @!p2 $0x0  }
0x1d: {  	s5 =	simm.s32 @p1 $0x1;
	p0 =	seq.s32 s7, s2  }
0x1e: {  	s7 =	smul.u32 @!p0 $0xF7A, s2;
	p2 =	seq.s32 @!p0 s5, $0x0  }
0x1f: {  	s9 =	smul.u32 $0xF7A, s1;
	s8 =	simm.s32 @!p0 $0x1BF5;
	p2 =	por !p2, p0  }
0x20: {  	[sflag:s8] =	ssyncset.s32 @!p0 $0xFFFFF086;
	s6 =	sadd.s32 @!p0 s3, s7;
	s7 =	simm.s32 @!p0 $0x108  }
0x21: {  	s3 =	sadd.s32 s3, s9;
	s6 =	sadd.s32 @!p0 $0x88, s6;
	s7 =	simm.s32 @p2 $0x1082  }
0x22: {  	[simem:s7], [sflag:s8] =	dma.local @!p0 [hbm:s6], $0xF7A  }
0x23: {  	s9 =	sor.u32 $0xD0000000, s2;
	s6 =	simm.s32 $0x108;
	_ =	swait.ge @!p0 [sflag:s8], $0x0  }
0x24: {  	s3 =	sadd.s32 $0x88, s3;
	s6 =	simm.s32 @!p1 $0x1082;
	[sflag:s4] =	ssyncset.s32 $0xFFFFF086  }
0x25: {  	[simem:s6], [sflag:s4] =	dma.local [hbm:s3], $0xF7A  }
0x26: {  	[smem:$0x3F97] =	sst s1;
	(tag) =	ssettag s2;
	_ =	strace s9  }
0x27: {  	s1 =	sld [smem:$0x3FA7]  }
0x28: {  	s2 =	sld [smem:$0x3FA8]  }
0x29: {  	s4 =	sld [smem:$0x3FAA]  }
0x2a: {  	p0 =	seq.s32 s5, $0x0;
	s5 =	sld [smem:$0x3FAB]  }
0x2b: {  	s6 =	sld [smem:$0x3FAC]  }
0x2c: {  	s7 =	sld [smem:$0x3FAD]  }
0x2d: {  	s3 =	simm.s32 $0x108;
	s8 =	sld [smem:$0x3FAE]  }
0x2e: {  	s3 =	simm.s32 @!p0 $0x1082;
	s9 =	sld [smem:$0x3FAF]  }
0x2f: {  	lr =	sadd.s32 s0, s3;
	s0 =	sld [smem:$0x3FA6]  }
0x30: {  	s3 =	sld [smem:$0x3FA9]  }
0x31: {  	[smem:$0x3FB2] =	sst s10  }
0x32: {  	s10 =	sld [smem:$0x3FB0];
	_ =	sdelay $0x3  }
0x33: {  	p0 =	seq.s32 s10, $0x1;
	s10 =	sld [smem:$0x3FB2];
	_ =	sdelay $0x3  }
0x34: {  	[smem:$0x3FB2] =	sst s10  }
0x35: {  	s10 =	sld [smem:$0x3FB1];
	_ =	sdelay $0x3  }
0x36: {  	p1 =	seq.s32 s10, $0x1;
	s10 =	sld [smem:$0x3FB2];
	_ =	sdelay $0x3  }
0x37: {  	[smem:$0x3FB2] =	sst s10  }
0x38: {  	s10 =	sld [smem:$0x3FB3]  }
0x39: {  	_ = 	snop;
	(pc) =	sbr.ind lr, $3  }
0x3a: {  	_ = 	snop  }
0x3b: {  	_ = 	snop  }
0x3c: {  	p2 =	seq.s32 s10, $0x1;
	s10 =	sld [smem:$0x3FB2]  }
0x3d: {  	_ =	shalt  }
0x3e: {  	_ =	shalt  }
0x3f: {  	_ =	shalt  }
0x40: {  	_ =	shalt  }
0x41: {  	_ =	shalt  }
0x42: {  	_ =	shalt  }
0x43: {  	_ =	shalt  }
0x44: {  	_ =	shalt  }
0x45: {  	_ =	shalt  }
0x46: {  	_ =	shalt  }
0x47: {  	_ =	shalt  }
0x48: {  	_ =	shalt  }
0x49: {  	_ =	shalt  }
0x4a: {  	_ =	shalt  }
0x4b: {  	_ =	shalt  }
0x4c: {  	_ =	shalt  }
0x4d: {  	_ =	shalt  }
0x4e: {  	_ =	shalt  }
0x4f: {  	_ =	shalt  }
0x50: {  	_ =	shalt  }
0x51: {  	_ =	shalt  }
0x52: {  	_ =	shalt  }
0x53: {  	_ =	shalt  }
0x54: {  	_ =	shalt  }
0x55: {  	_ =	shalt  }
0x56: {  	_ =	shalt  }
0x57: {  	_ =	shalt  }
0x58: {  	_ =	shalt  }
0x59: {  	_ =	shalt  }
0x5a: {  	_ =	shalt  }
0x5b: {  	_ =	shalt  }
0x5c: {  	_ =	shalt  }
0x5d: {  	_ =	shalt  }
0x5e: {  	_ =	shalt  }
0x5f: {  	_ =	shalt  }
0x60: {  	_ =	shalt  }
0x61: {  	_ =	shalt  }
0x62: {  	_ =	shalt  }
0x63: {  	_ =	shalt  }
0x64: {  	_ =	shalt  }
0x65: {  	_ =	shalt  }
0x66: {  	_ =	shalt  }
0x67: {  	_ =	shalt  }
0x68: {  	_ =	shalt  }
0x69: {  	_ =	shalt  }
0x6a: {  	_ =	shalt  }
0x6b: {  	_ =	shalt  }
0x6c: {  	_ =	shalt  }
0x6d: {  	_ =	shalt  }
0x6e: {  	_ =	shalt  }
0x6f: {  	_ =	shalt  }
0x70: {  	_ =	shalt  }
0x71: {  	_ =	shalt  }
0x72: {  	_ =	shalt  }
0x73: {  	_ =	shalt  }
0x74: {  	_ =	shalt  }
0x75: {  	_ =	shalt  }
0x76: {  	_ =	shalt  }
0x77: {  	_ =	shalt  }
0x78: {  	_ =	shalt  }
0x79: {  	_ =	shalt  }
0x7a: {  	_ =	shalt  }
0x7b: {  	_ =	shalt  }
0x7c: {  	_ =	shalt  }
0x7d: {  	_ =	shalt  }
0x7e: {  	_ =	shalt  }
0x7f: {  	_ =	shalt  }
0x80: {  	_ =	shalt  }
0x81: {  	_ =	shalt  }
0x82: {  	_ =	shalt  }
0x83: {  	_ =	shalt  }
0x84: {  	_ =	shalt  }
0x85: {  	_ =	shalt  }
0x86: {  	_ =	shalt  }
0x87: {  	_ =	shalt  }
.Lfunc_end0:
.L_simem_size_0:
called_computation_lowered:
.L_overlay_start_0:
0x88: {  	s2 =	sld [smem:$0x3FD9]  }
0x89: {  	s3 =	sld [smem:$0x3FFE];
	_ =	sdelay $0x1  }
0x8a: {  	s1 =	srdreg.scid  }
0x8b: {  	s0 =	sand.u32 $0x1, s1  }
0x8c: {  	s16 =	sshll.u32 s0, $0xA;
	s2 =	sadd.s32 s3, s2  }
0x8d: {  	s2 =	sadd.s32 s2, s16  }
0x8e: {  	[smem:$0x3FBE] =	sst s2  }
0x8f: {  	_ = 	snop  }
0x90: {  	(tm) =	ssettm $0x1  }
0x91: {  	s17 =	sld [smem:$0x3FFB];
	_ =	sdelay $0x3  }
0x92: {  	_ =	strace s17  }
0x93: {  	s2 =	sld [smem:$0x3FFC];
	_ =	sdelay $0x3  }
0x94: {  	_ =	strace s2  }
0x95: {  	s2 =	sld [smem:$0x3FFD];
	_ =	sdelay $0x3  }
0x96: {  	_ =	strace s2  }
0x97: {  	_ =	strace $0x8FFFFFFF  }
0x98: {  	s18 =	sld [smem:$0x3FDB];
	_ =	sdelay $0x1  }
0x99: {  	s19 =	simm.s32 $_scs_section_size  }
0x9a: {  	s4 =	simm.s32 $_size__tile_overlayer_lowered;
	s5 =	simm.s32 $_tile_overlayer_lowered  }
0x9b: {  	s22 =	simm.s32 $0x1BFF;
	s21 =	sshll.u32 s5, $0x1;
	s2 =	sadd.s32 s19, s18  }
0x9c: {  	s6 =	simm.s32 $0x0;
	s20 =	sshll.u32 s4, $0x1;
	s4 =	sadd.s32 s21, s2  }
0x9d: {  	[timem:s6], [sflag:s22] =	dma.local [hbm:s4], s20  }
0x9e: {  	_ =	swait.ge [sflag:s22], s20  }
0x9f: {  	s3 =	ssub.s32 $0x0, s20;
	[sflag:s22] =	ssyncset.done $0x0  }
0xa0: {  	[sflag:s22] =	ssyncadd.s32 s3;
	_ =	sdelay $0x1  }
0xa1: {  	s23 =	simm.s32 $0x1B8B  }
0xa2: {  	_ =	swait.ge [sflag:s23], $0x1  }
0xa3: {  	[sflag:s23] =	ssyncset.done $0x0  }
0xa4: {  	s25 =	simm.s32 $0x1B8E;
	s24 =	sld [smem:$0x3FFE];
	[sflag:s23] =	ssyncadd.s32 $0xFFFFFFFF  }
0xa5: {  	s26 =	simm.s32 $execute0_lowered;
	[smem:$0x3FD2] =	sst s25  }
0xa6: {  	s4 =	sshll.u32 s26, $0x1;
	_ =	strace $0x80000046;
	[dreg:$0x1] =	wrdreg $0xFFFFFFFF  }
0xa7: {  	s28 =	simm.s32 $_size_execute0_lowered;
	s2 =	sadd.s32 s2, s4;
	[dreg:$0x0] =	wrdreg $0x0  }
0xa8: {  	s4 =	sshll.u32 s28, $0x1;
	[dreg:$0x2] =	wrdreg s2  }
0xa9: {  	[dreg:$0x3] =	wrdreg s4  }
0xaa: {  	[dreg:$0x4] =	wrdreg $0xC0  }
0xab: {  	_ =	task [dreg:s6], $0x5FFFF  }
0xac: {  	[dreg:$0x1] =	wrdreg $0xFFFFFFFF  }
0xad: {  	[dreg:$0x0] =	wrdreg $0x60  }
0xae: {  	[dreg:$0x2] =	wrdreg s24  }
0xaf: {  	[dreg:$0x3] =	wrdreg $0x68000  }
0xb0: {  	[dreg:$0x4] =	wrdreg $0x9  }
0xb1: {  	_ =	task.clear_ibuf [dreg:s6], $0x5FFFF;
	_ =	strace $0x90000046  }
0xb2: {  	s29 =	simm.s32 $0x9;
	_ =	strace $0x80000048  }
0xb3: {  	_ =	swait.ge [sflag:s29], $0x1  }
0xb4: {  	[sflag:s29] =	ssyncadd.s32 $0xFFFFFFFF  }
0xb5: {  	_ =	strace $0x90000048  }
0xb6: {  	_ =	sfence  }
0xb7: {  	s30 =	sld [smem:$0x0];
	_ =	sdelay $0x2  }
0xb8: {  	s31 =	sshll.u32 s1, $0xD;
	s1 =	sshrl.u32 s1, $0x2  }
0xb9: {  	s3 =	sand.u32 $0x4000, s31;
	s1 =	sadd.s32 s1, s30  }
0xba: {  	s0 =	sor.u32 s3, s0;
	s1 =	sshll.u32 s1, $0x11  }
0xbb: {  	s0 =	sor.u32 s1, s0  }
0xbc: {  	s0 =	sadd.s32 $0x8F2B, s0  }
0xbd: {  	[sflag:s0] =	ssyncadd.remote.s32 $0x1  }
0xbe: {  	_ =	sfence.sel $0xFFFF  }
0xbf: {  	[dreg:$0x0] =	wrdreg $0xFFFFFFFF;
	(pc) =	sbr.abs _section_cstart, $3  }
0xc0: {  	[dreg:$0x1] =	wrdreg $0xFFFFFFFF  }
0xc1: {  	_ =	task.clear_ibuf [dreg:s6], $0x2FFFF;
	_ =	strace $0x9FFFFFFF  }
0xc2: {  	(tm) =	ssettm $0x7FFFFFFF  }
0xc3: {  	_ =	shalt  }
tec
execute0_lowered:
.L_overlay_start_1:
0x0: {  	(tag) =	ssettag $0x1  }
0x1: {  	s7 =	rddreg [dreg:$0x0]  }
0x2: {  	s0 =	srdreg.scid;
	s2 =	rddreg [dreg:$0x1]  }
0x3: {  	s3 =	simm.s32 $0x0;
	s12 =	simm.s32 $0x2800;
	s6 =	sand.u32 $0x1, s0  }
0x4: {  	s13 =	simm.s32 $0x80;
	s0 =	stileid.u32;
	s5 =	smul.u32 $0x140000, s6  }
0x5: {  	s14 =	simm.s32 $0x0;
	[smem:$0x7FF] =	sst s3;
	s8 =	smul.u32 $0x14000, s0  }
0x6: {  	s1 =	sshll.u32 s6, $0x4;
	s10 =	smul.u32 $0x50000, s0;
	s6 =	ssub.s32 $0x2, s6  }
0x7: {  	s31 =	sshll.u32 s0, $0x6;
	s1 =	sor.u32 s0, s1;
	s30 =	sshrl.u32 s6, $0x1  }
0x8: {  	s4 =	smul.u32 $0x500, s1;
	s1 =	rddreg [dreg:$0x2];
	_ =	strace $0x80000047  }
0x9: {  	s8 =	sadd.s32 s8, s5;
	s5 =	sadd.s32 $0x17800, s7;
	s10 =	sshrl.u32 s10, $0x2  }
0xa: {  	s11 =	ssub.s32 s6, s30;
	s6 =	sor.u32 $0x1C01, s31;
	s8 =	sshrl.u32 s8, $0x3  }
0xb: {  	s10 =	sadd.s32 s10, s2;
	s9 =	sadd.s32 s4, s7;
	s4 =	sadd.s32 $0x1A000, s7  }
0xc: {  	s8 =	sadd.s32 s8, s7;
	s10 =	sshrl.u32 s10, $0x3;
	s7 =	sadd.s32 $0xD800, s9  }
0xd: {  	s8 =	sadd.s32 $0x1A800, s8;
	s9 =	smax.u32 s11, $0x1;
	s11 =	simm.s32 $0x1  }
.LBB2_1:
0xe: {  	[spmem:s10], [sflag:s6] =	dma.local [hbm:s5], $0x2800  }
0xf: {  	_ =	swait.ge [sflag:s11], $0x2800  }
0x10: {  	[sflag:s11] =	ssyncset.done $0x0  }
0x11: {  	[sflag:s11] =	ssyncadd.s32 $0xFFFFD800  }
0x12: {  	[tilespmem:s12], [sflag:$0x1] =	stream.linear.gather [hbm4b:s4+s3], $0x4000, $0x38;
	[tilespmem:$0x1A800] =	vst v63  }
0x13: {  	_ =	swait.ge [sflag:s11], $0x4000  }
0x14: {  	[sflag:s11] =	ssyncset.done $0x0  }
0x15: {  	[sflag:s11] =	ssyncadd.s32 $0xFFFFC000  }
0x16: {  	[tilespmem:s3], [sflag:$0x1] =	stream.linear.gather [hbm4b:s7+s3], $0x2800, $0x38;
	[tilespmem:$0x1A800] =	vst v63  }
0x17: {  	_ =	swait.ge [sflag:s11], $0x2800  }
0x18: {  	[sflag:s11] =	ssyncset.done $0x0  }
0x19: {  	[sflag:s11] =	ssyncadd.s32 $0xFFFFD800  }
0x1a: {  	s15 =	simm.s32 $0x0;
	[bflag:$0x0] =	sbarrier.arrive $0xFFFF  }
0x1b: {  	[spmem:s2] =	stream.indirect.scatter.add.f32 [tilespmem:s12], [sflag:$0x1], $0x80, s15, s13, $0xb8;
	[tilespmem:$0x1A800] =	vst v63  }
0x1c: {  	_ =	swait.ge [sflag:s11], $0x4000  }
0x1d: {  	s15 =	simm.s32 $0x200;
	[sflag:s11] =	ssyncset.done $0x0  }
.LBB2_2:
0x1e: {  	s16 =	sshra.s32 s15, $0x2;
	[sflag:s11] =	ssyncadd.s32 $0xFFFFC000;
	p0 =	sne.s32 s15, $0x9E00  }
0x1f: {  	[spmem:s2] =	stream.indirect.scatter.add.f32 [tilespmem:s12], [sflag:$0x1], $0x80, s16, s13, $0xb8;
	[tilespmem:$0x1A800] =	vst v63  }
.Ltmp0:
0x20: {  	_ = 	snop;
	(pc) =	sbr.rel @p0 .LBB2_2-.Ltmp0, $4  }
0x21: {  	_ = 	snop  }
0x22: {  	s15 =	sadd.s32 $0x200, s15  }
0x23: {  	_ =	swait.ge [sflag:s11], $0x4000  }
0x24: {  	[sflag:s11] =	ssyncset.done $0x0  }
0x25: {  	s14 =	sadd.s32 $0x1, s14  }
0x26: {  	[sflag:s11] =	ssyncadd.s32 $0xFFFFC000;
	p0 =	sne.s32 s14, s9  }
.Ltmp1:
0x27: {  	[bflag:$0x0] =	sbarrier.arrive $0xFFFF;
	(pc) =	sbr.rel @p0 .LBB2_1-.Ltmp1, $4  }
0x28: {  	[hbm:s8], [sflag:s6] =	dma.local [spmem:s10], $0x2800  }
0x29: {  	_ =	swait.ge [sflag:s11], $0x2800  }
0x2a: {  	[sflag:s11] =	ssyncset.done $0x0  }
0x2b: {  	[sflag:s11] =	ssyncadd.s32 $0xFFFFD800  }
0x2c: {  	_ =	sfence.sel $0x180000  }
0x2d: {  	[bflag:$0x0] =	sbarrier.arrive $0xFFFF  }
0x2e: {  	p0 =	sne.s32 s0, $0x0;
	_ =	strace $0x90000047  }
0x2f: {  	s0 =	sadd.s32 @!p0 $0x100000, s1;
	[bflag:$0x2] =	sbarrier.arrive $0xFFFF  }
0x30: {  	[sflag:s0] =	ssyncadd.tile.s32 @!p0 $0x1;
	_ =	shalt  }
.Lfunc_end2:
_tile_overlayer_lowered:
.L_overlay_start_2:
0x31: {  	(tag) =	ssettag $0x2  }
0x32: {  	s0 =	rddreg [dreg:$0x0];
	s2 =	stileid.u32  }
0x33: {  	s1 =	rddreg [dreg:$0x1];
	p0 =	sne.s32 s2, $0x0  }
0x34: {  	s3 =	rddreg [dreg:$0x2];
	[bflag:$0x3] =	sbarrier.arrive $0xFFFF;
	s2 =	simm.s32 @!p0 $0x1C01  }
0x35: {  	[timem:s3], [sflag:s2] =	dma.local @!p0 [hbm:s0], s1  }
0x36: {  	s0 =	simm.s32 @!p0 $0x1  }
0x37: {  	_ =	swait.ge @!p0 [sflag:s0], s1  }
0x38: {  	s1 =	ssub.s32 @!p0 $0x0, s1;
	[sflag:s0] =	ssyncset.done @!p0 $0x0  }
0x39: {  	[sflag:s0] =	ssyncadd.s32 @!p0 s1  }
0x3a: {  	[bflag:$0x3] =	sbarrier.arrive $0xFFFF  }
0x3b: {  	_ =	shalt  }

// kernel: kernel.13.cloned.1.call-start
scs
__scs_entry_jumppad:
0x0: {  	(pc) =	sbr.rel $0x88, $3  }
0x1: {  	(tag) =	ssettag $0x0;
	lr =	simm.s32 $0x1  }
0x2: {  	[smem:$0x3F97] =	sst lr;
	_ =	strace $0xD0000000  }
0x3: {  	_ = 	snop  }
0x4: {  	_ = 	snop  }
0x5: {  	_ = 	snop  }
0x6: {  	_ = 	snop  }
0x7: {  	_ = 	snop  }
__scs_overlays_trampoline_lowered:
0x8: {  	[smem:$0x3FA6] =	sst s0  }
0x9: {  	[smem:$0x3FA7] =	sst s1  }
0xa: {  	[smem:$0x3FA8] =	sst s2  }
0xb: {  	[smem:$0x3FA9] =	sst s3  }
0xc: {  	[smem:$0x3FAA] =	sst s4  }
0xd: {  	[smem:$0x3FAB] =	sst s5  }
0xe: {  	[smem:$0x3FAC] =	sst s6  }
0xf: {  	[smem:$0x3FAD] =	sst s7  }
0x10: {  	[smem:$0x3FAE] =	sst s8  }
0x11: {  	[smem:$0x3FAF] =	sst s9;
	s0 =	simm.s32 @!p0 $0x0  }
0x12: {  	s1 =	sld [smem:$0x3F95];
	s0 =	simm.s32 @p0 $0x1  }
0x13: {  	[smem:$0x3FB0] =	sst s0;
	s0 =	simm.s32 @!p1 $0x0  }
0x14: {  	s2 =	sld [smem:$0x3F94];
	s0 =	simm.s32 @p1 $0x1  }
0x15: {  	[smem:$0x3FB1] =	sst s0;
	s0 =	simm.s32 @!p2 $0x0  }
0x16: {  	s3 =	sld [smem:$0x3FDB];
	s0 =	simm.s32 @p2 $0x1  }
0x17: {  	s4 =	simm.s32 $0x1BF5;
	[smem:$0x3FB3] =	sst s0  }
0x18: {  	s0 =	sld [smem:$0x3F96];
	_ =	swait.ge [sflag:s4], $0x0  }
0x19: {  	s7 =	sld [smem:$0x3F97]  }
0x1a: {  	s8 =	sadd.s32 $0xFFFFE003, lr  }
0x1b: {  	s9 =	sadd.s32 $0xFFFFFEF7, lr;
	s5 =	simm.s32 $0xFFFFFFFF;
	p2 =	slt.u32 s8, $0xFFFFF086  }
0x1c: {  	p1 =	slt.u32 s9, $0xF7A;
	s5 =	simm.s32 @!p2 $0x0  }
0x1d: {  	s5 =	simm.s32 @p1 $0x1;
	p0 =	seq.s32 s7, s2  }
0x1e: {  	s7 =	smul.u32 @!p0 $0xF7A, s2;
	p2 =	seq.s32 @!p0 s5, $0x0  }
0x1f: {  	s9 =	smul.u32 $0xF7A, s1;
	s8 =	simm.s32 @!p0 $0x1BF5;
	p2 =	por !p2, p0  }
0x20: {  	[sflag:s8] =	ssyncset.s32 @!p0 $0xFFFFF086;
	s6 =	sadd.s32 @!p0 s3, s7;
	s7 =	simm.s32 @!p0 $0x108  }
0x21: {  	s3 =	sadd.s32 s3, s9;
	s6 =	sadd.s32 @!p0 $0x88, s6;
	s7 =	simm.s32 @p2 $0x1082  }
0x22: {  	[simem:s7], [sflag:s8] =	dma.local @!p0 [hbm:s6], $0xF7A  }
0x23: {  	s9 =	sor.u32 $0xD0000000, s2;
	s6 =	simm.s32 $0x108;
	_ =	swait.ge @!p0 [sflag:s8], $0x0  }
0x24: {  	s3 =	sadd.s32 $0x88, s3;
	s6 =	simm.s32 @!p1 $0x1082;
	[sflag:s4] =	ssyncset.s32 $0xFFFFF086  }
0x25: {  	[simem:s6], [sflag:s4] =	dma.local [hbm:s3], $0xF7A  }
0x26: {  	[smem:$0x3F97] =	sst s1;
	(tag) =	ssettag s2;
	_ =	strace s9  }
0x27: {  	s1 =	sld [smem:$0x3FA7]  }
0x28: {  	s2 =	sld [smem:$0x3FA8]  }
0x29: {  	s4 =	sld [smem:$0x3FAA]  }
0x2a: {  	p0 =	seq.s32 s5, $0x0;
	s5 =	sld [smem:$0x3FAB]  }
0x2b: {  	s6 =	sld [smem:$0x3FAC]  }
0x2c: {  	s7 =	sld [smem:$0x3FAD]  }
0x2d: {  	s3 =	simm.s32 $0x108;
	s8 =	sld [smem:$0x3FAE]  }
0x2e: {  	s3 =	simm.s32 @!p0 $0x1082;
	s9 =	sld [smem:$0x3FAF]  }
0x2f: {  	lr =	sadd.s32 s0, s3;
	s0 =	sld [smem:$0x3FA6]  }
0x30: {  	s3 =	sld [smem:$0x3FA9]  }
0x31: {  	[smem:$0x3FB2] =	sst s10  }
0x32: {  	s10 =	sld [smem:$0x3FB0];
	_ =	sdelay $0x3  }
0x33: {  	p0 =	seq.s32 s10, $0x1;
	s10 =	sld [smem:$0x3FB2];
	_ =	sdelay $0x3  }
0x34: {  	[smem:$0x3FB2] =	sst s10  }
0x35: {  	s10 =	sld [smem:$0x3FB1];
	_ =	sdelay $0x3  }
0x36: {  	p1 =	seq.s32 s10, $0x1;
	s10 =	sld [smem:$0x3FB2];
	_ =	sdelay $0x3  }
0x37: {  	[smem:$0x3FB2] =	sst s10  }
0x38: {  	s10 =	sld [smem:$0x3FB3]  }
0x39: {  	_ = 	snop;
	(pc) =	sbr.ind lr, $3  }
0x3a: {  	_ = 	snop  }
0x3b: {  	_ = 	snop  }
0x3c: {  	p2 =	seq.s32 s10, $0x1;
	s10 =	sld [smem:$0x3FB2]  }
0x3d: {  	_ =	shalt  }
0x3e: {  	_ =	shalt  }
0x3f: {  	_ =	shalt  }
0x40: {  	_ =	shalt  }
0x41: {  	_ =	shalt  }
0x42: {  	_ =	shalt  }
0x43: {  	_ =	shalt  }
0x44: {  	_ =	shalt  }
0x45: {  	_ =	shalt  }
0x46: {  	_ =	shalt  }
0x47: {  	_ =	shalt  }
0x48: {  	_ =	shalt  }
0x49: {  	_ =	shalt  }
0x4a: {  	_ =	shalt  }
0x4b: {  	_ =	shalt  }
0x4c: {  	_ =	shalt  }
0x4d: {  	_ =	shalt  }
0x4e: {  	_ =	shalt  }
0x4f: {  	_ =	shalt  }
0x50: {  	_ =	shalt  }
0x51: {  	_ =	shalt  }
0x52: {  	_ =	shalt  }
0x53: {  	_ =	shalt  }
0x54: {  	_ =	shalt  }
0x55: {  	_ =	shalt  }
0x56: {  	_ =	shalt  }
0x57: {  	_ =	shalt  }
0x58: {  	_ =	shalt  }
0x59: {  	_ =	shalt  }
0x5a: {  	_ =	shalt  }
0x5b: {  	_ =	shalt  }
0x5c: {  	_ =	shalt  }
0x5d: {  	_ =	shalt  }
0x5e: {  	_ =	shalt  }
0x5f: {  	_ =	shalt  }
0x60: {  	_ =	shalt  }
0x61: {  	_ =	shalt  }
0x62: {  	_ =	shalt  }
0x63: {  	_ =	shalt  }
0x64: {  	_ =	shalt  }
0x65: {  	_ =	shalt  }
0x66: {  	_ =	shalt  }
0x67: {  	_ =	shalt  }
0x68: {  	_ =	shalt  }
0x69: {  	_ =	shalt  }
0x6a: {  	_ =	shalt  }
0x6b: {  	_ =	shalt  }
0x6c: {  	_ =	shalt  }
0x6d: {  	_ =	shalt  }
0x6e: {  	_ =	shalt  }
0x6f: {  	_ =	shalt  }
0x70: {  	_ =	shalt  }
0x71: {  	_ =	shalt  }
0x72: {  	_ =	shalt  }
0x73: {  	_ =	shalt  }
0x74: {  	_ =	shalt  }
0x75: {  	_ =	shalt  }
0x76: {  	_ =	shalt  }
0x77: {  	_ =	shalt  }
0x78: {  	_ =	shalt  }
0x79: {  	_ =	shalt  }
0x7a: {  	_ =	shalt  }
0x7b: {  	_ =	shalt  }
0x7c: {  	_ =	shalt  }
0x7d: {  	_ =	shalt  }
0x7e: {  	_ =	shalt  }
0x7f: {  	_ =	shalt  }
0x80: {  	_ =	shalt  }
0x81: {  	_ =	shalt  }
0x82: {  	_ =	shalt  }
0x83: {  	_ =	shalt  }
0x84: {  	_ =	shalt  }
0x85: {  	_ =	shalt  }
0x86: {  	_ =	shalt  }
0x87: {  	_ =	shalt  }
.Lfunc_end0:
.L_simem_size_0:
called_computation.1_lowered:
.L_overlay_start_0:
0x88: {  	s2 =	sld [smem:$0x3FD9]  }
0x89: {  	s3 =	sld [smem:$0x3FFE];
	_ =	sdelay $0x1  }
0x8a: {  	s1 =	srdreg.scid  }
0x8b: {  	s0 =	sand.u32 $0x1, s1  }
0x8c: {  	s16 =	sshll.u32 s0, $0xA;
	s2 =	sadd.s32 s3, s2  }
0x8d: {  	s2 =	sadd.s32 s2, s16  }
0x8e: {  	[smem:$0x3FBE] =	sst s2  }
0x8f: {  	_ = 	snop  }
0x90: {  	(tm) =	ssettm $0x1  }
0x91: {  	s17 =	sld [smem:$0x3FFB];
	_ =	sdelay $0x3  }
0x92: {  	_ =	strace s17  }
0x93: {  	s2 =	sld [smem:$0x3FFC];
	_ =	sdelay $0x3  }
0x94: {  	_ =	strace s2  }
0x95: {  	s2 =	sld [smem:$0x3FFD];
	_ =	sdelay $0x3  }
0x96: {  	_ =	strace s2  }
0x97: {  	_ =	strace $0x8FFFFFFF  }
0x98: {  	s18 =	sld [smem:$0x3FDB];
	_ =	sdelay $0x1  }
0x99: {  	s19 =	simm.s32 $_scs_section_size  }
0x9a: {  	s4 =	simm.s32 $_size__tile_overlayer_lowered;
	s5 =	simm.s32 $_tile_overlayer_lowered  }
0x9b: {  	s22 =	simm.s32 $0x1BFF;
	s21 =	sshll.u32 s5, $0x1;
	s2 =	sadd.s32 s19, s18  }
0x9c: {  	s6 =	simm.s32 $0x0;
	s20 =	sshll.u32 s4, $0x1;
	s4 =	sadd.s32 s21, s2  }
0x9d: {  	[timem:s6], [sflag:s22] =	dma.local [hbm:s4], s20  }
0x9e: {  	_ =	swait.ge [sflag:s22], s20  }
0x9f: {  	s3 =	ssub.s32 $0x0, s20;
	[sflag:s22] =	ssyncset.done $0x0  }
0xa0: {  	[sflag:s22] =	ssyncadd.s32 s3;
	_ =	sdelay $0x1  }
0xa1: {  	s23 =	simm.s32 $0x1B8B  }
0xa2: {  	_ =	swait.ge [sflag:s23], $0x1  }
0xa3: {  	[sflag:s23] =	ssyncset.done $0x0  }
0xa4: {  	s25 =	simm.s32 $0x1B8E;
	s24 =	sld [smem:$0x3FFE];
	[sflag:s23] =	ssyncadd.s32 $0xFFFFFFFF  }
0xa5: {  	s26 =	simm.s32 $execute0_lowered;
	[smem:$0x3FD2] =	sst s25  }
0xa6: {  	s4 =	sshll.u32 s26, $0x1;
	_ =	strace $0x80000049;
	[dreg:$0x1] =	wrdreg $0xFFFFFFFF  }
0xa7: {  	s28 =	simm.s32 $_size_execute0_lowered;
	s2 =	sadd.s32 s2, s4;
	[dreg:$0x0] =	wrdreg $0x0  }
0xa8: {  	s4 =	sshll.u32 s28, $0x1;
	[dreg:$0x2] =	wrdreg s2  }
0xa9: {  	[dreg:$0x3] =	wrdreg s4  }
0xaa: {  	[dreg:$0x4] =	wrdreg $0xC0  }
0xab: {  	_ =	task [dreg:s6], $0x5FFFF  }
0xac: {  	[dreg:$0x1] =	wrdreg $0xFFFFFFFF  }
0xad: {  	[dreg:$0x0] =	wrdreg $0x60  }
0xae: {  	[dreg:$0x2] =	wrdreg s24  }
0xaf: {  	[dreg:$0x3] =	wrdreg $0x90000  }
0xb0: {  	[dreg:$0x4] =	wrdreg $0x9  }
0xb1: {  	_ =	task.clear_ibuf [dreg:s6], $0x5FFFF;
	_ =	strace $0x90000049  }
0xb2: {  	s29 =	simm.s32 $0x9;
	_ =	strace $0x8000004B  }
0xb3: {  	_ =	swait.ge [sflag:s29], $0x1  }
0xb4: {  	[sflag:s29] =	ssyncadd.s32 $0xFFFFFFFF  }
0xb5: {  	_ =	strace $0x9000004B  }
0xb6: {  	_ =	sfence  }
0xb7: {  	s30 =	sld [smem:$0x0];
	_ =	sdelay $0x2  }
0xb8: {  	s31 =	sshll.u32 s1, $0xD;
	s1 =	sshrl.u32 s1, $0x2  }
0xb9: {  	s3 =	sand.u32 $0x4000, s31;
	s1 =	sadd.s32 s1, s30  }
0xba: {  	s0 =	sor.u32 s3, s0;
	s1 =	sshll.u32 s1, $0x11  }
0xbb: {  	s0 =	sor.u32 s1, s0  }
0xbc: {  	s0 =	sadd.s32 $0x8F2B, s0  }
0xbd: {  	[sflag:s0] =	ssyncadd.remote.s32 $0x1  }
0xbe: {  	_ =	sfence.sel $0xFFFF  }
0xbf: {  	[dreg:$0x0] =	wrdreg $0xFFFFFFFF;
	(pc) =	sbr.abs _section_cstart, $3  }
0xc0: {  	[dreg:$0x1] =	wrdreg $0xFFFFFFFF  }
0xc1: {  	_ =	task.clear_ibuf [dreg:s6], $0x2FFFF;
	_ =	strace $0x9FFFFFFF  }
0xc2: {  	(tm) =	ssettm $0x7FFFFFFF  }
0xc3: {  	_ =	shalt  }
tec
execute0_lowered:
.L_overlay_start_1:
0x0: {  	(tag) =	ssettag $0x1  }
0x1: {  	s0 =	rddreg [dreg:$0x0]  }
0x2: {  	s1 =	srdreg.scid;
	s2 =	rddreg [dreg:$0x1]  }
0x3: {  	s12 =	stileid.u32;
	s3 =	simm.s32 $0x0;
	s18 =	simm.s32 $0x6  }
0x4: {  	s19 =	simm.s32 $0x800;
	s28 =	simm.s32 $0x4;
	s29 =	simm.s32 $0x5  }
0x5: {  	s30 =	simm.s32 $0x0;
	s1 =	sand.u32 $0x1, s1;
	s6 =	smul.u32 $0x14000, s12  }
0x6: {  	[smem:$0x7FF] =	sst s3;
	s4 =	sadd.s32 $0x1A000, s0;
	s10 =	smul.u32 $0x98, s12  }
0x7: {  	s20 =	sadd.s32 $0x17800, s0;
	s11 =	sshll.u32 s12, $0x3;
	s22 =	smul.u32 $0x50000, s12  }
0x8: {  	s24 =	sshll.u32 s12, $0x6;
	s5 =	smul.u32 $0x140000, s1;
	_ =	strace $0x8000004A  }
0x9: {  	[dreg:$0x4] =	wrdreg s20;
	s21 =	ssub.s32 $0x2, s1;
	p0 =	seq.s32 s1, $0x0  }
0xa: {  	s1 =	sor.u32 $0x980, s11;
	s20 =	simm.s32 $0x1;
	s9 =	sshrl.u32 s21, $0x1  }
0xb: {  	s1 =	smov.u32 @p0 s10;
	s23 =	sshrl.u32 s22, $0x2;
	s22 =	simm.s32 $0x1000  }
0xc: {  	s7 =	sadd.s32 s6, s5;
	s5 =	sadd.s32 $0x3800, s0;
	s6 =	sadd.s32 $0xD800, s0  }
0xd: {  	s14 =	ssub.s32 s21, s9;
	s17 =	sadd.s32 s23, s2;
	s9 =	sor.u32 $0x1C06, s24  }
0xe: {  	s13 =	sshll.u32 s1, $0x4;
	s1 =	sshrl.u32 s1, $0x3;
	s21 =	simm.s32 $0x80  }
0xf: {  	s23 =	simm.s32 $0x5000;
	s24 =	simm.s32 $0x2;
	s8 =	sshrl.u32 s7, $0x3  }
0x10: {  	s25 =	sadd.s32 s5, s13;
	s26 =	sadd.s32 s6, s13;
	[dreg:$0x3] =	wrdreg s1  }
0x11: {  	s31 =	sadd.s32 $0x80, s13;
	s14 =	smax.u32 s14, $0x1;
	s17 =	sshrl.u32 s17, $0x3  }
0x12: {  	s0 =	sadd.s32 s8, s0;
	s8 =	simm.s32 $0x4C;
	[dreg:$0x5] =	wrdreg s25  }
0x13: {  	[dreg:$0x6] =	wrdreg s26;
	s15 =	sadd.s32 s5, s31;
	s8 =	simm.s32 @!p0 $0x4  }
0x14: {  	s16 =	sadd.s32 s6, s31;
	s0 =	sadd.s32 $0x42000, s0;
	s12 =	sadd.s32 $0xFFFFFFFC, s8  }
0x15: {  	s25 =	simm.s32 $0x3;
	[dreg:$0x7] =	wrdreg s0;
	p0 =	seq.s32 s12, $0x0  }
.LBB2_1:
0x16: {  	s0 =	rddreg [dreg:$0x4]  }
0x17: {  	[spmem:s17], [sflag:s9] =	dma.local [hbm:s0], $0x2800  }
0x18: {  	_ =	swait.ge [sflag:s18], $0x2800  }
0x19: {  	[sflag:s18] =	ssyncset.done $0x0  }
0x1a: {  	s10 =	rddreg [dreg:$0x5];
	[sflag:s18] =	ssyncadd.s32 $0xFFFFD800  }
0x1b: {  	[tilespmem:s3], [sflag:$0x1] =	stream.linear.gather [hbm4b:s10+s3], $0x400, $0x38;
	[tilespmem:$0x1D000] =	vst v63  }
0x1c: {  	s11 =	rddreg [dreg:$0x6]  }
0x1d: {  	[tilespmem:s19], [sflag:$0x1] =	stream.linear.gather [hbm4b:s11+s3], $0x400, $0x38;
	[tilespmem:$0x1D000] =	vst v63  }
0x1e: {  	[bflag:$0x0] =	sbarrier.arrive $0xFFFF  }
0x1f: {  	_ =	swait.ge [sflag:s20], $0x400  }
0x20: {  	[sflag:s20] =	ssyncset.done $0x0  }
0x21: {  	[sflag:s20] =	ssyncadd.s32 $0xFFFFFC00  }
0x22: {  	_ =	swait.ge [sflag:s20], $0x400  }
0x23: {  	[sflag:s20] =	ssyncset.done $0x0  }
0x24: {  	s1 =	simm.s32 @!p0 $0x400;
	s0 =	simm.s32 @!p0 $0x0;
	[sflag:s20] =	ssyncadd.s32 $0xFFFFFC00  }
0x25: {  	[tilespmem:s1], [sflag:$0x1] =	stream.linear.gather @!p0 [hbm4b:s15+s0], $0x400, $0x38;
	[tilespmem:$0x1D000] =	vst v63  }
0x26: {  	s1 =	simm.s32 @!p0 $0xC00  }
0x27: {  	[tilespmem:s1], [sflag:$0x1] =	stream.linear.gather @!p0 [hbm4b:s16+s0], $0x400, $0x38;
	[tilespmem:$0x1D000] =	vst v63  }
0x28: {  	_ = 	snop  }
0x29: {  	[tilespmem:s22], [sflag:$0x2] =	stream.indirect.gather [hbm4b:s4+s21], $0x80, s3, s21, $0xb8;
	[tilespmem:$0x1D000] =	vst v63  }
0x2a: {  	_ = 	snop  }
0x2b: {  	[tilespmem:s23], [sflag:$0x3] =	stream.indirect.gather [hbm4b:s4+s21], $0x80, s21, s21, $0xb8;
	[tilespmem:$0x1D000] =	vst v63  }
0x2c: {  	_ =	swait.ge [sflag:s24], $0x4000  }
0x2d: {  	[sflag:s24] =	ssyncset.done $0x0  }
0x2e: {  	p3 =	sne.s32 s8, $0x2;
	[sflag:s24] =	ssyncadd.s32 $0xFFFFC000  }
0x2f: {  	[spmem:s2] =	stream.indirect.scatter.add.f32 [tilespmem:s22], [sflag:$0x4], $0x80, s19, s21, $0xb8;
	[tilespmem:$0x1D000] =	vst v63  }
.Ltmp0:
0x30: {  	_ = 	snop;
	(pc) =	sbr.rel @!p3 .LBB2_2-.Ltmp0, $4  }
0x31: {  	s13 =	simm.s32 $0x880;
	s31 =	simm.s32 $0x100;
	_ =	swait.ge [sflag:s25], $0x4000  }
0x32: {  	s26 =	sand.u32 $0x3, s20;
	p2 =	por $0x0, $0x0;
	[sflag:s25] =	ssyncset.done $0x0  }
0x33: {  	p1 =	sne.s32 s26, $0x0;
	s0 =	simm.s32 $0x2;
	[sflag:s25] =	ssyncadd.s32 $0xFFFFC000  }
0x34: {  	[spmem:s2] =	stream.indirect.scatter.add.f32 [tilespmem:s23], [sflag:$0x5], $0x80, s13, s21, $0xb8;
	[tilespmem:$0x1D000] =	vst v63  }
0x35: {  	s1 =	simm.s32 @p1 $0x4  }
0x36: {  	_ =	swait.ge @p1 [sflag:s1], $0x4000  }
0x37: {  	[sflag:s1] =	ssyncset.done @p1 $0x0  }
0x38: {  	[sflag:s1] =	ssyncadd.s32 @p1 $0xFFFFC000;
	s1 =	simm.s32 @p1 $0x5  }
0x39: {  	_ =	swait.ge @p1 [sflag:s1], $0x4000  }
0x3a: {  	[sflag:s1] =	ssyncset.done @p1 $0x0  }
0x3b: {  	[sflag:s1] =	ssyncadd.s32 @p1 $0xFFFFC000;
	s1 =	simm.s32 @!p1 $0x4  }
0x3c: {  	_ =	swait.ge @!p1 [sflag:s1], $0x4000  }
0x3d: {  	[sflag:s1] =	ssyncset.done @!p1 $0x0  }
0x3e: {  	[sflag:s1] =	ssyncadd.s32 @!p1 $0xFFFFC000;
	s1 =	simm.s32 @!p1 $0x5  }
0x3f: {  	_ =	swait.ge @!p1 [sflag:s1], $0x4000  }
0x40: {  	[sflag:s1] =	ssyncset.done @!p1 $0x0  }
0x41: {  	[sflag:s1] =	ssyncadd.s32 @!p1 $0xFFFFC000;
	s1 =	simm.s32 @!p1 $0x1  }
0x42: {  	_ =	swait.ge @!p1 [sflag:s1], $0x400  }
0x43: {  	[sflag:s1] =	ssyncset.done @!p1 $0x0  }
0x44: {  	[sflag:s1] =	ssyncadd.s32 @!p1 $0xFFFFFC00  }
0x45: {  	p2 =	sle.u32 @!p1 s12, $0x1;
	_ =	swait.ge @!p1 [sflag:s1], $0x400  }
0x46: {  	p2 =	por p2, p1;
	s26 =	rddreg [dreg:$0x3]  }
0x47: {  	s26 =	sadd.s32 @!p2 $0x1, s26  }
0x48: {  	s7 =	simm.s32 @!p2 $0x400;
	s26 =	sshll.u32 @!p2 s26, $0x7  }
0x49: {  	s10 =	simm.s32 @!p2 $0x0;
	[sflag:s1] =	ssyncset.done @!p1 $0x0;
	s26 =	sand.u32 @!p2 $0x1FFFFF80, s26  }
0x4a: {  	s7 =	sand.u32 @!p2 $0x400, s7;
	[sflag:s1] =	ssyncadd.s32 @!p1 $0xFFFFFC00;
	s1 =	sadd.s32 @!p2 s5, s26  }
0x4b: {  	[tilespmem:s7], [sflag:$0x1] =	stream.linear.gather @!p2 [hbm4b:s1+s10], $0x400, $0x38;
	[tilespmem:$0x1D000] =	vst v63  }
0x4c: {  	s1 =	sor.u32 @!p2 $0x800, s7;
	s7 =	sadd.s32 @!p2 s6, s26  }
0x4d: {  	[tilespmem:s1], [sflag:$0x1] =	stream.linear.gather @!p2 [hbm4b:s7+s10], $0x400, $0x38;
	[tilespmem:$0x1D000] =	vst v63  }
0x4e: {  	s7 =	sand.u32 $0x700, s31  }
0x4f: {  	[tilespmem:s22], [sflag:$0x2] =	stream.indirect.gather [hbm4b:s4+s21], $0x80, s7, s21, $0xb8;
	[tilespmem:$0x1D000] =	vst v63  }
0x50: {  	s11 =	sor.u32 $0x80, s7  }
0x51: {  	[tilespmem:s23], [sflag:$0x3] =	stream.indirect.gather [hbm4b:s4+s21], $0x80, s11, s21, $0xb8;
	[tilespmem:$0x1D000] =	vst v63  }
0x52: {  	p3 =	sne.s32 s8, $0x3;
	_ =	swait.ge [sflag:s24], $0x4000  }
.Ltmp1:
0x53: {  	s26 =	sand.u32 $0x3, s0;
	[sflag:s24] =	ssyncset.done $0x0;
	(pc) =	sbr.rel @!p3 .LBB2_5-.Ltmp1, $4  }
0x54: {  	p1 =	sne.s32 s26, $0x0;
	s13 =	sor.u32 $0x800, s7;
	[sflag:s24] =	ssyncadd.s32 $0xFFFFC000  }
0x55: {  	[spmem:s2] =	stream.indirect.scatter.add.f32 [tilespmem:s22], [sflag:$0x4], $0x80, s13, s21, $0xb8;
	[tilespmem:$0x1D000] =	vst v63  }
0x56: {  	s1 =	simm.s32 $0x3;
	s31 =	simm.s32 $0x200;
	_ =	swait.ge [sflag:s25], $0x4000  }
0x57: {  	p2 =	por $0x1, $0x1;
	s26 =	sor.u32 $0x880, s7;
	[sflag:s25] =	ssyncset.done $0x0  }
.LBB2_4:
0x58: {  	s7 =	simm.s32 @p1 $0x4;
	[sflag:s25] =	ssyncadd.s32 $0xFFFFC000  }
0x59: {  	[spmem:s2] =	stream.indirect.scatter.add.f32 [tilespmem:s23], [sflag:$0x5], $0x80, s26, s21, $0xb8;
	[tilespmem:$0x1D000] =	vst v63  }
0x5a: {  	_ =	swait.ge @p1 [sflag:s7], $0x4000  }
0x5b: {  	[sflag:s7] =	ssyncset.done @p1 $0x0  }
0x5c: {  	[sflag:s7] =	ssyncadd.s32 @p1 $0xFFFFC000;
	s7 =	simm.s32 @p1 $0x5  }
0x5d: {  	_ =	swait.ge @p1 [sflag:s7], $0x4000  }
0x5e: {  	[sflag:s7] =	ssyncset.done @p1 $0x0  }
0x5f: {  	[sflag:s7] =	ssyncadd.s32 @p1 $0xFFFFC000;
	s7 =	simm.s32 @!p1 $0x4  }
0x60: {  	_ =	swait.ge @!p1 [sflag:s7], $0x4000  }
0x61: {  	[sflag:s7] =	ssyncset.done @!p1 $0x0  }
0x62: {  	[sflag:s7] =	ssyncadd.s32 @!p1 $0xFFFFC000;
	s7 =	simm.s32 @!p1 $0x5  }
0x63: {  	_ =	swait.ge @!p1 [sflag:s7], $0x4000  }
0x64: {  	[sflag:s7] =	ssyncset.done @!p1 $0x0  }
0x65: {  	[sflag:s7] =	ssyncadd.s32 @!p1 $0xFFFFC000;
	s7 =	simm.s32 @!p1 $0x1  }
0x66: {  	_ =	swait.ge @!p1 [sflag:s7], $0x400  }
0x67: {  	p4 =	sge.u32 @!p1 s0, s12;
	[sflag:s7] =	ssyncset.done @!p1 $0x0  }
0x68: {  	p4 =	por p4, p1;
	[sflag:s7] =	ssyncadd.s32 @!p1 $0xFFFFFC00  }
0x69: {  	s10 =	smov.u32 s1;
	s11 =	sshrl.u32 @!p4 s0, $0x2;
	_ =	swait.ge @!p1 [sflag:s7], $0x400  }
0x6a: {  	s0 =	smov.u32 s10;
	s10 =	sadd.s32 @!p4 $0x1, s11;
	s26 =	rddreg [dreg:$0x3]  }
0x6b: {  	s11 =	sadd.s32 @!p4 s26, s10  }
0x6c: {  	s13 =	simm.s32 @!p4 $0x0;
	s11 =	sshll.u32 @!p4 s11, $0x7  }
0x6d: {  	[sflag:s7] =	ssyncset.done @!p1 $0x0;
	s10 =	sshll.u32 @!p4 s10, $0xA;
	s11 =	sand.u32 @!p4 $0x1FFFFF80, s11  }
0x6e: {  	[sflag:s7] =	ssyncadd.s32 @!p1 $0xFFFFFC00;
	s10 =	sand.u32 @!p4 $0x400, s10;
	s7 =	sadd.s32 @!p4 s5, s11  }
0x6f: {  	[tilespmem:s10], [sflag:$0x1] =	stream.linear.gather @!p4 [hbm4b:s7+s13], $0x400, $0x38;
	[tilespmem:$0x1D000] =	vst v63  }
0x70: {  	s26 =	sor.u32 @!p4 $0x800, s10;
	s7 =	sadd.s32 @!p4 s6, s11  }
0x71: {  	[tilespmem:s26], [sflag:$0x1] =	stream.linear.gather @!p4 [hbm4b:s7+s13], $0x400, $0x38;
	[tilespmem:$0x1D000] =	vst v63  }
0x72: {  	s7 =	sand.u32 $0x700, s31  }
0x73: {  	[tilespmem:s22], [sflag:$0x2] =	stream.indirect.gather [hbm4b:s4+s21], $0x80, s7, s21, $0xb8;
	[tilespmem:$0x1D000] =	vst v63  }
0x74: {  	s1 =	sadd.s32 $0x1, s1;
	s11 =	sor.u32 $0x80, s7  }
0x75: {  	[tilespmem:s23], [sflag:$0x3] =	stream.indirect.gather [hbm4b:s4+s21], $0x80, s11, s21, $0xb8;
	[tilespmem:$0x1D000] =	vst v63  }
0x76: {  	p3 =	sne.s32 s8, s1;
	_ =	swait.ge [sflag:s24], $0x4000  }
.Ltmp2:
0x77: {  	[sflag:s24] =	ssyncset.done $0x0;
	(pc) =	sbr.rel @p3 .LBB2_4-.Ltmp2, $4  }
0x78: {  	s13 =	sor.u32 $0x800, s7;
	[sflag:s24] =	ssyncadd.s32 $0xFFFFC000  }
0x79: {  	[spmem:s2] =	stream.indirect.scatter.add.f32 [tilespmem:s22], [sflag:$0x4], $0x80, s13, s21, $0xb8;
	[tilespmem:$0x1D000] =	vst v63  }
0x7a: {  	s26 =	sand.u32 $0x3, s0;
	s31 =	sadd.s32 $0x100, s31;
	_ =	swait.ge [sflag:s25], $0x4000  }
0x7b: {  	p1 =	sne.s32 s26, $0x0;
	s26 =	sor.u32 $0x880, s7;
	[sflag:s25] =	ssyncset.done $0x0  }
.LBB2_5:
0x7c: {  	s1 =	simm.s32 @p1 $0x4;
	[sflag:s25] =	ssyncadd.s32 @p2 $0xFFFFC000  }
0x7d: {  	[spmem:s2] =	stream.indirect.scatter.add.f32 @p2 [tilespmem:s23], [sflag:$0x5], $0x80, s26, s21, $0xb8;
	[tilespmem:$0x1D000] =	vst v63  }
0x7e: {  	_ =	swait.ge @p1 [sflag:s1], $0x4000  }
0x7f: {  	[sflag:s1] =	ssyncset.done @p1 $0x0  }
0x80: {  	[sflag:s1] =	ssyncadd.s32 @p1 $0xFFFFC000;
	s1 =	simm.s32 @p1 $0x5  }
0x81: {  	_ =	swait.ge @p1 [sflag:s1], $0x4000  }
0x82: {  	[sflag:s1] =	ssyncset.done @p1 $0x0  }
0x83: {  	[sflag:s1] =	ssyncadd.s32 @p1 $0xFFFFC000;
	s1 =	simm.s32 @!p1 $0x4  }
0x84: {  	_ =	swait.ge @!p1 [sflag:s1], $0x4000  }
0x85: {  	[sflag:s1] =	ssyncset.done @!p1 $0x0  }
0x86: {  	[sflag:s1] =	ssyncadd.s32 @!p1 $0xFFFFC000;
	s1 =	simm.s32 @!p1 $0x5  }
0x87: {  	_ =	swait.ge @!p1 [sflag:s1], $0x4000  }
0x88: {  	[sflag:s1] =	ssyncset.done @!p1 $0x0  }
0x89: {  	[sflag:s1] =	ssyncadd.s32 @!p1 $0xFFFFC000;
	s1 =	simm.s32 @!p1 $0x1  }
0x8a: {  	_ =	swait.ge @!p1 [sflag:s1], $0x400  }
0x8b: {  	p2 =	sge.u32 @!p1 s0, s12;
	[sflag:s1] =	ssyncset.done @!p1 $0x0  }
0x8c: {  	p2 =	por p2, p1;
	[sflag:s1] =	ssyncadd.s32 @!p1 $0xFFFFFC00  }
0x8d: {  	s0 =	sshrl.u32 @!p2 s0, $0x2;
	_ =	swait.ge @!p1 [sflag:s1], $0x400  }
0x8e: {  	s0 =	sadd.s32 @!p2 $0x1, s0;
	s7 =	rddreg [dreg:$0x3]  }
0x8f: {  	s7 =	sadd.s32 @!p2 s7, s0  }
0x90: {  	s10 =	simm.s32 @!p2 $0x0;
	s7 =	sshll.u32 @!p2 s7, $0x7  }
0x91: {  	[sflag:s1] =	ssyncset.done @!p1 $0x0;
	s0 =	sshll.u32 @!p2 s0, $0xA;
	s7 =	sand.u32 @!p2 $0x1FFFFF80, s7  }
0x92: {  	[sflag:s1] =	ssyncadd.s32 @!p1 $0xFFFFFC00;
	s0 =	sand.u32 @!p2 $0x400, s0;
	s1 =	sadd.s32 @!p2 s5, s7  }
0x93: {  	[tilespmem:s0], [sflag:$0x1] =	stream.linear.gather @!p2 [hbm4b:s1+s10], $0x400, $0x38;
	[tilespmem:$0x1D000] =	vst v63  }
0x94: {  	s0 =	sor.u32 @!p2 $0x800, s0;
	s1 =	sadd.s32 @!p2 s6, s7  }
0x95: {  	[tilespmem:s0], [sflag:$0x1] =	stream.linear.gather @!p2 [hbm4b:s1+s10], $0x400, $0x38;
	[tilespmem:$0x1D000] =	vst v63  }
0x96: {  	s11 =	sand.u32 $0x700, s31  }
0x97: {  	[tilespmem:s22], [sflag:$0x2] =	stream.indirect.gather [hbm4b:s4+s21], $0x80, s11, s21, $0xb8;
	[tilespmem:$0x1D000] =	vst v63  }
0x98: {  	s13 =	sor.u32 $0x80, s11  }
0x99: {  	[tilespmem:s23], [sflag:$0x3] =	stream.indirect.gather [hbm4b:s4+s21], $0x80, s13, s21, $0xb8;
	[tilespmem:$0x1D000] =	vst v63  }
0x9a: {  	_ =	swait.ge [sflag:s24], $0x4000  }
0x9b: {  	[sflag:s24] =	ssyncset.done $0x0  }
0x9c: {  	s26 =	sor.u32 $0x800, s11;
	[sflag:s24] =	ssyncadd.s32 $0xFFFFC000  }
0x9d: {  	[spmem:s2] =	stream.indirect.scatter.add.f32 [tilespmem:s22], [sflag:$0x4], $0x80, s26, s21, $0xb8;
	[tilespmem:$0x1D000] =	vst v63  }
0x9e: {  	_ =	swait.ge [sflag:s25], $0x4000  }
0x9f: {  	[sflag:s25] =	ssyncset.done $0x0  }
0xa0: {  	s0 =	sor.u32 $0x880, s11;
	[sflag:s25] =	ssyncadd.s32 $0xFFFFC000  }
0xa1: {  	[spmem:s2] =	stream.indirect.scatter.add.f32 [tilespmem:s23], [sflag:$0x5], $0x80, s0, s21, $0xb8;
	[tilespmem:$0x1D000] =	vst v63  }
0xa2: {  	_ =	swait.ge [sflag:s28], $0x4000  }
0xa3: {  	[sflag:s28] =	ssyncset.done $0x0  }
0xa4: {  	[sflag:s28] =	ssyncadd.s32 $0xFFFFC000  }
0xa5: {  	_ =	swait.ge [sflag:s29], $0x4000  }
0xa6: {  	[sflag:s29] =	ssyncset.done $0x0  }
0xa7: {  	[sflag:s29] =	ssyncadd.s32 $0xFFFFC000  }
0xa8: {  	s30 =	sadd.s32 $0x1, s30;
	[bflag:$0x0] =	sbarrier.arrive $0xFFFF  }
0xa9: {  	p1 =	sne.s32 s30, s14;
	s31 =	rddreg [dreg:$0x7]  }
0xaa: {  	[hbm:s31], [sflag:s9] =	dma.local [spmem:s17], $0x2800  }
.Ltmp3:
0xab: {  	_ = 	snop;
	(pc) =	sbr.rel @p1 .LBB2_1-.Ltmp3, $4  }
.Ltmp4:
0xac: {  	_ = 	snop;
	(pc) =	sbr.rel @!p1 .LBB2_6-.Ltmp4, $4  }
0xad: {  	_ =	swait.ge [sflag:s18], $0x2800  }
0xae: {  	[sflag:s18] =	ssyncset.done $0x0  }
0xaf: {  	[sflag:s18] =	ssyncadd.s32 $0xFFFFD800  }
0xb0: {  	_ = 	snop  }
.LBB2_2:
.Ltmp5:
0xb1: {  	(pc) =	sbr.rel .LBB2_5-.Ltmp5, $2  }
0xb2: {  	_ =	sdelay $0x2  }
0xb3: {  	s0 =	simm.s32 $0x1  }
.LBB2_6:
0xb4: {  	_ =	sfence.sel $0x180000  }
0xb5: {  	[bflag:$0x0] =	sbarrier.arrive $0xFFFF  }
0xb6: {  	_ =	strace $0x9000004A  }
0xb7: {  	s0 =	stileid.u32;
	[bflag:$0x2] =	sbarrier.arrive $0xFFFF  }
0xb8: {  	p0 =	sne.s32 s0, $0x0;
	s0 =	rddreg [dreg:$0x2]  }
0xb9: {  	s0 =	sadd.s32 @!p0 $0x100000, s0  }
0xba: {  	[sflag:s0] =	ssyncadd.tile.s32 @!p0 $0x1;
	_ =	shalt  }
.Lfunc_end2:
_tile_overlayer_lowered:
.L_overlay_start_2:
0xbb: {  	(tag) =	ssettag $0x2  }
0xbc: {  	s0 =	rddreg [dreg:$0x0];
	s2 =	stileid.u32  }
0xbd: {  	s1 =	rddreg [dreg:$0x1];
	p0 =	sne.s32 s2, $0x0  }
0xbe: {  	s3 =	rddreg [dreg:$0x2];
	[bflag:$0x3] =	sbarrier.arrive $0xFFFF;
	s2 =	simm.s32 @!p0 $0x1C06  }
0xbf: {  	[timem:s3], [sflag:s2] =	dma.local @!p0 [hbm:s0], s1  }
0xc0: {  	s0 =	simm.s32 @!p0 $0x6  }
0xc1: {  	_ =	swait.ge @!p0 [sflag:s0], s1  }
0xc2: {  	s1 =	ssub.s32 @!p0 $0x0, s1;
	[sflag:s0] =	ssyncset.done @!p0 $0x0  }
0xc3: {  	[sflag:s0] =	ssyncadd.s32 @!p0 s1  }
0xc4: {  	[bflag:$0x3] =	sbarrier.arrive $0xFFFF  }
0xc5: {  	_ =	shalt  }

// kernel: kernel.16.cloned.1.call-start
scs
__scs_entry_jumppad:
0x0: {  	(pc) =	sbr.rel $0x88, $3  }
0x1: {  	(tag) =	ssettag $0x0;
	lr =	simm.s32 $0x1  }
0x2: {  	[smem:$0x3F97] =	sst lr;
	_ =	strace $0xD0000000  }
0x3: {  	_ = 	snop  }
0x4: {  	_ = 	snop  }
0x5: {  	_ = 	snop  }
0x6: {  	_ = 	snop  }
0x7: {  	_ = 	snop  }
__scs_overlays_trampoline_lowered:
0x8: {  	[smem:$0x3FA6] =	sst s0  }
0x9: {  	[smem:$0x3FA7] =	sst s1  }
0xa: {  	[smem:$0x3FA8] =	sst s2  }
0xb: {  	[smem:$0x3FA9] =	sst s3  }
0xc: {  	[smem:$0x3FAA] =	sst s4  }
0xd: {  	[smem:$0x3FAB] =	sst s5  }
0xe: {  	[smem:$0x3FAC] =	sst s6  }
0xf: {  	[smem:$0x3FAD] =	sst s7  }
0x10: {  	[smem:$0x3FAE] =	sst s8  }
0x11: {  	[smem:$0x3FAF] =	sst s9;
	s0 =	simm.s32 @!p0 $0x0  }
0x12: {  	s1 =	sld [smem:$0x3F95];
	s0 =	simm.s32 @p0 $0x1  }
0x13: {  	[smem:$0x3FB0] =	sst s0;
	s0 =	simm.s32 @!p1 $0x0  }
0x14: {  	s2 =	sld [smem:$0x3F94];
	s0 =	simm.s32 @p1 $0x1  }
0x15: {  	[smem:$0x3FB1] =	sst s0;
	s0 =	simm.s32 @!p2 $0x0  }
0x16: {  	s3 =	sld [smem:$0x3FDB];
	s0 =	simm.s32 @p2 $0x1  }
0x17: {  	s4 =	simm.s32 $0x1BF5;
	[smem:$0x3FB3] =	sst s0  }
0x18: {  	s0 =	sld [smem:$0x3F96];
	_ =	swait.ge [sflag:s4], $0x0  }
0x19: {  	s7 =	sld [smem:$0x3F97]  }
0x1a: {  	s8 =	sadd.s32 $0xFFFFE003, lr  }
0x1b: {  	s9 =	sadd.s32 $0xFFFFFEF7, lr;
	s5 =	simm.s32 $0xFFFFFFFF;
	p2 =	slt.u32 s8, $0xFFFFF086  }
0x1c: {  	p1 =	slt.u32 s9, $0xF7A;
	s5 =	simm.s32 @!p2 $0x0  }
0x1d: {  	s5 =	simm.s32 @p1 $0x1;
	p0 =	seq.s32 s7, s2  }
0x1e: {  	s7 =	smul.u32 @!p0 $0xF7A, s2;
	p2 =	seq.s32 @!p0 s5, $0x0  }
0x1f: {  	s9 =	smul.u32 $0xF7A, s1;
	s8 =	simm.s32 @!p0 $0x1BF5;
	p2 =	por !p2, p0  }
0x20: {  	[sflag:s8] =	ssyncset.s32 @!p0 $0xFFFFF086;
	s6 =	sadd.s32 @!p0 s3, s7;
	s7 =	simm.s32 @!p0 $0x108  }
0x21: {  	s3 =	sadd.s32 s3, s9;
	s6 =	sadd.s32 @!p0 $0x88, s6;
	s7 =	simm.s32 @p2 $0x1082  }
0x22: {  	[simem:s7], [sflag:s8] =	dma.local @!p0 [hbm:s6], $0xF7A  }
0x23: {  	s9 =	sor.u32 $0xD0000000, s2;
	s6 =	simm.s32 $0x108;
	_ =	swait.ge @!p0 [sflag:s8], $0x0  }
0x24: {  	s3 =	sadd.s32 $0x88, s3;
	s6 =	simm.s32 @!p1 $0x1082;
	[sflag:s4] =	ssyncset.s32 $0xFFFFF086  }
0x25: {  	[simem:s6], [sflag:s4] =	dma.local [hbm:s3], $0xF7A  }
0x26: {  	[smem:$0x3F97] =	sst s1;
	(tag) =	ssettag s2;
	_ =	strace s9  }
0x27: {  	s1 =	sld [smem:$0x3FA7]  }
0x28: {  	s2 =	sld [smem:$0x3FA8]  }
0x29: {  	s4 =	sld [smem:$0x3FAA]  }
0x2a: {  	p0 =	seq.s32 s5, $0x0;
	s5 =	sld [smem:$0x3FAB]  }
0x2b: {  	s6 =	sld [smem:$0x3FAC]  }
0x2c: {  	s7 =	sld [smem:$0x3FAD]  }
0x2d: {  	s3 =	simm.s32 $0x108;
	s8 =	sld [smem:$0x3FAE]  }
0x2e: {  	s3 =	simm.s32 @!p0 $0x1082;
	s9 =	sld [smem:$0x3FAF]  }
0x2f: {  	lr =	sadd.s32 s0, s3;
	s0 =	sld [smem:$0x3FA6]  }
0x30: {  	s3 =	sld [smem:$0x3FA9]  }
0x31: {  	[smem:$0x3FB2] =	sst s10  }
0x32: {  	s10 =	sld [smem:$0x3FB0];
	_ =	sdelay $0x3  }
0x33: {  	p0 =	seq.s32 s10, $0x1;
	s10 =	sld [smem:$0x3FB2];
	_ =	sdelay $0x3  }
0x34: {  	[smem:$0x3FB2] =	sst s10  }
0x35: {  	s10 =	sld [smem:$0x3FB1];
	_ =	sdelay $0x3  }
0x36: {  	p1 =	seq.s32 s10, $0x1;
	s10 =	sld [smem:$0x3FB2];
	_ =	sdelay $0x3  }
0x37: {  	[smem:$0x3FB2] =	sst s10  }
0x38: {  	s10 =	sld [smem:$0x3FB3]  }
0x39: {  	_ = 	snop;
	(pc) =	sbr.ind lr, $3  }
0x3a: {  	_ = 	snop  }
0x3b: {  	_ = 	snop  }
0x3c: {  	p2 =	seq.s32 s10, $0x1;
	s10 =	sld [smem:$0x3FB2]  }
0x3d: {  	_ =	shalt  }
0x3e: {  	_ =	shalt  }
0x3f: {  	_ =	shalt  }
0x40: {  	_ =	shalt  }
0x41: {  	_ =	shalt  }
0x42: {  	_ =	shalt  }
0x43: {  	_ =	shalt  }
0x44: {  	_ =	shalt  }
0x45: {  	_ =	shalt  }
0x46: {  	_ =	shalt  }
0x47: {  	_ =	shalt  }
0x48: {  	_ =	shalt  }
0x49: {  	_ =	shalt  }
0x4a: {  	_ =	shalt  }
0x4b: {  	_ =	shalt  }
0x4c: {  	_ =	shalt  }
0x4d: {  	_ =	shalt  }
0x4e: {  	_ =	shalt  }
0x4f: {  	_ =	shalt  }
0x50: {  	_ =	shalt  }
0x51: {  	_ =	shalt  }
0x52: {  	_ =	shalt  }
0x53: {  	_ =	shalt  }
0x54: {  	_ =	shalt  }
0x55: {  	_ =	shalt  }
0x56: {  	_ =	shalt  }
0x57: {  	_ =	shalt  }
0x58: {  	_ =	shalt  }
0x59: {  	_ =	shalt  }
0x5a: {  	_ =	shalt  }
0x5b: {  	_ =	shalt  }
0x5c: {  	_ =	shalt  }
0x5d: {  	_ =	shalt  }
0x5e: {  	_ =	shalt  }
0x5f: {  	_ =	shalt  }
0x60: {  	_ =	shalt  }
0x61: {  	_ =	shalt  }
0x62: {  	_ =	shalt  }
0x63: {  	_ =	shalt  }
0x64: {  	_ =	shalt  }
0x65: {  	_ =	shalt  }
0x66: {  	_ =	shalt  }
0x67: {  	_ =	shalt  }
0x68: {  	_ =	shalt  }
0x69: {  	_ =	shalt  }
0x6a: {  	_ =	shalt  }
0x6b: {  	_ =	shalt  }
0x6c: {  	_ =	shalt  }
0x6d: {  	_ =	shalt  }
0x6e: {  	_ =	shalt  }
0x6f: {  	_ =	shalt  }
0x70: {  	_ =	shalt  }
0x71: {  	_ =	shalt  }
0x72: {  	_ =	shalt  }
0x73: {  	_ =	shalt  }
0x74: {  	_ =	shalt  }
0x75: {  	_ =	shalt  }
0x76: {  	_ =	shalt  }
0x77: {  	_ =	shalt  }
0x78: {  	_ =	shalt  }
0x79: {  	_ =	shalt  }
0x7a: {  	_ =	shalt  }
0x7b: {  	_ =	shalt  }
0x7c: {  	_ =	shalt  }
0x7d: {  	_ =	shalt  }
0x7e: {  	_ =	shalt  }
0x7f: {  	_ =	shalt  }
0x80: {  	_ =	shalt  }
0x81: {  	_ =	shalt  }
0x82: {  	_ =	shalt  }
0x83: {  	_ =	shalt  }
0x84: {  	_ =	shalt  }
0x85: {  	_ =	shalt  }
0x86: {  	_ =	shalt  }
0x87: {  	_ =	shalt  }
.Lfunc_end0:
.L_simem_size_0:
called_computation.2_lowered:
.L_overlay_start_0:
0x88: {  	s2 =	sld [smem:$0x3FD9]  }
0x89: {  	s3 =	sld [smem:$0x3FFE];
	_ =	sdelay $0x1  }
0x8a: {  	s1 =	srdreg.scid  }
0x8b: {  	s0 =	sand.u32 $0x1, s1  }
0x8c: {  	s16 =	sshll.u32 s0, $0xA;
	s2 =	sadd.s32 s3, s2  }
0x8d: {  	s2 =	sadd.s32 s2, s16  }
0x8e: {  	[smem:$0x3FBE] =	sst s2  }
0x8f: {  	_ = 	snop  }
0x90: {  	(tm) =	ssettm $0x1  }
0x91: {  	s17 =	sld [smem:$0x3FFB];
	_ =	sdelay $0x3  }
0x92: {  	_ =	strace s17  }
0x93: {  	s2 =	sld [smem:$0x3FFC];
	_ =	sdelay $0x3  }
0x94: {  	_ =	strace s2  }
0x95: {  	s2 =	sld [smem:$0x3FFD];
	_ =	sdelay $0x3  }
0x96: {  	_ =	strace s2  }
0x97: {  	_ =	strace $0x8FFFFFFF  }
0x98: {  	s18 =	sld [smem:$0x3FDB];
	_ =	sdelay $0x1  }
0x99: {  	s19 =	simm.s32 $_scs_section_size  }
0x9a: {  	s4 =	simm.s32 $_size__tile_overlayer_lowered;
	s5 =	simm.s32 $_tile_overlayer_lowered  }
0x9b: {  	s22 =	simm.s32 $0x1BFF;
	s21 =	sshll.u32 s5, $0x1;
	s2 =	sadd.s32 s19, s18  }
0x9c: {  	s6 =	simm.s32 $0x0;
	s20 =	sshll.u32 s4, $0x1;
	s4 =	sadd.s32 s21, s2  }
0x9d: {  	[timem:s6], [sflag:s22] =	dma.local [hbm:s4], s20  }
0x9e: {  	_ =	swait.ge [sflag:s22], s20  }
0x9f: {  	s3 =	ssub.s32 $0x0, s20;
	[sflag:s22] =	ssyncset.done $0x0  }
0xa0: {  	[sflag:s22] =	ssyncadd.s32 s3;
	_ =	sdelay $0x1  }
0xa1: {  	s23 =	simm.s32 $0x1B8B  }
0xa2: {  	_ =	swait.ge [sflag:s23], $0x1  }
0xa3: {  	[sflag:s23] =	ssyncset.done $0x0  }
0xa4: {  	s25 =	simm.s32 $0x1B8E;
	s24 =	sld [smem:$0x3FFE];
	[sflag:s23] =	ssyncadd.s32 $0xFFFFFFFF  }
0xa5: {  	s26 =	simm.s32 $execute0_lowered;
	[smem:$0x3FD2] =	sst s25  }
0xa6: {  	s4 =	sshll.u32 s26, $0x1;
	_ =	strace $0x8000004C;
	[dreg:$0x1] =	wrdreg $0xFFFFFFFF  }
0xa7: {  	s28 =	simm.s32 $_size_execute0_lowered;
	s2 =	sadd.s32 s2, s4;
	[dreg:$0x0] =	wrdreg $0x0  }
0xa8: {  	s4 =	sshll.u32 s28, $0x1;
	[dreg:$0x2] =	wrdreg s2  }
0xa9: {  	[dreg:$0x3] =	wrdreg s4  }
0xaa: {  	[dreg:$0x4] =	wrdreg $0xC0  }
0xab: {  	_ =	task [dreg:s6], $0x5FFFF  }
0xac: {  	[dreg:$0x1] =	wrdreg $0xFFFFFFFF  }
0xad: {  	[dreg:$0x0] =	wrdreg $0x60  }
0xae: {  	[dreg:$0x2] =	wrdreg s24  }
0xaf: {  	[dreg:$0x3] =	wrdreg $0x90000  }
0xb0: {  	[dreg:$0x4] =	wrdreg $0x9  }
0xb1: {  	_ =	task.clear_ibuf [dreg:s6], $0x5FFFF;
	_ =	strace $0x9000004C  }
0xb2: {  	s29 =	simm.s32 $0x9;
	_ =	strace $0x8000004E  }
0xb3: {  	_ =	swait.ge [sflag:s29], $0x1  }
0xb4: {  	[sflag:s29] =	ssyncadd.s32 $0xFFFFFFFF  }
0xb5: {  	_ =	strace $0x9000004E  }
0xb6: {  	_ =	sfence  }
0xb7: {  	s30 =	sld [smem:$0x0];
	_ =	sdelay $0x2  }
0xb8: {  	s31 =	sshll.u32 s1, $0xD;
	s1 =	sshrl.u32 s1, $0x2  }
0xb9: {  	s3 =	sand.u32 $0x4000, s31;
	s1 =	sadd.s32 s1, s30  }
0xba: {  	s0 =	sor.u32 s3, s0;
	s1 =	sshll.u32 s1, $0x11  }
0xbb: {  	s0 =	sor.u32 s1, s0  }
0xbc: {  	s0 =	sadd.s32 $0x8F2B, s0  }
0xbd: {  	[sflag:s0] =	ssyncadd.remote.s32 $0x1  }
0xbe: {  	_ =	sfence.sel $0xFFFF  }
0xbf: {  	[dreg:$0x0] =	wrdreg $0xFFFFFFFF;
	(pc) =	sbr.abs _section_cstart, $3  }
0xc0: {  	[dreg:$0x1] =	wrdreg $0xFFFFFFFF  }
0xc1: {  	_ =	task.clear_ibuf [dreg:s6], $0x2FFFF;
	_ =	strace $0x9FFFFFFF  }
0xc2: {  	(tm) =	ssettm $0x7FFFFFFF  }
0xc3: {  	_ =	shalt  }
tec
execute0_lowered:
.L_overlay_start_1:
0x0: {  	(tag) =	ssettag $0x1  }
0x1: {  	s0 =	rddreg [dreg:$0x0]  }
0x2: {  	s1 =	srdreg.scid;
	s2 =	rddreg [dreg:$0x1]  }
0x3: {  	s12 =	stileid.u32;
	s3 =	simm.s32 $0x0;
	s18 =	simm.s32 $0x6  }
0x4: {  	s19 =	simm.s32 $0x800;
	s28 =	simm.s32 $0x4;
	s29 =	simm.s32 $0x5  }
0x5: {  	s30 =	simm.s32 $0x0;
	s1 =	sand.u32 $0x1, s1;
	s6 =	smul.u32 $0x14000, s12  }
0x6: {  	[smem:$0x7FF] =	sst s3;
	s4 =	sadd.s32 $0x1A000, s0;
	s10 =	smul.u32 $0x98, s12  }
0x7: {  	s20 =	sadd.s32 $0x17800, s0;
	s11 =	sshll.u32 s12, $0x3;
	s22 =	smul.u32 $0x50000, s12  }
0x8: {  	s24 =	sshll.u32 s12, $0x6;
	s5 =	smul.u32 $0x140000, s1;
	_ =	strace $0x8000004D  }
0x9: {  	[dreg:$0x4] =	wrdreg s20;
	s21 =	ssub.s32 $0x2, s1;
	p0 =	seq.s32 s1, $0x0  }
0xa: {  	s1 =	sor.u32 $0x980, s11;
	s20 =	simm.s32 $0x1;
	s9 =	sshrl.u32 s21, $0x1  }
0xb: {  	s1 =	smov.u32 @p0 s10;
	s23 =	sshrl.u32 s22, $0x2;
	s22 =	simm.s32 $0x1000  }
0xc: {  	s7 =	sadd.s32 s6, s5;
	s5 =	sadd.s32 $0x3800, s0;
	s6 =	sadd.s32 $0xD800, s0  }
0xd: {  	s14 =	ssub.s32 s21, s9;
	s17 =	sadd.s32 s23, s2;
	s9 =	sor.u32 $0x1C06, s24  }
0xe: {  	s13 =	sshll.u32 s1, $0x4;
	s1 =	sshrl.u32 s1, $0x3;
	s21 =	simm.s32 $0x80  }
0xf: {  	s23 =	simm.s32 $0x5000;
	s24 =	simm.s32 $0x2;
	s8 =	sshrl.u32 s7, $0x3  }
0x10: {  	s25 =	sadd.s32 s5, s13;
	s26 =	sadd.s32 s6, s13;
	[dreg:$0x3] =	wrdreg s1  }
0x11: {  	s31 =	sadd.s32 $0x80, s13;
	s14 =	smax.u32 s14, $0x1;
	s17 =	sshrl.u32 s17, $0x3  }
0x12: {  	s0 =	sadd.s32 s8, s0;
	s8 =	simm.s32 $0x4C;
	[dreg:$0x5] =	wrdreg s25  }
0x13: {  	[dreg:$0x6] =	wrdreg s26;
	s15 =	sadd.s32 s5, s31;
	s8 =	simm.s32 @!p0 $0x4  }
0x14: {  	s16 =	sadd.s32 s6, s31;
	s0 =	sadd.s32 $0x42000, s0;
	s12 =	sadd.s32 $0xFFFFFFFC, s8  }
0x15: {  	s25 =	simm.s32 $0x3;
	[dreg:$0x7] =	wrdreg s0;
	p0 =	seq.s32 s12, $0x0  }
.LBB2_1:
0x16: {  	s0 =	rddreg [dreg:$0x4]  }
0x17: {  	[spmem:s17], [sflag:s9] =	dma.local [hbm:s0], $0x2800  }
0x18: {  	_ =	swait.ge [sflag:s18], $0x2800  }
0x19: {  	[sflag:s18] =	ssyncset.done $0x0  }
0x1a: {  	s10 =	rddreg [dreg:$0x5];
	[sflag:s18] =	ssyncadd.s32 $0xFFFFD800  }
0x1b: {  	[tilespmem:s3], [sflag:$0x1] =	stream.linear.gather [hbm4b:s10+s3], $0x400, $0x38;
	[tilespmem:$0x1D000] =	vst v63  }
0x1c: {  	s11 =	rddreg [dreg:$0x6]  }
0x1d: {  	[tilespmem:s19], [sflag:$0x1] =	stream.linear.gather [hbm4b:s11+s3], $0x400, $0x38;
	[tilespmem:$0x1D000] =	vst v63  }
0x1e: {  	[bflag:$0x0] =	sbarrier.arrive $0xFFFF  }
0x1f: {  	_ =	swait.ge [sflag:s20], $0x400  }
0x20: {  	[sflag:s20] =	ssyncset.done $0x0  }
0x21: {  	[sflag:s20] =	ssyncadd.s32 $0xFFFFFC00  }
0x22: {  	_ =	swait.ge [sflag:s20], $0x400  }
0x23: {  	[sflag:s20] =	ssyncset.done $0x0  }
0x24: {  	s1 =	simm.s32 @!p0 $0x400;
	s0 =	simm.s32 @!p0 $0x0;
	[sflag:s20] =	ssyncadd.s32 $0xFFFFFC00  }
0x25: {  	[tilespmem:s1], [sflag:$0x1] =	stream.linear.gather @!p0 [hbm4b:s15+s0], $0x400, $0x38;
	[tilespmem:$0x1D000] =	vst v63  }
0x26: {  	s1 =	simm.s32 @!p0 $0xC00  }
0x27: {  	[tilespmem:s1], [sflag:$0x1] =	stream.linear.gather @!p0 [hbm4b:s16+s0], $0x400, $0x38;
	[tilespmem:$0x1D000] =	vst v63  }
0x28: {  	_ = 	snop  }
0x29: {  	[tilespmem:s22], [sflag:$0x2] =	stream.indirect.gather [hbm4b:s4+s21], $0x80, s3, s21, $0xb8;
	[tilespmem:$0x1D000] =	vst v63  }
0x2a: {  	_ = 	snop  }
0x2b: {  	[tilespmem:s23], [sflag:$0x3] =	stream.indirect.gather [hbm4b:s4+s21], $0x80, s21, s21, $0xb8;
	[tilespmem:$0x1D000] =	vst v63  }
0x2c: {  	_ =	swait.ge [sflag:s24], $0x4000  }
0x2d: {  	[sflag:s24] =	ssyncset.done $0x0  }
0x2e: {  	p3 =	sne.s32 s8, $0x2;
	[sflag:s24] =	ssyncadd.s32 $0xFFFFC000  }
0x2f: {  	[spmem:s2] =	stream.indirect.scatter.add.f32 [tilespmem:s22], [sflag:$0x4], $0x80, s19, s21, $0xb8;
	[tilespmem:$0x1D000] =	vst v63  }
.Ltmp0:
0x30: {  	_ = 	snop;
	(pc) =	sbr.rel @!p3 .LBB2_2-.Ltmp0, $4  }
0x31: {  	s13 =	simm.s32 $0x880;
	s31 =	simm.s32 $0x100;
	_ =	swait.ge [sflag:s25], $0x4000  }
0x32: {  	s26 =	sand.u32 $0x3, s20;
	p2 =	por $0x0, $0x0;
	[sflag:s25] =	ssyncset.done $0x0  }
0x33: {  	p1 =	sne.s32 s26, $0x0;
	s0 =	simm.s32 $0x2;
	[sflag:s25] =	ssyncadd.s32 $0xFFFFC000  }
0x34: {  	[spmem:s2] =	stream.indirect.scatter.add.f32 [tilespmem:s23], [sflag:$0x5], $0x80, s13, s21, $0xb8;
	[tilespmem:$0x1D000] =	vst v63  }
0x35: {  	s1 =	simm.s32 @p1 $0x4  }
0x36: {  	_ =	swait.ge @p1 [sflag:s1], $0x4000  }
0x37: {  	[sflag:s1] =	ssyncset.done @p1 $0x0  }
0x38: {  	[sflag:s1] =	ssyncadd.s32 @p1 $0xFFFFC000;
	s1 =	simm.s32 @p1 $0x5  }
0x39: {  	_ =	swait.ge @p1 [sflag:s1], $0x4000  }
0x3a: {  	[sflag:s1] =	ssyncset.done @p1 $0x0  }
0x3b: {  	[sflag:s1] =	ssyncadd.s32 @p1 $0xFFFFC000;
	s1 =	simm.s32 @!p1 $0x4  }
0x3c: {  	_ =	swait.ge @!p1 [sflag:s1], $0x4000  }
0x3d: {  	[sflag:s1] =	ssyncset.done @!p1 $0x0  }
0x3e: {  	[sflag:s1] =	ssyncadd.s32 @!p1 $0xFFFFC000;
	s1 =	simm.s32 @!p1 $0x5  }
0x3f: {  	_ =	swait.ge @!p1 [sflag:s1], $0x4000  }
0x40: {  	[sflag:s1] =	ssyncset.done @!p1 $0x0  }
0x41: {  	[sflag:s1] =	ssyncadd.s32 @!p1 $0xFFFFC000;
	s1 =	simm.s32 @!p1 $0x1  }
0x42: {  	_ =	swait.ge @!p1 [sflag:s1], $0x400  }
0x43: {  	[sflag:s1] =	ssyncset.done @!p1 $0x0  }
0x44: {  	[sflag:s1] =	ssyncadd.s32 @!p1 $0xFFFFFC00  }
0x45: {  	p2 =	sle.u32 @!p1 s12, $0x1;
	_ =	swait.ge @!p1 [sflag:s1], $0x400  }
0x46: {  	p2 =	por p2, p1;
	s26 =	rddreg [dreg:$0x3]  }
0x47: {  	s26 =	sadd.s32 @!p2 $0x1, s26  }
0x48: {  	s7 =	simm.s32 @!p2 $0x400;
	s26 =	sshll.u32 @!p2 s26, $0x7  }
0x49: {  	s10 =	simm.s32 @!p2 $0x0;
	[sflag:s1] =	ssyncset.done @!p1 $0x0;
	s26 =	sand.u32 @!p2 $0x1FFFFF80, s26  }
0x4a: {  	s7 =	sand.u32 @!p2 $0x400, s7;
	[sflag:s1] =	ssyncadd.s32 @!p1 $0xFFFFFC00;
	s1 =	sadd.s32 @!p2 s5, s26  }
0x4b: {  	[tilespmem:s7], [sflag:$0x1] =	stream.linear.gather @!p2 [hbm4b:s1+s10], $0x400, $0x38;
	[tilespmem:$0x1D000] =	vst v63  }
0x4c: {  	s1 =	sor.u32 @!p2 $0x800, s7;
	s7 =	sadd.s32 @!p2 s6, s26  }
0x4d: {  	[tilespmem:s1], [sflag:$0x1] =	stream.linear.gather @!p2 [hbm4b:s7+s10], $0x400, $0x38;
	[tilespmem:$0x1D000] =	vst v63  }
0x4e: {  	s7 =	sand.u32 $0x700, s31  }
0x4f: {  	[tilespmem:s22], [sflag:$0x2] =	stream.indirect.gather [hbm4b:s4+s21], $0x80, s7, s21, $0xb8;
	[tilespmem:$0x1D000] =	vst v63  }
0x50: {  	s11 =	sor.u32 $0x80, s7  }
0x51: {  	[tilespmem:s23], [sflag:$0x3] =	stream.indirect.gather [hbm4b:s4+s21], $0x80, s11, s21, $0xb8;
	[tilespmem:$0x1D000] =	vst v63  }
0x52: {  	p3 =	sne.s32 s8, $0x3;
	_ =	swait.ge [sflag:s24], $0x4000  }
.Ltmp1:
0x53: {  	s26 =	sand.u32 $0x3, s0;
	[sflag:s24] =	ssyncset.done $0x0;
	(pc) =	sbr.rel @!p3 .LBB2_5-.Ltmp1, $4  }
0x54: {  	p1 =	sne.s32 s26, $0x0;
	s13 =	sor.u32 $0x800, s7;
	[sflag:s24] =	ssyncadd.s32 $0xFFFFC000  }
0x55: {  	[spmem:s2] =	stream.indirect.scatter.add.f32 [tilespmem:s22], [sflag:$0x4], $0x80, s13, s21, $0xb8;
	[tilespmem:$0x1D000] =	vst v63  }
0x56: {  	s1 =	simm.s32 $0x3;
	s31 =	simm.s32 $0x200;
	_ =	swait.ge [sflag:s25], $0x4000  }
0x57: {  	p2 =	por $0x1, $0x1;
	s26 =	sor.u32 $0x880, s7;
	[sflag:s25] =	ssyncset.done $0x0  }
.LBB2_4:
0x58: {  	s7 =	simm.s32 @p1 $0x4;
	[sflag:s25] =	ssyncadd.s32 $0xFFFFC000  }
0x59: {  	[spmem:s2] =	stream.indirect.scatter.add.f32 [tilespmem:s23], [sflag:$0x5], $0x80, s26, s21, $0xb8;
	[tilespmem:$0x1D000] =	vst v63  }
0x5a: {  	_ =	swait.ge @p1 [sflag:s7], $0x4000  }
0x5b: {  	[sflag:s7] =	ssyncset.done @p1 $0x0  }
0x5c: {  	[sflag:s7] =	ssyncadd.s32 @p1 $0xFFFFC000;
	s7 =	simm.s32 @p1 $0x5  }
0x5d: {  	_ =	swait.ge @p1 [sflag:s7], $0x4000  }
0x5e: {  	[sflag:s7] =	ssyncset.done @p1 $0x0  }
0x5f: {  	[sflag:s7] =	ssyncadd.s32 @p1 $0xFFFFC000;
	s7 =	simm.s32 @!p1 $0x4  }
0x60: {  	_ =	swait.ge @!p1 [sflag:s7], $0x4000  }
0x61: {  	[sflag:s7] =	ssyncset.done @!p1 $0x0  }
0x62: {  	[sflag:s7] =	ssyncadd.s32 @!p1 $0xFFFFC000;
	s7 =	simm.s32 @!p1 $0x5  }
0x63: {  	_ =	swait.ge @!p1 [sflag:s7], $0x4000  }
0x64: {  	[sflag:s7] =	ssyncset.done @!p1 $0x0  }
0x65: {  	[sflag:s7] =	ssyncadd.s32 @!p1 $0xFFFFC000;
	s7 =	simm.s32 @!p1 $0x1  }
0x66: {  	_ =	swait.ge @!p1 [sflag:s7], $0x400  }
0x67: {  	p4 =	sge.u32 @!p1 s0, s12;
	[sflag:s7] =	ssyncset.done @!p1 $0x0  }
0x68: {  	p4 =	por p4, p1;
	[sflag:s7] =	ssyncadd.s32 @!p1 $0xFFFFFC00  }
0x69: {  	s10 =	smov.u32 s1;
	s11 =	sshrl.u32 @!p4 s0, $0x2;
	_ =	swait.ge @!p1 [sflag:s7], $0x400  }
0x6a: {  	s0 =	smov.u32 s10;
	s10 =	sadd.s32 @!p4 $0x1, s11;
	s26 =	rddreg [dreg:$0x3]  }
0x6b: {  	s11 =	sadd.s32 @!p4 s26, s10  }
0x6c: {  	s13 =	simm.s32 @!p4 $0x0;
	s11 =	sshll.u32 @!p4 s11, $0x7  }
0x6d: {  	[sflag:s7] =	ssyncset.done @!p1 $0x0;
	s10 =	sshll.u32 @!p4 s10, $0xA;
	s11 =	sand.u32 @!p4 $0x1FFFFF80, s11  }
0x6e: {  	[sflag:s7] =	ssyncadd.s32 @!p1 $0xFFFFFC00;
	s10 =	sand.u32 @!p4 $0x400, s10;
	s7 =	sadd.s32 @!p4 s5, s11  }
0x6f: {  	[tilespmem:s10], [sflag:$0x1] =	stream.linear.gather @!p4 [hbm4b:s7+s13], $0x400, $0x38;
	[tilespmem:$0x1D000] =	vst v63  }
0x70: {  	s26 =	sor.u32 @!p4 $0x800, s10;
	s7 =	sadd.s32 @!p4 s6, s11  }
0x71: {  	[tilespmem:s26], [sflag:$0x1] =	stream.linear.gather @!p4 [hbm4b:s7+s13], $0x400, $0x38;
	[tilespmem:$0x1D000] =	vst v63  }
0x72: {  	s7 =	sand.u32 $0x700, s31  }
0x73: {  	[tilespmem:s22], [sflag:$0x2] =	stream.indirect.gather [hbm4b:s4+s21], $0x80, s7, s21, $0xb8;
	[tilespmem:$0x1D000] =	vst v63  }
0x74: {  	s1 =	sadd.s32 $0x1, s1;
	s11 =	sor.u32 $0x80, s7  }
0x75: {  	[tilespmem:s23], [sflag:$0x3] =	stream.indirect.gather [hbm4b:s4+s21], $0x80, s11, s21, $0xb8;
	[tilespmem:$0x1D000] =	vst v63  }
0x76: {  	p3 =	sne.s32 s8, s1;
	_ =	swait.ge [sflag:s24], $0x4000  }
.Ltmp2:
0x77: {  	[sflag:s24] =	ssyncset.done $0x0;
	(pc) =	sbr.rel @p3 .LBB2_4-.Ltmp2, $4  }
0x78: {  	s13 =	sor.u32 $0x800, s7;
	[sflag:s24] =	ssyncadd.s32 $0xFFFFC000  }
0x79: {  	[spmem:s2] =	stream.indirect.scatter.add.f32 [tilespmem:s22], [sflag:$0x4], $0x80, s13, s21, $0xb8;
	[tilespmem:$0x1D000] =	vst v63  }
0x7a: {  	s26 =	sand.u32 $0x3, s0;
	s31 =	sadd.s32 $0x100, s31;
	_ =	swait.ge [sflag:s25], $0x4000  }
0x7b: {  	p1 =	sne.s32 s26, $0x0;
	s26 =	sor.u32 $0x880, s7;
	[sflag:s25] =	ssyncset.done $0x0  }
.LBB2_5:
0x7c: {  	s1 =	simm.s32 @p1 $0x4;
	[sflag:s25] =	ssyncadd.s32 @p2 $0xFFFFC000  }
0x7d: {  	[spmem:s2] =	stream.indirect.scatter.add.f32 @p2 [tilespmem:s23], [sflag:$0x5], $0x80, s26, s21, $0xb8;
	[tilespmem:$0x1D000] =	vst v63  }
0x7e: {  	_ =	swait.ge @p1 [sflag:s1], $0x4000  }
0x7f: {  	[sflag:s1] =	ssyncset.done @p1 $0x0  }
0x80: {  	[sflag:s1] =	ssyncadd.s32 @p1 $0xFFFFC000;
	s1 =	simm.s32 @p1 $0x5  }
0x81: {  	_ =	swait.ge @p1 [sflag:s1], $0x4000  }
0x82: {  	[sflag:s1] =	ssyncset.done @p1 $0x0  }
0x83: {  	[sflag:s1] =	ssyncadd.s32 @p1 $0xFFFFC000;
	s1 =	simm.s32 @!p1 $0x4  }
0x84: {  	_ =	swait.ge @!p1 [sflag:s1], $0x4000  }
0x85: {  	[sflag:s1] =	ssyncset.done @!p1 $0x0  }
0x86: {  	[sflag:s1] =	ssyncadd.s32 @!p1 $0xFFFFC000;
	s1 =	simm.s32 @!p1 $0x5  }
0x87: {  	_ =	swait.ge @!p1 [sflag:s1], $0x4000  }
0x88: {  	[sflag:s1] =	ssyncset.done @!p1 $0x0  }
0x89: {  	[sflag:s1] =	ssyncadd.s32 @!p1 $0xFFFFC000;
	s1 =	simm.s32 @!p1 $0x1  }
0x8a: {  	_ =	swait.ge @!p1 [sflag:s1], $0x400  }
0x8b: {  	p2 =	sge.u32 @!p1 s0, s12;
	[sflag:s1] =	ssyncset.done @!p1 $0x0  }
0x8c: {  	p2 =	por p2, p1;
	[sflag:s1] =	ssyncadd.s32 @!p1 $0xFFFFFC00  }
0x8d: {  	s0 =	sshrl.u32 @!p2 s0, $0x2;
	_ =	swait.ge @!p1 [sflag:s1], $0x400  }
0x8e: {  	s0 =	sadd.s32 @!p2 $0x1, s0;
	s7 =	rddreg [dreg:$0x3]  }
0x8f: {  	s7 =	sadd.s32 @!p2 s7, s0  }
0x90: {  	s10 =	simm.s32 @!p2 $0x0;
	s7 =	sshll.u32 @!p2 s7, $0x7  }
0x91: {  	[sflag:s1] =	ssyncset.done @!p1 $0x0;
	s0 =	sshll.u32 @!p2 s0, $0xA;
	s7 =	sand.u32 @!p2 $0x1FFFFF80, s7  }
0x92: {  	[sflag:s1] =	ssyncadd.s32 @!p1 $0xFFFFFC00;
	s0 =	sand.u32 @!p2 $0x400, s0;
	s1 =	sadd.s32 @!p2 s5, s7  }
0x93: {  	[tilespmem:s0], [sflag:$0x1] =	stream.linear.gather @!p2 [hbm4b:s1+s10], $0x400, $0x38;
	[tilespmem:$0x1D000] =	vst v63  }
0x94: {  	s0 =	sor.u32 @!p2 $0x800, s0;
	s1 =	sadd.s32 @!p2 s6, s7  }
0x95: {  	[tilespmem:s0], [sflag:$0x1] =	stream.linear.gather @!p2 [hbm4b:s1+s10], $0x400, $0x38;
	[tilespmem:$0x1D000] =	vst v63  }
0x96: {  	s11 =	sand.u32 $0x700, s31  }
0x97: {  	[tilespmem:s22], [sflag:$0x2] =	stream.indirect.gather [hbm4b:s4+s21], $0x80, s11, s21, $0xb8;
	[tilespmem:$0x1D000] =	vst v63  }
0x98: {  	s13 =	sor.u32 $0x80, s11  }
0x99: {  	[tilespmem:s23], [sflag:$0x3] =	stream.indirect.gather [hbm4b:s4+s21], $0x80, s13, s21, $0xb8;
	[tilespmem:$0x1D000] =	vst v63  }
0x9a: {  	_ =	swait.ge [sflag:s24], $0x4000  }
0x9b: {  	[sflag:s24] =	ssyncset.done $0x0  }
0x9c: {  	s26 =	sor.u32 $0x800, s11;
	[sflag:s24] =	ssyncadd.s32 $0xFFFFC000  }
0x9d: {  	[spmem:s2] =	stream.indirect.scatter.add.f32 [tilespmem:s22], [sflag:$0x4], $0x80, s26, s21, $0xb8;
	[tilespmem:$0x1D000] =	vst v63  }
0x9e: {  	_ =	swait.ge [sflag:s25], $0x4000  }
0x9f: {  	[sflag:s25] =	ssyncset.done $0x0  }
0xa0: {  	s0 =	sor.u32 $0x880, s11;
	[sflag:s25] =	ssyncadd.s32 $0xFFFFC000  }
0xa1: {  	[spmem:s2] =	stream.indirect.scatter.add.f32 [tilespmem:s23], [sflag:$0x5], $0x80, s0, s21, $0xb8;
	[tilespmem:$0x1D000] =	vst v63  }
0xa2: {  	_ =	swait.ge [sflag:s28], $0x4000  }
0xa3: {  	[sflag:s28] =	ssyncset.done $0x0  }
0xa4: {  	[sflag:s28] =	ssyncadd.s32 $0xFFFFC000  }
0xa5: {  	_ =	swait.ge [sflag:s29], $0x4000  }
0xa6: {  	[sflag:s29] =	ssyncset.done $0x0  }
0xa7: {  	[sflag:s29] =	ssyncadd.s32 $0xFFFFC000  }
0xa8: {  	s30 =	sadd.s32 $0x1, s30;
	[bflag:$0x0] =	sbarrier.arrive $0xFFFF  }
0xa9: {  	p1 =	sne.s32 s30, s14;
	s31 =	rddreg [dreg:$0x7]  }
0xaa: {  	[hbm:s31], [sflag:s9] =	dma.local [spmem:s17], $0x2800  }
.Ltmp3:
0xab: {  	_ = 	snop;
	(pc) =	sbr.rel @p1 .LBB2_1-.Ltmp3, $4  }
.Ltmp4:
0xac: {  	_ = 	snop;
	(pc) =	sbr.rel @!p1 .LBB2_6-.Ltmp4, $4  }
0xad: {  	_ =	swait.ge [sflag:s18], $0x2800  }
0xae: {  	[sflag:s18] =	ssyncset.done $0x0  }
0xaf: {  	[sflag:s18] =	ssyncadd.s32 $0xFFFFD800  }
0xb0: {  	_ = 	snop  }
.LBB2_2:
.Ltmp5:
0xb1: {  	(pc) =	sbr.rel .LBB2_5-.Ltmp5, $2  }
0xb2: {  	_ =	sdelay $0x2  }
0xb3: {  	s0 =	simm.s32 $0x1  }
.LBB2_6:
0xb4: {  	_ =	sfence.sel $0x180000  }
0xb5: {  	[bflag:$0x0] =	sbarrier.arrive $0xFFFF  }
0xb6: {  	_ =	strace $0x9000004D  }
0xb7: {  	s0 =	stileid.u32;
	[bflag:$0x2] =	sbarrier.arrive $0xFFFF  }
0xb8: {  	p0 =	sne.s32 s0, $0x0;
	s0 =	rddreg [dreg:$0x2]  }
0xb9: {  	s0 =	sadd.s32 @!p0 $0x100000, s0  }
0xba: {  	[sflag:s0] =	ssyncadd.tile.s32 @!p0 $0x1;
	_ =	shalt  }
.Lfunc_end2:
_tile_overlayer_lowered:
.L_overlay_start_2:
0xbb: {  	(tag) =	ssettag $0x2  }
0xbc: {  	s0 =	rddreg [dreg:$0x0];
	s2 =	stileid.u32  }
0xbd: {  	s1 =	rddreg [dreg:$0x1];
	p0 =	sne.s32 s2, $0x0  }
0xbe: {  	s3 =	rddreg [dreg:$0x2];
	[bflag:$0x3] =	sbarrier.arrive $0xFFFF;
	s2 =	simm.s32 @!p0 $0x1C06  }
0xbf: {  	[timem:s3], [sflag:s2] =	dma.local @!p0 [hbm:s0], s1  }
0xc0: {  	s0 =	simm.s32 @!p0 $0x6  }
0xc1: {  	_ =	swait.ge @!p0 [sflag:s0], s1  }
0xc2: {  	s1 =	ssub.s32 @!p0 $0x0, s1;
	[sflag:s0] =	ssyncset.done @!p0 $0x0  }
0xc3: {  	[sflag:s0] =	ssyncadd.s32 @!p0 s1  }
0xc4: {  	[bflag:$0x3] =	sbarrier.arrive $0xFFFF  }
0xc5: {  	_ =	shalt  }

// kernel: kernel.19.cloned.1.call-start
scs
__scs_entry_jumppad:
0x0: {  	(pc) =	sbr.rel $0x88, $3  }
0x1: {  	(tag) =	ssettag $0x0;
	lr =	simm.s32 $0x1  }
0x2: {  	[smem:$0x3F97] =	sst lr;
	_ =	strace $0xD0000000  }
0x3: {  	_ = 	snop  }
0x4: {  	_ = 	snop  }
0x5: {  	_ = 	snop  }
0x6: {  	_ = 	snop  }
0x7: {  	_ = 	snop  }
__scs_overlays_trampoline_lowered:
0x8: {  	[smem:$0x3FA6] =	sst s0  }
0x9: {  	[smem:$0x3FA7] =	sst s1  }
0xa: {  	[smem:$0x3FA8] =	sst s2  }
0xb: {  	[smem:$0x3FA9] =	sst s3  }
0xc: {  	[smem:$0x3FAA] =	sst s4  }
0xd: {  	[smem:$0x3FAB] =	sst s5  }
0xe: {  	[smem:$0x3FAC] =	sst s6  }
0xf: {  	[smem:$0x3FAD] =	sst s7  }
0x10: {  	[smem:$0x3FAE] =	sst s8  }
0x11: {  	[smem:$0x3FAF] =	sst s9;
	s0 =	simm.s32 @!p0 $0x0  }
0x12: {  	s1 =	sld [smem:$0x3F95];
	s0 =	simm.s32 @p0 $0x1  }
0x13: {  	[smem:$0x3FB0] =	sst s0;
	s0 =	simm.s32 @!p1 $0x0  }
0x14: {  	s2 =	sld [smem:$0x3F94];
	s0 =	simm.s32 @p1 $0x1  }
0x15: {  	[smem:$0x3FB1] =	sst s0;
	s0 =	simm.s32 @!p2 $0x0  }
0x16: {  	s3 =	sld [smem:$0x3FDB];
	s0 =	simm.s32 @p2 $0x1  }
0x17: {  	s4 =	simm.s32 $0x1BF5;
	[smem:$0x3FB3] =	sst s0  }
0x18: {  	s0 =	sld [smem:$0x3F96];
	_ =	swait.ge [sflag:s4], $0x0  }
0x19: {  	s7 =	sld [smem:$0x3F97]  }
0x1a: {  	s8 =	sadd.s32 $0xFFFFE003, lr  }
0x1b: {  	s9 =	sadd.s32 $0xFFFFFEF7, lr;
	s5 =	simm.s32 $0xFFFFFFFF;
	p2 =	slt.u32 s8, $0xFFFFF086  }
0x1c: {  	p1 =	slt.u32 s9, $0xF7A;
	s5 =	simm.s32 @!p2 $0x0  }
0x1d: {  	s5 =	simm.s32 @p1 $0x1;
	p0 =	seq.s32 s7, s2  }
0x1e: {  	s7 =	smul.u32 @!p0 $0xF7A, s2;
	p2 =	seq.s32 @!p0 s5, $0x0  }
0x1f: {  	s9 =	smul.u32 $0xF7A, s1;
	s8 =	simm.s32 @!p0 $0x1BF5;
	p2 =	por !p2, p0  }
0x20: {  	[sflag:s8] =	ssyncset.s32 @!p0 $0xFFFFF086;
	s6 =	sadd.s32 @!p0 s3, s7;
	s7 =	simm.s32 @!p0 $0x108  }
0x21: {  	s3 =	sadd.s32 s3, s9;
	s6 =	sadd.s32 @!p0 $0x88, s6;
	s7 =	simm.s32 @p2 $0x1082  }
0x22: {  	[simem:s7], [sflag:s8] =	dma.local @!p0 [hbm:s6], $0xF7A  }
0x23: {  	s9 =	sor.u32 $0xD0000000, s2;
	s6 =	simm.s32 $0x108;
	_ =	swait.ge @!p0 [sflag:s8], $0x0  }
0x24: {  	s3 =	sadd.s32 $0x88, s3;
	s6 =	simm.s32 @!p1 $0x1082;
	[sflag:s4] =	ssyncset.s32 $0xFFFFF086  }
0x25: {  	[simem:s6], [sflag:s4] =	dma.local [hbm:s3], $0xF7A  }
0x26: {  	[smem:$0x3F97] =	sst s1;
	(tag) =	ssettag s2;
	_ =	strace s9  }
0x27: {  	s1 =	sld [smem:$0x3FA7]  }
0x28: {  	s2 =	sld [smem:$0x3FA8]  }
0x29: {  	s4 =	sld [smem:$0x3FAA]  }
0x2a: {  	p0 =	seq.s32 s5, $0x0;
	s5 =	sld [smem:$0x3FAB]  }
0x2b: {  	s6 =	sld [smem:$0x3FAC]  }
0x2c: {  	s7 =	sld [smem:$0x3FAD]  }
0x2d: {  	s3 =	simm.s32 $0x108;
	s8 =	sld [smem:$0x3FAE]  }
0x2e: {  	s3 =	simm.s32 @!p0 $0x1082;
	s9 =	sld [smem:$0x3FAF]  }
0x2f: {  	lr =	sadd.s32 s0, s3;
	s0 =	sld [smem:$0x3FA6]  }
0x30: {  	s3 =	sld [smem:$0x3FA9]  }
0x31: {  	[smem:$0x3FB2] =	sst s10  }
0x32: {  	s10 =	sld [smem:$0x3FB0];
	_ =	sdelay $0x3  }
0x33: {  	p0 =	seq.s32 s10, $0x1;
	s10 =	sld [smem:$0x3FB2];
	_ =	sdelay $0x3  }
0x34: {  	[smem:$0x3FB2] =	sst s10  }
0x35: {  	s10 =	sld [smem:$0x3FB1];
	_ =	sdelay $0x3  }
0x36: {  	p1 =	seq.s32 s10, $0x1;
	s10 =	sld [smem:$0x3FB2];
	_ =	sdelay $0x3  }
0x37: {  	[smem:$0x3FB2] =	sst s10  }
0x38: {  	s10 =	sld [smem:$0x3FB3]  }
0x39: {  	_ = 	snop;
	(pc) =	sbr.ind lr, $3  }
0x3a: {  	_ = 	snop  }
0x3b: {  	_ = 	snop  }
0x3c: {  	p2 =	seq.s32 s10, $0x1;
	s10 =	sld [smem:$0x3FB2]  }
0x3d: {  	_ =	shalt  }
0x3e: {  	_ =	shalt  }
0x3f: {  	_ =	shalt  }
0x40: {  	_ =	shalt  }
0x41: {  	_ =	shalt  }
0x42: {  	_ =	shalt  }
0x43: {  	_ =	shalt  }
0x44: {  	_ =	shalt  }
0x45: {  	_ =	shalt  }
0x46: {  	_ =	shalt  }
0x47: {  	_ =	shalt  }
0x48: {  	_ =	shalt  }
0x49: {  	_ =	shalt  }
0x4a: {  	_ =	shalt  }
0x4b: {  	_ =	shalt  }
0x4c: {  	_ =	shalt  }
0x4d: {  	_ =	shalt  }
0x4e: {  	_ =	shalt  }
0x4f: {  	_ =	shalt  }
0x50: {  	_ =	shalt  }
0x51: {  	_ =	shalt  }
0x52: {  	_ =	shalt  }
0x53: {  	_ =	shalt  }
0x54: {  	_ =	shalt  }
0x55: {  	_ =	shalt  }
0x56: {  	_ =	shalt  }
0x57: {  	_ =	shalt  }
0x58: {  	_ =	shalt  }
0x59: {  	_ =	shalt  }
0x5a: {  	_ =	shalt  }
0x5b: {  	_ =	shalt  }
0x5c: {  	_ =	shalt  }
0x5d: {  	_ =	shalt  }
0x5e: {  	_ =	shalt  }
0x5f: {  	_ =	shalt  }
0x60: {  	_ =	shalt  }
0x61: {  	_ =	shalt  }
0x62: {  	_ =	shalt  }
0x63: {  	_ =	shalt  }
0x64: {  	_ =	shalt  }
0x65: {  	_ =	shalt  }
0x66: {  	_ =	shalt  }
0x67: {  	_ =	shalt  }
0x68: {  	_ =	shalt  }
0x69: {  	_ =	shalt  }
0x6a: {  	_ =	shalt  }
0x6b: {  	_ =	shalt  }
0x6c: {  	_ =	shalt  }
0x6d: {  	_ =	shalt  }
0x6e: {  	_ =	shalt  }
0x6f: {  	_ =	shalt  }
0x70: {  	_ =	shalt  }
0x71: {  	_ =	shalt  }
0x72: {  	_ =	shalt  }
0x73: {  	_ =	shalt  }
0x74: {  	_ =	shalt  }
0x75: {  	_ =	shalt  }
0x76: {  	_ =	shalt  }
0x77: {  	_ =	shalt  }
0x78: {  	_ =	shalt  }
0x79: {  	_ =	shalt  }
0x7a: {  	_ =	shalt  }
0x7b: {  	_ =	shalt  }
0x7c: {  	_ =	shalt  }
0x7d: {  	_ =	shalt  }
0x7e: {  	_ =	shalt  }
0x7f: {  	_ =	shalt  }
0x80: {  	_ =	shalt  }
0x81: {  	_ =	shalt  }
0x82: {  	_ =	shalt  }
0x83: {  	_ =	shalt  }
0x84: {  	_ =	shalt  }
0x85: {  	_ =	shalt  }
0x86: {  	_ =	shalt  }
0x87: {  	_ =	shalt  }
.Lfunc_end0:
.L_simem_size_0:
called_computation.3_lowered:
.L_overlay_start_0:
0x88: {  	s2 =	sld [smem:$0x3FD9]  }
0x89: {  	s3 =	sld [smem:$0x3FFE];
	_ =	sdelay $0x1  }
0x8a: {  	s1 =	srdreg.scid  }
0x8b: {  	s0 =	sand.u32 $0x1, s1  }
0x8c: {  	s16 =	sshll.u32 s0, $0xA;
	s2 =	sadd.s32 s3, s2  }
0x8d: {  	s2 =	sadd.s32 s2, s16  }
0x8e: {  	[smem:$0x3FBE] =	sst s2  }
0x8f: {  	_ = 	snop  }
0x90: {  	(tm) =	ssettm $0x1  }
0x91: {  	s17 =	sld [smem:$0x3FFB];
	_ =	sdelay $0x3  }
0x92: {  	_ =	strace s17  }
0x93: {  	s2 =	sld [smem:$0x3FFC];
	_ =	sdelay $0x3  }
0x94: {  	_ =	strace s2  }
0x95: {  	s2 =	sld [smem:$0x3FFD];
	_ =	sdelay $0x3  }
0x96: {  	_ =	strace s2  }
0x97: {  	_ =	strace $0x8FFFFFFF  }
0x98: {  	s18 =	sld [smem:$0x3FDB];
	_ =	sdelay $0x1  }
0x99: {  	s19 =	simm.s32 $_scs_section_size  }
0x9a: {  	s4 =	simm.s32 $_size__tile_overlayer_lowered;
	s5 =	simm.s32 $_tile_overlayer_lowered  }
0x9b: {  	s22 =	simm.s32 $0x1BFF;
	s21 =	sshll.u32 s5, $0x1;
	s2 =	sadd.s32 s19, s18  }
0x9c: {  	s6 =	simm.s32 $0x0;
	s20 =	sshll.u32 s4, $0x1;
	s4 =	sadd.s32 s21, s2  }
0x9d: {  	[timem:s6], [sflag:s22] =	dma.local [hbm:s4], s20  }
0x9e: {  	_ =	swait.ge [sflag:s22], s20  }
0x9f: {  	s3 =	ssub.s32 $0x0, s20;
	[sflag:s22] =	ssyncset.done $0x0  }
0xa0: {  	[sflag:s22] =	ssyncadd.s32 s3;
	_ =	sdelay $0x1  }
0xa1: {  	s23 =	simm.s32 $0x1B8B  }
0xa2: {  	_ =	swait.ge [sflag:s23], $0x1  }
0xa3: {  	[sflag:s23] =	ssyncset.done $0x0  }
0xa4: {  	s25 =	simm.s32 $0x1B8E;
	s24 =	sld [smem:$0x3FFE];
	[sflag:s23] =	ssyncadd.s32 $0xFFFFFFFF  }
0xa5: {  	s26 =	simm.s32 $execute0_lowered;
	[smem:$0x3FD2] =	sst s25  }
0xa6: {  	s4 =	sshll.u32 s26, $0x1;
	_ =	strace $0x8000004F;
	[dreg:$0x1] =	wrdreg $0xFFFFFFFF  }
0xa7: {  	s28 =	simm.s32 $_size_execute0_lowered;
	s2 =	sadd.s32 s2, s4;
	[dreg:$0x0] =	wrdreg $0x0  }
0xa8: {  	s4 =	sshll.u32 s28, $0x1;
	[dreg:$0x2] =	wrdreg s2  }
0xa9: {  	[dreg:$0x3] =	wrdreg s4  }
0xaa: {  	[dreg:$0x4] =	wrdreg $0xC0  }
0xab: {  	_ =	task [dreg:s6], $0x5FFFF  }
0xac: {  	[dreg:$0x1] =	wrdreg $0xFFFFFFFF  }
0xad: {  	[dreg:$0x0] =	wrdreg $0x60  }
0xae: {  	[dreg:$0x2] =	wrdreg s24  }
0xaf: {  	[dreg:$0x3] =	wrdreg $0x90000  }
0xb0: {  	[dreg:$0x4] =	wrdreg $0x9  }
0xb1: {  	_ =	task.clear_ibuf [dreg:s6], $0x5FFFF;
	_ =	strace $0x9000004F  }
0xb2: {  	s29 =	simm.s32 $0x9;
	_ =	strace $0x80000051  }
0xb3: {  	_ =	swait.ge [sflag:s29], $0x1  }
0xb4: {  	[sflag:s29] =	ssyncadd.s32 $0xFFFFFFFF  }
0xb5: {  	_ =	strace $0x90000051  }
0xb6: {  	_ =	sfence  }
0xb7: {  	s30 =	sld [smem:$0x0];
	_ =	sdelay $0x2  }
0xb8: {  	s31 =	sshll.u32 s1, $0xD;
	s1 =	sshrl.u32 s1, $0x2  }
0xb9: {  	s3 =	sand.u32 $0x4000, s31;
	s1 =	sadd.s32 s1, s30  }
0xba: {  	s0 =	sor.u32 s3, s0;
	s1 =	sshll.u32 s1, $0x11  }
0xbb: {  	s0 =	sor.u32 s1, s0  }
0xbc: {  	s0 =	sadd.s32 $0x8F2B, s0  }
0xbd: {  	[sflag:s0] =	ssyncadd.remote.s32 $0x1  }
0xbe: {  	_ =	sfence.sel $0xFFFF  }
0xbf: {  	[dreg:$0x0] =	wrdreg $0xFFFFFFFF;
	(pc) =	sbr.abs _section_cstart, $3  }
0xc0: {  	[dreg:$0x1] =	wrdreg $0xFFFFFFFF  }
0xc1: {  	_ =	task.clear_ibuf [dreg:s6], $0x2FFFF;
	_ =	strace $0x9FFFFFFF  }
0xc2: {  	(tm) =	ssettm $0x7FFFFFFF  }
0xc3: {  	_ =	shalt  }
tec
execute0_lowered:
.L_overlay_start_1:
0x0: {  	(tag) =	ssettag $0x1  }
0x1: {  	s0 =	rddreg [dreg:$0x0]  }
0x2: {  	s1 =	srdreg.scid;
	s2 =	rddreg [dreg:$0x1]  }
0x3: {  	s12 =	stileid.u32;
	s3 =	simm.s32 $0x0;
	s18 =	simm.s32 $0x6  }
0x4: {  	s19 =	simm.s32 $0x800;
	s28 =	simm.s32 $0x4;
	s29 =	simm.s32 $0x5  }
0x5: {  	s30 =	simm.s32 $0x0;
	s1 =	sand.u32 $0x1, s1;
	s6 =	smul.u32 $0x14000, s12  }
0x6: {  	[smem:$0x7FF] =	sst s3;
	s4 =	sadd.s32 $0x1A000, s0;
	s10 =	smul.u32 $0x98, s12  }
0x7: {  	s20 =	sadd.s32 $0x17800, s0;
	s11 =	sshll.u32 s12, $0x3;
	s22 =	smul.u32 $0x50000, s12  }
0x8: {  	s24 =	sshll.u32 s12, $0x6;
	s5 =	smul.u32 $0x140000, s1;
	_ =	strace $0x80000050  }
0x9: {  	[dreg:$0x4] =	wrdreg s20;
	s21 =	ssub.s32 $0x2, s1;
	p0 =	seq.s32 s1, $0x0  }
0xa: {  	s1 =	sor.u32 $0x980, s11;
	s20 =	simm.s32 $0x1;
	s9 =	sshrl.u32 s21, $0x1  }
0xb: {  	s1 =	smov.u32 @p0 s10;
	s23 =	sshrl.u32 s22, $0x2;
	s22 =	simm.s32 $0x1000  }
0xc: {  	s7 =	sadd.s32 s6, s5;
	s5 =	sadd.s32 $0x3800, s0;
	s6 =	sadd.s32 $0xD800, s0  }
0xd: {  	s14 =	ssub.s32 s21, s9;
	s17 =	sadd.s32 s23, s2;
	s9 =	sor.u32 $0x1C06, s24  }
0xe: {  	s13 =	sshll.u32 s1, $0x4;
	s1 =	sshrl.u32 s1, $0x3;
	s21 =	simm.s32 $0x80  }
0xf: {  	s23 =	simm.s32 $0x5000;
	s24 =	simm.s32 $0x2;
	s8 =	sshrl.u32 s7, $0x3  }
0x10: {  	s25 =	sadd.s32 s5, s13;
	s26 =	sadd.s32 s6, s13;
	[dreg:$0x3] =	wrdreg s1  }
0x11: {  	s31 =	sadd.s32 $0x80, s13;
	s14 =	smax.u32 s14, $0x1;
	s17 =	sshrl.u32 s17, $0x3  }
0x12: {  	s0 =	sadd.s32 s8, s0;
	s8 =	simm.s32 $0x4C;
	[dreg:$0x5] =	wrdreg s25  }
0x13: {  	[dreg:$0x6] =	wrdreg s26;
	s15 =	sadd.s32 s5, s31;
	s8 =	simm.s32 @!p0 $0x4  }
0x14: {  	s16 =	sadd.s32 s6, s31;
	s0 =	sadd.s32 $0x42000, s0;
	s12 =	sadd.s32 $0xFFFFFFFC, s8  }
0x15: {  	s25 =	simm.s32 $0x3;
	[dreg:$0x7] =	wrdreg s0;
	p0 =	seq.s32 s12, $0x0  }
.LBB2_1:
0x16: {  	s0 =	rddreg [dreg:$0x4]  }
0x17: {  	[spmem:s17], [sflag:s9] =	dma.local [hbm:s0], $0x2800  }
0x18: {  	_ =	swait.ge [sflag:s18], $0x2800  }
0x19: {  	[sflag:s18] =	ssyncset.done $0x0  }
0x1a: {  	s10 =	rddreg [dreg:$0x5];
	[sflag:s18] =	ssyncadd.s32 $0xFFFFD800  }
0x1b: {  	[tilespmem:s3], [sflag:$0x1] =	stream.linear.gather [hbm4b:s10+s3], $0x400, $0x38;
	[tilespmem:$0x1D000] =	vst v63  }
0x1c: {  	s11 =	rddreg [dreg:$0x6]  }
0x1d: {  	[tilespmem:s19], [sflag:$0x1] =	stream.linear.gather [hbm4b:s11+s3], $0x400, $0x38;
	[tilespmem:$0x1D000] =	vst v63  }
0x1e: {  	[bflag:$0x0] =	sbarrier.arrive $0xFFFF  }
0x1f: {  	_ =	swait.ge [sflag:s20], $0x400  }
0x20: {  	[sflag:s20] =	ssyncset.done $0x0  }
0x21: {  	[sflag:s20] =	ssyncadd.s32 $0xFFFFFC00  }
0x22: {  	_ =	swait.ge [sflag:s20], $0x400  }
0x23: {  	[sflag:s20] =	ssyncset.done $0x0  }
0x24: {  	s1 =	simm.s32 @!p0 $0x400;
	s0 =	simm.s32 @!p0 $0x0;
	[sflag:s20] =	ssyncadd.s32 $0xFFFFFC00  }
0x25: {  	[tilespmem:s1], [sflag:$0x1] =	stream.linear.gather @!p0 [hbm4b:s15+s0], $0x400, $0x38;
	[tilespmem:$0x1D000] =	vst v63  }
0x26: {  	s1 =	simm.s32 @!p0 $0xC00  }
0x27: {  	[tilespmem:s1], [sflag:$0x1] =	stream.linear.gather @!p0 [hbm4b:s16+s0], $0x400, $0x38;
	[tilespmem:$0x1D000] =	vst v63  }
0x28: {  	_ = 	snop  }
0x29: {  	[tilespmem:s22], [sflag:$0x2] =	stream.indirect.gather [hbm4b:s4+s21], $0x80, s3, s21, $0xb8;
	[tilespmem:$0x1D000] =	vst v63  }
0x2a: {  	_ = 	snop  }
0x2b: {  	[tilespmem:s23], [sflag:$0x3] =	stream.indirect.gather [hbm4b:s4+s21], $0x80, s21, s21, $0xb8;
	[tilespmem:$0x1D000] =	vst v63  }
0x2c: {  	_ =	swait.ge [sflag:s24], $0x4000  }
0x2d: {  	[sflag:s24] =	ssyncset.done $0x0  }
0x2e: {  	p3 =	sne.s32 s8, $0x2;
	[sflag:s24] =	ssyncadd.s32 $0xFFFFC000  }
0x2f: {  	[spmem:s2] =	stream.indirect.scatter.add.f32 [tilespmem:s22], [sflag:$0x4], $0x80, s19, s21, $0xb8;
	[tilespmem:$0x1D000] =	vst v63  }
.Ltmp0:
0x30: {  	_ = 	snop;
	(pc) =	sbr.rel @!p3 .LBB2_2-.Ltmp0, $4  }
0x31: {  	s13 =	simm.s32 $0x880;
	s31 =	simm.s32 $0x100;
	_ =	swait.ge [sflag:s25], $0x4000  }
0x32: {  	s26 =	sand.u32 $0x3, s20;
	p2 =	por $0x0, $0x0;
	[sflag:s25] =	ssyncset.done $0x0  }
0x33: {  	p1 =	sne.s32 s26, $0x0;
	s0 =	simm.s32 $0x2;
	[sflag:s25] =	ssyncadd.s32 $0xFFFFC000  }
0x34: {  	[spmem:s2] =	stream.indirect.scatter.add.f32 [tilespmem:s23], [sflag:$0x5], $0x80, s13, s21, $0xb8;
	[tilespmem:$0x1D000] =	vst v63  }
0x35: {  	s1 =	simm.s32 @p1 $0x4  }
0x36: {  	_ =	swait.ge @p1 [sflag:s1], $0x4000  }
0x37: {  	[sflag:s1] =	ssyncset.done @p1 $0x0  }
0x38: {  	[sflag:s1] =	ssyncadd.s32 @p1 $0xFFFFC000;
	s1 =	simm.s32 @p1 $0x5  }
0x39: {  	_ =	swait.ge @p1 [sflag:s1], $0x4000  }
0x3a: {  	[sflag:s1] =	ssyncset.done @p1 $0x0  }
0x3b: {  	[sflag:s1] =	ssyncadd.s32 @p1 $0xFFFFC000;
	s1 =	simm.s32 @!p1 $0x4  }
0x3c: {  	_ =	swait.ge @!p1 [sflag:s1], $0x4000  }
0x3d: {  	[sflag:s1] =	ssyncset.done @!p1 $0x0  }
0x3e: {  	[sflag:s1] =	ssyncadd.s32 @!p1 $0xFFFFC000;
	s1 =	simm.s32 @!p1 $0x5  }
0x3f: {  	_ =	swait.ge @!p1 [sflag:s1], $0x4000  }
0x40: {  	[sflag:s1] =	ssyncset.done @!p1 $0x0  }
0x41: {  	[sflag:s1] =	ssyncadd.s32 @!p1 $0xFFFFC000;
	s1 =	simm.s32 @!p1 $0x1  }
0x42: {  	_ =	swait.ge @!p1 [sflag:s1], $0x400  }
0x43: {  	[sflag:s1] =	ssyncset.done @!p1 $0x0  }
0x44: {  	[sflag:s1] =	ssyncadd.s32 @!p1 $0xFFFFFC00  }
0x45: {  	p2 =	sle.u32 @!p1 s12, $0x1;
	_ =	swait.ge @!p1 [sflag:s1], $0x400  }
0x46: {  	p2 =	por p2, p1;
	s26 =	rddreg [dreg:$0x3]  }
0x47: {  	s26 =	sadd.s32 @!p2 $0x1, s26  }
0x48: {  	s7 =	simm.s32 @!p2 $0x400;
	s26 =	sshll.u32 @!p2 s26, $0x7  }
0x49: {  	s10 =	simm.s32 @!p2 $0x0;
	[sflag:s1] =	ssyncset.done @!p1 $0x0;
	s26 =	sand.u32 @!p2 $0x1FFFFF80, s26  }
0x4a: {  	s7 =	sand.u32 @!p2 $0x400, s7;
	[sflag:s1] =	ssyncadd.s32 @!p1 $0xFFFFFC00;
	s1 =	sadd.s32 @!p2 s5, s26  }
0x4b: {  	[tilespmem:s7], [sflag:$0x1] =	stream.linear.gather @!p2 [hbm4b:s1+s10], $0x400, $0x38;
	[tilespmem:$0x1D000] =	vst v63  }
0x4c: {  	s1 =	sor.u32 @!p2 $0x800, s7;
	s7 =	sadd.s32 @!p2 s6, s26  }
0x4d: {  	[tilespmem:s1], [sflag:$0x1] =	stream.linear.gather @!p2 [hbm4b:s7+s10], $0x400, $0x38;
	[tilespmem:$0x1D000] =	vst v63  }
0x4e: {  	s7 =	sand.u32 $0x700, s31  }
0x4f: {  	[tilespmem:s22], [sflag:$0x2] =	stream.indirect.gather [hbm4b:s4+s21], $0x80, s7, s21, $0xb8;
	[tilespmem:$0x1D000] =	vst v63  }
0x50: {  	s11 =	sor.u32 $0x80, s7  }
0x51: {  	[tilespmem:s23], [sflag:$0x3] =	stream.indirect.gather [hbm4b:s4+s21], $0x80, s11, s21, $0xb8;
	[tilespmem:$0x1D000] =	vst v63  }
0x52: {  	p3 =	sne.s32 s8, $0x3;
	_ =	swait.ge [sflag:s24], $0x4000  }
.Ltmp1:
0x53: {  	s26 =	sand.u32 $0x3, s0;
	[sflag:s24] =	ssyncset.done $0x0;
	(pc) =	sbr.rel @!p3 .LBB2_5-.Ltmp1, $4  }
0x54: {  	p1 =	sne.s32 s26, $0x0;
	s13 =	sor.u32 $0x800, s7;
	[sflag:s24] =	ssyncadd.s32 $0xFFFFC000  }
0x55: {  	[spmem:s2] =	stream.indirect.scatter.add.f32 [tilespmem:s22], [sflag:$0x4], $0x80, s13, s21, $0xb8;
	[tilespmem:$0x1D000] =	vst v63  }
0x56: {  	s1 =	simm.s32 $0x3;
	s31 =	simm.s32 $0x200;
	_ =	swait.ge [sflag:s25], $0x4000  }
0x57: {  	p2 =	por $0x1, $0x1;
	s26 =	sor.u32 $0x880, s7;
	[sflag:s25] =	ssyncset.done $0x0  }
.LBB2_4:
0x58: {  	s7 =	simm.s32 @p1 $0x4;
	[sflag:s25] =	ssyncadd.s32 $0xFFFFC000  }
0x59: {  	[spmem:s2] =	stream.indirect.scatter.add.f32 [tilespmem:s23], [sflag:$0x5], $0x80, s26, s21, $0xb8;
	[tilespmem:$0x1D000] =	vst v63  }
0x5a: {  	_ =	swait.ge @p1 [sflag:s7], $0x4000  }
0x5b: {  	[sflag:s7] =	ssyncset.done @p1 $0x0  }
0x5c: {  	[sflag:s7] =	ssyncadd.s32 @p1 $0xFFFFC000;
	s7 =	simm.s32 @p1 $0x5  }
0x5d: {  	_ =	swait.ge @p1 [sflag:s7], $0x4000  }
0x5e: {  	[sflag:s7] =	ssyncset.done @p1 $0x0  }
0x5f: {  	[sflag:s7] =	ssyncadd.s32 @p1 $0xFFFFC000;
	s7 =	simm.s32 @!p1 $0x4  }
0x60: {  	_ =	swait.ge @!p1 [sflag:s7], $0x4000  }
0x61: {  	[sflag:s7] =	ssyncset.done @!p1 $0x0  }
0x62: {  	[sflag:s7] =	ssyncadd.s32 @!p1 $0xFFFFC000;
	s7 =	simm.s32 @!p1 $0x5  }
0x63: {  	_ =	swait.ge @!p1 [sflag:s7], $0x4000  }
0x64: {  	[sflag:s7] =	ssyncset.done @!p1 $0x0  }
0x65: {  	[sflag:s7] =	ssyncadd.s32 @!p1 $0xFFFFC000;
	s7 =	simm.s32 @!p1 $0x1  }
0x66: {  	_ =	swait.ge @!p1 [sflag:s7], $0x400  }
0x67: {  	p4 =	sge.u32 @!p1 s0, s12;
	[sflag:s7] =	ssyncset.done @!p1 $0x0  }
0x68: {  	p4 =	por p4, p1;
	[sflag:s7] =	ssyncadd.s32 @!p1 $0xFFFFFC00  }
0x69: {  	s10 =	smov.u32 s1;
	s11 =	sshrl.u32 @!p4 s0, $0x2;
	_ =	swait.ge @!p1 [sflag:s7], $0x400  }
0x6a: {  	s0 =	smov.u32 s10;
	s10 =	sadd.s32 @!p4 $0x1, s11;
	s26 =	rddreg [dreg:$0x3]  }
0x6b: {  	s11 =	sadd.s32 @!p4 s26, s10  }
0x6c: {  	s13 =	simm.s32 @!p4 $0x0;
	s11 =	sshll.u32 @!p4 s11, $0x7  }
0x6d: {  	[sflag:s7] =	ssyncset.done @!p1 $0x0;
	s10 =	sshll.u32 @!p4 s10, $0xA;
	s11 =	sand.u32 @!p4 $0x1FFFFF80, s11  }
0x6e: {  	[sflag:s7] =	ssyncadd.s32 @!p1 $0xFFFFFC00;
	s10 =	sand.u32 @!p4 $0x400, s10;
	s7 =	sadd.s32 @!p4 s5, s11  }
0x6f: {  	[tilespmem:s10], [sflag:$0x1] =	stream.linear.gather @!p4 [hbm4b:s7+s13], $0x400, $0x38;
	[tilespmem:$0x1D000] =	vst v63  }
0x70: {  	s26 =	sor.u32 @!p4 $0x800, s10;
	s7 =	sadd.s32 @!p4 s6, s11  }
0x71: {  	[tilespmem:s26], [sflag:$0x1] =	stream.linear.gather @!p4 [hbm4b:s7+s13], $0x400, $0x38;
	[tilespmem:$0x1D000] =	vst v63  }
0x72: {  	s7 =	sand.u32 $0x700, s31  }
0x73: {  	[tilespmem:s22], [sflag:$0x2] =	stream.indirect.gather [hbm4b:s4+s21], $0x80, s7, s21, $0xb8;
	[tilespmem:$0x1D000] =	vst v63  }
0x74: {  	s1 =	sadd.s32 $0x1, s1;
	s11 =	sor.u32 $0x80, s7  }
0x75: {  	[tilespmem:s23], [sflag:$0x3] =	stream.indirect.gather [hbm4b:s4+s21], $0x80, s11, s21, $0xb8;
	[tilespmem:$0x1D000] =	vst v63  }
0x76: {  	p3 =	sne.s32 s8, s1;
	_ =	swait.ge [sflag:s24], $0x4000  }
.Ltmp2:
0x77: {  	[sflag:s24] =	ssyncset.done $0x0;
	(pc) =	sbr.rel @p3 .LBB2_4-.Ltmp2, $4  }
0x78: {  	s13 =	sor.u32 $0x800, s7;
	[sflag:s24] =	ssyncadd.s32 $0xFFFFC000  }
0x79: {  	[spmem:s2] =	stream.indirect.scatter.add.f32 [tilespmem:s22], [sflag:$0x4], $0x80, s13, s21, $0xb8;
	[tilespmem:$0x1D000] =	vst v63  }
0x7a: {  	s26 =	sand.u32 $0x3, s0;
	s31 =	sadd.s32 $0x100, s31;
	_ =	swait.ge [sflag:s25], $0x4000  }
0x7b: {  	p1 =	sne.s32 s26, $0x0;
	s26 =	sor.u32 $0x880, s7;
	[sflag:s25] =	ssyncset.done $0x0  }
.LBB2_5:
0x7c: {  	s1 =	simm.s32 @p1 $0x4;
	[sflag:s25] =	ssyncadd.s32 @p2 $0xFFFFC000  }
0x7d: {  	[spmem:s2] =	stream.indirect.scatter.add.f32 @p2 [tilespmem:s23], [sflag:$0x5], $0x80, s26, s21, $0xb8;
	[tilespmem:$0x1D000] =	vst v63  }
0x7e: {  	_ =	swait.ge @p1 [sflag:s1], $0x4000  }
0x7f: {  	[sflag:s1] =	ssyncset.done @p1 $0x0  }
0x80: {  	[sflag:s1] =	ssyncadd.s32 @p1 $0xFFFFC000;
	s1 =	simm.s32 @p1 $0x5  }
0x81: {  	_ =	swait.ge @p1 [sflag:s1], $0x4000  }
0x82: {  	[sflag:s1] =	ssyncset.done @p1 $0x0  }
0x83: {  	[sflag:s1] =	ssyncadd.s32 @p1 $0xFFFFC000;
	s1 =	simm.s32 @!p1 $0x4  }
0x84: {  	_ =	swait.ge @!p1 [sflag:s1], $0x4000  }
0x85: {  	[sflag:s1] =	ssyncset.done @!p1 $0x0  }
0x86: {  	[sflag:s1] =	ssyncadd.s32 @!p1 $0xFFFFC000;
	s1 =	simm.s32 @!p1 $0x5  }
0x87: {  	_ =	swait.ge @!p1 [sflag:s1], $0x4000  }
0x88: {  	[sflag:s1] =	ssyncset.done @!p1 $0x0  }
0x89: {  	[sflag:s1] =	ssyncadd.s32 @!p1 $0xFFFFC000;
	s1 =	simm.s32 @!p1 $0x1  }
0x8a: {  	_ =	swait.ge @!p1 [sflag:s1], $0x400  }
0x8b: {  	p2 =	sge.u32 @!p1 s0, s12;
	[sflag:s1] =	ssyncset.done @!p1 $0x0  }
0x8c: {  	p2 =	por p2, p1;
	[sflag:s1] =	ssyncadd.s32 @!p1 $0xFFFFFC00  }
0x8d: {  	s0 =	sshrl.u32 @!p2 s0, $0x2;
	_ =	swait.ge @!p1 [sflag:s1], $0x400  }
0x8e: {  	s0 =	sadd.s32 @!p2 $0x1, s0;
	s7 =	rddreg [dreg:$0x3]  }
0x8f: {  	s7 =	sadd.s32 @!p2 s7, s0  }
0x90: {  	s10 =	simm.s32 @!p2 $0x0;
	s7 =	sshll.u32 @!p2 s7, $0x7  }
0x91: {  	[sflag:s1] =	ssyncset.done @!p1 $0x0;
	s0 =	sshll.u32 @!p2 s0, $0xA;
	s7 =	sand.u32 @!p2 $0x1FFFFF80, s7  }
0x92: {  	[sflag:s1] =	ssyncadd.s32 @!p1 $0xFFFFFC00;
	s0 =	sand.u32 @!p2 $0x400, s0;
	s1 =	sadd.s32 @!p2 s5, s7  }
0x93: {  	[tilespmem:s0], [sflag:$0x1] =	stream.linear.gather @!p2 [hbm4b:s1+s10], $0x400, $0x38;
	[tilespmem:$0x1D000] =	vst v63  }
0x94: {  	s0 =	sor.u32 @!p2 $0x800, s0;
	s1 =	sadd.s32 @!p2 s6, s7  }
0x95: {  	[tilespmem:s0], [sflag:$0x1] =	stream.linear.gather @!p2 [hbm4b:s1+s10], $0x400, $0x38;
	[tilespmem:$0x1D000] =	vst v63  }
0x96: {  	s11 =	sand.u32 $0x700, s31  }
0x97: {  	[tilespmem:s22], [sflag:$0x2] =	stream.indirect.gather [hbm4b:s4+s21], $0x80, s11, s21, $0xb8;
	[tilespmem:$0x1D000] =	vst v63  }
0x98: {  	s13 =	sor.u32 $0x80, s11  }
0x99: {  	[tilespmem:s23], [sflag:$0x3] =	stream.indirect.gather [hbm4b:s4+s21], $0x80, s13, s21, $0xb8;
	[tilespmem:$0x1D000] =	vst v63  }
0x9a: {  	_ =	swait.ge [sflag:s24], $0x4000  }
0x9b: {  	[sflag:s24] =	ssyncset.done $0x0  }
0x9c: {  	s26 =	sor.u32 $0x800, s11;
	[sflag:s24] =	ssyncadd.s32 $0xFFFFC000  }
0x9d: {  	[spmem:s2] =	stream.indirect.scatter.add.f32 [tilespmem:s22], [sflag:$0x4], $0x80, s26, s21, $0xb8;
	[tilespmem:$0x1D000] =	vst v63  }
0x9e: {  	_ =	swait.ge [sflag:s25], $0x4000  }
0x9f: {  	[sflag:s25] =	ssyncset.done $0x0  }
0xa0: {  	s0 =	sor.u32 $0x880, s11;
	[sflag:s25] =	ssyncadd.s32 $0xFFFFC000  }
0xa1: {  	[spmem:s2] =	stream.indirect.scatter.add.f32 [tilespmem:s23], [sflag:$0x5], $0x80, s0, s21, $0xb8;
	[tilespmem:$0x1D000] =	vst v63  }
0xa2: {  	_ =	swait.ge [sflag:s28], $0x4000  }
0xa3: {  	[sflag:s28] =	ssyncset.done $0x0  }
0xa4: {  	[sflag:s28] =	ssyncadd.s32 $0xFFFFC000  }
0xa5: {  	_ =	swait.ge [sflag:s29], $0x4000  }
0xa6: {  	[sflag:s29] =	ssyncset.done $0x0  }
0xa7: {  	[sflag:s29] =	ssyncadd.s32 $0xFFFFC000  }
0xa8: {  	s30 =	sadd.s32 $0x1, s30;
	[bflag:$0x0] =	sbarrier.arrive $0xFFFF  }
0xa9: {  	p1 =	sne.s32 s30, s14;
	s31 =	rddreg [dreg:$0x7]  }
0xaa: {  	[hbm:s31], [sflag:s9] =	dma.local [spmem:s17], $0x2800  }
.Ltmp3:
0xab: {  	_ = 	snop;
	(pc) =	sbr.rel @p1 .LBB2_1-.Ltmp3, $4  }
.Ltmp4:
0xac: {  	_ = 	snop;
	(pc) =	sbr.rel @!p1 .LBB2_6-.Ltmp4, $4  }
0xad: {  	_ =	swait.ge [sflag:s18], $0x2800  }
0xae: {  	[sflag:s18] =	ssyncset.done $0x0  }
0xaf: {  	[sflag:s18] =	ssyncadd.s32 $0xFFFFD800  }
0xb0: {  	_ = 	snop  }
.LBB2_2:
.Ltmp5:
0xb1: {  	(pc) =	sbr.rel .LBB2_5-.Ltmp5, $2  }
0xb2: {  	_ =	sdelay $0x2  }
0xb3: {  	s0 =	simm.s32 $0x1  }
.LBB2_6:
0xb4: {  	_ =	sfence.sel $0x180000  }
0xb5: {  	[bflag:$0x0] =	sbarrier.arrive $0xFFFF  }
0xb6: {  	_ =	strace $0x90000050  }
0xb7: {  	s0 =	stileid.u32;
	[bflag:$0x2] =	sbarrier.arrive $0xFFFF  }
0xb8: {  	p0 =	sne.s32 s0, $0x0;
	s0 =	rddreg [dreg:$0x2]  }
0xb9: {  	s0 =	sadd.s32 @!p0 $0x100000, s0  }
0xba: {  	[sflag:s0] =	ssyncadd.tile.s32 @!p0 $0x1;
	_ =	shalt  }
.Lfunc_end2:
_tile_overlayer_lowered:
.L_overlay_start_2:
0xbb: {  	(tag) =	ssettag $0x2  }
0xbc: {  	s0 =	rddreg [dreg:$0x0];
	s2 =	stileid.u32  }
0xbd: {  	s1 =	rddreg [dreg:$0x1];
	p0 =	sne.s32 s2, $0x0  }
0xbe: {  	s3 =	rddreg [dreg:$0x2];
	[bflag:$0x3] =	sbarrier.arrive $0xFFFF;
	s2 =	simm.s32 @!p0 $0x1C06  }
0xbf: {  	[timem:s3], [sflag:s2] =	dma.local @!p0 [hbm:s0], s1  }
0xc0: {  	s0 =	simm.s32 @!p0 $0x6  }
0xc1: {  	_ =	swait.ge @!p0 [sflag:s0], s1  }
0xc2: {  	s1 =	ssub.s32 @!p0 $0x0, s1;
	[sflag:s0] =	ssyncset.done @!p0 $0x0  }
0xc3: {  	[sflag:s0] =	ssyncadd.s32 @!p0 s1  }
0xc4: {  	[bflag:$0x3] =	sbarrier.arrive $0xFFFF  }
0xc5: {  	_ =	shalt  }

</sc_bundles>
